<compile_context>
chip_gen: v7x
topology: tpu7x:2x2x1
jax: 0.10.2.dev20260603
libtpu: 0.0.44.dev20260713+nightly
codegen_flags: <defaults>
</compile_context>

<pallas_src>
import functools

import jax
import jax.numpy as jnp
from jax import lax
from jax.experimental import pallas as pl
from jax.experimental.pallas import tpu as pltpu
from jax.experimental.pallas import tpu_sc as plsc

NVARS = 512
BATCH = 4096
L = 16
NVEC = NVARS // L


def _build_permute():
    info = plsc.get_sparse_core_info()
    nc, ns = info.num_cores, info.num_subcores
    nw = nc * ns
    rows_per_w = BATCH // nw
    chunk = 64
    n_chunks = rows_per_w // chunk

    mesh = plsc.VectorSubcoreMesh(core_axis_name="c", subcore_axis_name="s")

    @functools.partial(
        pl.kernel,
        mesh=mesh,
        out_type=jax.ShapeDtypeStruct((BATCH, NVARS), jnp.float32),
        compiler_params=pltpu.CompilerParams(needs_layout_passes=False),
        scratch_types=[
            pltpu.VMEM((NVARS,), jnp.int32),
            pltpu.VMEM((chunk, NVARS), jnp.float32),
            pltpu.VMEM((chunk, NVARS), jnp.float32),
            pltpu.VMEM((chunk, NVARS), jnp.float32),
            pltpu.SemaphoreType.DMA,
            pltpu.SemaphoreType.DMA,
            pltpu.SemaphoreType.DMA,
        ],
    )
    def permute(x_hbm, perm_hbm, out_hbm, idx_v, in0, in1, ob,
                idx_sem, in_sem, out_sem):
        wid = lax.axis_index("s") * nc + lax.axis_index("c")
        base = wid * rows_per_w

        idx_h = pltpu.async_copy(perm_hbm, idx_v, idx_sem)
        in_h = [
            pltpu.async_copy(x_hbm.at[pl.ds(base, chunk)], in0, in_sem),
            pltpu.async_copy(x_hbm.at[pl.ds(base + chunk, chunk)], in1,
                             in_sem),
        ]

        idx_h.wait()
        jgroup = 32

        def compute(in_b, out_b):
            for g in range(NVEC // jgroup):
                colsg = [idx_v[pl.ds((g * jgroup + jj) * L, L)]
                         for jj in range(jgroup)]

                @plsc.parallel_loop(0, chunk, 1, unroll=2)
                def _row(r, _colsg=colsg, _g=g):
                    rsplat = jnp.full((L,), r, jnp.int32)
                    for jj in range(jgroup):
                        gv = plsc.load_gather(in_b, [rsplat, _colsg[jj]])
                        out_b[r, pl.ds((_g * jgroup + jj) * L, L)] = gv

        in_h[0].wait()
        compute(in0, ob)
        oh0 = pltpu.async_copy(ob, out_hbm.at[pl.ds(base, chunk)], out_sem)

        in_h[1].wait()
        compute(in1, in0)
        oh1 = pltpu.async_copy(in0, out_hbm.at[pl.ds(base + chunk, chunk)],
                               out_sem)
        oh0.wait()
        oh1.wait()

    return permute


_permute = _build_permute()


def kernel(x, context, perm):
    y = _permute(x, perm.astype(jnp.int32))
    return y, 0

# --- scband reference (transcript-rebuilt; emitter-appended) ---
"""Pipeline reference for scband-perm-15633680957716 (READ-ONLY COPY).

The authoritative reference and input builder live on the scoring server;
editing this copy changes nothing except your own understanding.
"""

import jax, jax.numpy as jnp
import numpy as np

NVARS = 512
BATCH = 4096
CTX_DIM = 64

def setup_inputs(seed: int = 0) -> dict:
    key = jax.random.key(seed)
    k1, k2, k3 = jax.random.split(key, 3)
    x = jax.random.normal(k1, (BATCH, NVARS), dtype=jnp.float32)
    context = jax.random.normal(k2, (BATCH, CTX_DIM), dtype=jnp.float32)
    # fixed random permutation created at module init (torch.randperm(nvars))
    perm = jax.random.permutation(k3, NVARS).astype(jnp.int64)
    return {"x": x, "context": context, "perm": perm}

def reference(x, context, perm):
    # forward: permute columns of x; log-det-jacobian of a permutation is 0
    idx = perm
    y = jnp.take(x, idx, axis=1)
    return (y, 0)

if __name__ == "__main__":
    import jax
    _d = setup_inputs()
    print(jax.jit(kernel)(*tuple(_d.values())))

</pallas_src>

<mosaic_0001>
#map = affine_map<(d0, d1) -> (0, 0)>
#map1 = affine_map<(d0, d1) -> (0)>
module attributes {stable_mosaic.version = 14 : i64} {
  func.func @permute(%arg0: i32, %arg1: i32, %arg2: memref<4096x512xf32, #tpu.memory_space<hbm>>, %arg3: memref<512xi32, #tpu.memory_space<hbm>>, %arg4: memref<4096x512xf32, #tpu.memory_space<hbm>>, %arg5: memref<512xi32, #tpu.memory_space<vmem>>, %arg6: memref<64x512xf32, #tpu.memory_space<vmem>>, %arg7: memref<64x512xf32, #tpu.memory_space<vmem>>, %arg8: memref<64x512xf32, #tpu.memory_space<vmem>>, %arg9: memref<!tpu.dma_semaphore, #tpu.memory_space<semaphore_mem>>, %arg10: memref<!tpu.dma_semaphore, #tpu.memory_space<semaphore_mem>>, %arg11: memref<!tpu.dma_semaphore, #tpu.memory_space<semaphore_mem>>) attributes {dimension_semantics = [#tpu.dimension_semantics<core_parallel>, #tpu.dimension_semantics<subcore_parallel>], iteration_bounds = array<i64: 2, 16>, scalar_prefetch = 0 : i64, scratch_operands = 7 : i64, tpu.core_type = #tpu.core_type<sc_vector_subcore>, window_params = [{transform_indices = #map}, {transform_indices = #map1}, {transform_indices = #map}]} {
    %mul3A = arith.constant 2 : i32
    %mul3A_0 = arith.muli %arg1, %mul3A : i32
    %add3A = arith.addi %mul3A_0, %arg0 : i32
    %mul3A_1 = arith.constant 128 : i32
    %mul3A_2 = arith.muli %add3A, %mul3A_1 : i32
    tpu.enqueue_dma source(%arg3 : memref<512xi32, #tpu.memory_space<hbm>>) target(%arg5 : memref<512xi32, #tpu.memory_space<vmem>>) target_semaphore(%arg9 : memref<!tpu.dma_semaphore, #tpu.memory_space<semaphore_mem>>)
    %dma_start3A = arith.constant 0 : i32
    %dma_start3A_3 = tpu.memref_slice %arg2[%mul3A_2, %dma_start3A] : memref<4096x512xf32, #tpu.memory_space<hbm>> -> memref<64x512xf32, #tpu.memory_space<hbm>>
    %dma_start3A_4 = arith.constant 0 : i32
    %dma_start3A_5 = tpu.memref_slice %arg2[%mul3A_2, %dma_start3A_4] : memref<4096x512xf32, #tpu.memory_space<hbm>> -> memref<64x512xf32, #tpu.memory_space<hbm>>
    tpu.enqueue_dma source(%dma_start3A_5 : memref<64x512xf32, #tpu.memory_space<hbm>>) target(%arg6 : memref<64x512xf32, #tpu.memory_space<vmem>>) target_semaphore(%arg10 : memref<!tpu.dma_semaphore, #tpu.memory_space<semaphore_mem>>)
    %add3A_6 = arith.constant 64 : i32
    %add3A_7 = arith.addi %mul3A_2, %add3A_6 : i32
    %dma_start3A_8 = arith.constant 0 : i32
    %dma_start3A_9 = tpu.memref_slice %arg2[%add3A_7, %dma_start3A_8] : memref<4096x512xf32, #tpu.memory_space<hbm>> -> memref<64x512xf32, #tpu.memory_space<hbm>>
    %dma_start3A_10 = arith.constant 0 : i32
    %dma_start3A_11 = tpu.memref_slice %arg2[%add3A_7, %dma_start3A_10] : memref<4096x512xf32, #tpu.memory_space<hbm>> -> memref<64x512xf32, #tpu.memory_space<hbm>>
    tpu.enqueue_dma source(%dma_start3A_11 : memref<64x512xf32, #tpu.memory_space<hbm>>) target(%arg7 : memref<64x512xf32, #tpu.memory_space<vmem>>) target_semaphore(%arg10 : memref<!tpu.dma_semaphore, #tpu.memory_space<semaphore_mem>>)
    tpu.wait_dma2 semaphore(%arg9 : memref<!tpu.dma_semaphore, #tpu.memory_space<semaphore_mem>>) src(%arg3 : memref<512xi32, #tpu.memory_space<hbm>>) dst(%arg5 : memref<512xi32, #tpu.memory_space<vmem>>)
    %dma_wait3A = arith.constant 0 : i32
    %dma_wait3A_12 = tpu.memref_slice %arg2[%mul3A_2, %dma_wait3A] : memref<4096x512xf32, #tpu.memory_space<hbm>> -> memref<64x512xf32, #tpu.memory_space<hbm>>
    %dma_wait3A_13 = arith.constant 0 : i32
    %dma_wait3A_14 = tpu.memref_slice %arg2[%mul3A_2, %dma_wait3A_13] : memref<4096x512xf32, #tpu.memory_space<hbm>> -> memref<64x512xf32, #tpu.memory_space<hbm>>
    tpu.wait_dma2 semaphore(%arg10 : memref<!tpu.dma_semaphore, #tpu.memory_space<semaphore_mem>>) src(%dma_wait3A_14 : memref<64x512xf32, #tpu.memory_space<hbm>>) dst(%arg6 : memref<64x512xf32, #tpu.memory_space<vmem>>)
    %get3A = arith.constant 0 : index
    %get3A_15 = tpu.vector_load %arg5[%get3A] {strides = array<i32>} : memref<512xi32, #tpu.memory_space<vmem>>, vector<16xi32>,
    %get3A_16 = arith.constant 16 : index
    %get3A_17 = tpu.vector_load %arg5[%get3A_16] {strides = array<i32>} : memref<512xi32, #tpu.memory_space<vmem>>, vector<16xi32>,
    %get3A_18 = arith.constant 32 : index
    %get3A_19 = tpu.vector_load %arg5[%get3A_18] {strides = array<i32>} : memref<512xi32, #tpu.memory_space<vmem>>, vector<16xi32>,
    %get3A_20 = arith.constant 48 : index
    %get3A_21 = tpu.vector_load %arg5[%get3A_20] {strides = array<i32>} : memref<512xi32, #tpu.memory_space<vmem>>, vector<16xi32>,
    %get3A_22 = arith.constant 64 : index
    %get3A_23 = tpu.vector_load %arg5[%get3A_22] {strides = array<i32>} : memref<512xi32, #tpu.memory_space<vmem>>, vector<16xi32>,
    %get3A_24 = arith.constant 80 : index
    %get3A_25 = tpu.vector_load %arg5[%get3A_24] {strides = array<i32>} : memref<512xi32, #tpu.memory_space<vmem>>, vector<16xi32>,
    %get3A_26 = arith.constant 96 : index
    %get3A_27 = tpu.vector_load %arg5[%get3A_26] {strides = array<i32>} : memref<512xi32, #tpu.memory_space<vmem>>, vector<16xi32>,
    %get3A_28 = arith.constant 112 : index
    %get3A_29 = tpu.vector_load %arg5[%get3A_28] {strides = array<i32>} : memref<512xi32, #tpu.memory_space<vmem>>, vector<16xi32>,
    %get3A_30 = arith.constant 128 : index
    %get3A_31 = tpu.vector_load %arg5[%get3A_30] {strides = array<i32>} : memref<512xi32, #tpu.memory_space<vmem>>, vector<16xi32>,
    %get3A_32 = arith.constant 144 : index
    %get3A_33 = tpu.vector_load %arg5[%get3A_32] {strides = array<i32>} : memref<512xi32, #tpu.memory_space<vmem>>, vector<16xi32>,
    %get3A_34 = arith.constant 160 : index
    %get3A_35 = tpu.vector_load %arg5[%get3A_34] {strides = array<i32>} : memref<512xi32, #tpu.memory_space<vmem>>, vector<16xi32>,
    %get3A_36 = arith.constant 176 : index
    %get3A_37 = tpu.vector_load %arg5[%get3A_36] {strides = array<i32>} : memref<512xi32, #tpu.memory_space<vmem>>, vector<16xi32>,
    %get3A_38 = arith.constant 192 : index
    %get3A_39 = tpu.vector_load %arg5[%get3A_38] {strides = array<i32>} : memref<512xi32, #tpu.memory_space<vmem>>, vector<16xi32>,
    %get3A_40 = arith.constant 208 : index
    %get3A_41 = tpu.vector_load %arg5[%get3A_40] {strides = array<i32>} : memref<512xi32, #tpu.memory_space<vmem>>, vector<16xi32>,
    %get3A_42 = arith.constant 224 : index
    %get3A_43 = tpu.vector_load %arg5[%get3A_42] {strides = array<i32>} : memref<512xi32, #tpu.memory_space<vmem>>, vector<16xi32>,
    %get3A_44 = arith.constant 240 : index
    %get3A_45 = tpu.vector_load %arg5[%get3A_44] {strides = array<i32>} : memref<512xi32, #tpu.memory_space<vmem>>, vector<16xi32>,
    %get3A_46 = arith.constant 256 : index
    %get3A_47 = tpu.vector_load %arg5[%get3A_46] {strides = array<i32>} : memref<512xi32, #tpu.memory_space<vmem>>, vector<16xi32>,
    %get3A_48 = arith.constant 272 : index
    %get3A_49 = tpu.vector_load %arg5[%get3A_48] {strides = array<i32>} : memref<512xi32, #tpu.memory_space<vmem>>, vector<16xi32>,
    %get3A_50 = arith.constant 288 : index
    %get3A_51 = tpu.vector_load %arg5[%get3A_50] {strides = array<i32>} : memref<512xi32, #tpu.memory_space<vmem>>, vector<16xi32>,
    %get3A_52 = arith.constant 304 : index
    %get3A_53 = tpu.vector_load %arg5[%get3A_52] {strides = array<i32>} : memref<512xi32, #tpu.memory_space<vmem>>, vector<16xi32>,
    %get3A_54 = arith.constant 320 : index
    %get3A_55 = tpu.vector_load %arg5[%get3A_54] {strides = array<i32>} : memref<512xi32, #tpu.memory_space<vmem>>, vector<16xi32>,
    %get3A_56 = arith.constant 336 : index
    %get3A_57 = tpu.vector_load %arg5[%get3A_56] {strides = array<i32>} : memref<512xi32, #tpu.memory_space<vmem>>, vector<16xi32>,
    %get3A_58 = arith.constant 352 : index
    %get3A_59 = tpu.vector_load %arg5[%get3A_58] {strides = array<i32>} : memref<512xi32, #tpu.memory_space<vmem>>, vector<16xi32>,
    %get3A_60 = arith.constant 368 : index
    %get3A_61 = tpu.vector_load %arg5[%get3A_60] {strides = array<i32>} : memref<512xi32, #tpu.memory_space<vmem>>, vector<16xi32>,
    %get3A_62 = arith.constant 384 : index
    %get3A_63 = tpu.vector_load %arg5[%get3A_62] {strides = array<i32>} : memref<512xi32, #tpu.memory_space<vmem>>, vector<16xi32>,
    %get3A_64 = arith.constant 400 : index
    %get3A_65 = tpu.vector_load %arg5[%get3A_64] {strides = array<i32>} : memref<512xi32, #tpu.memory_space<vmem>>, vector<16xi32>,
    %get3A_66 = arith.constant 416 : index
    %get3A_67 = tpu.vector_load %arg5[%get3A_66] {strides = array<i32>} : memref<512xi32, #tpu.memory_space<vmem>>, vector<16xi32>,
    %get3A_68 = arith.constant 432 : index
    %get3A_69 = tpu.vector_load %arg5[%get3A_68] {strides = array<i32>} : memref<512xi32, #tpu.memory_space<vmem>>, vector<16xi32>,
    %get3A_70 = arith.constant 448 : index
    %get3A_71 = tpu.vector_load %arg5[%get3A_70] {strides = array<i32>} : memref<512xi32, #tpu.memory_space<vmem>>, vector<16xi32>,
    %get3A_72 = arith.constant 464 : index
    %get3A_73 = tpu.vector_load %arg5[%get3A_72] {strides = array<i32>} : memref<512xi32, #tpu.memory_space<vmem>>, vector<16xi32>,
    %get3A_74 = arith.constant 480 : index
    %get3A_75 = tpu.vector_load %arg5[%get3A_74] {strides = array<i32>} : memref<512xi32, #tpu.memory_space<vmem>>, vector<16xi32>,
    %get3A_76 = arith.constant 496 : index
    %get3A_77 = tpu.vector_load %arg5[%get3A_76] {strides = array<i32>} : memref<512xi32, #tpu.memory_space<vmem>>, vector<16xi32>,
    %parallel_loop3A = arith.constant 0 : i32
    %parallel_loop3A_78 = arith.constant 64 : i32
    %parallel_loop3A_79 = arith.constant 1 : i32
    scf.for %parallel_loop3A_169 = %parallel_loop3A to %parallel_loop3A_78 step %parallel_loop3A_79  : i32 {
      %parallel_loop3A_170 = vector.broadcast %parallel_loop3A_169 : i32 to vector<16xi32>
      %parallel_loop3A_171 = tpu.vector_load_idx %arg6[%parallel_loop3A_170, %get3A_15] : memref<64x512xf32, #tpu.memory_space<vmem>>[vector<16xi32>, vector<16xi32>], vector<16xf32>,
      %parallel_loop3A_172 = arith.index_cast %parallel_loop3A_169 : i32 to index
      %parallel_loop3A_173 = arith.constant 0 : index
      %parallel_loop3A_174 = tpu.vector_load %arg8[%parallel_loop3A_172, %parallel_loop3A_173] {strides = array<i32>} : memref<64x512xf32, #tpu.memory_space<vmem>>, vector<16xf32>,
      tpu.vector_store %arg8[%parallel_loop3A_172, %parallel_loop3A_173], %parallel_loop3A_171 {strides = array<i32>} : memref<64x512xf32, #tpu.memory_space<vmem>>, vector<16xf32>,
      %parallel_loop3A_175 = tpu.vector_load_idx %arg6[%parallel_loop3A_170, %get3A_17] : memref<64x512xf32, #tpu.memory_space<vmem>>[vector<16xi32>, vector<16xi32>], vector<16xf32>,
      %parallel_loop3A_176 = arith.index_cast %parallel_loop3A_169 : i32 to index
      %parallel_loop3A_177 = arith.constant 16 : index
      %parallel_loop3A_178 = tpu.vector_load %arg8[%parallel_loop3A_176, %parallel_loop3A_177] {strides = array<i32>} : memref<64x512xf32, #tpu.memory_space<vmem>>, vector<16xf32>,
      tpu.vector_store %arg8[%parallel_loop3A_176, %parallel_loop3A_177], %parallel_loop3A_175 {strides = array<i32>} : memref<64x512xf32, #tpu.memory_space<vmem>>, vector<16xf32>,
      %parallel_loop3A_179 = tpu.vector_load_idx %arg6[%parallel_loop3A_170, %get3A_19] : memref<64x512xf32, #tpu.memory_space<vmem>>[vector<16xi32>, vector<16xi32>], vector<16xf32>,
      %parallel_loop3A_180 = arith.index_cast %parallel_loop3A_169 : i32 to index
      %parallel_loop3A_181 = arith.constant 32 : index
      %parallel_loop3A_182 = tpu.vector_load %arg8[%parallel_loop3A_180, %parallel_loop3A_181] {strides = array<i32>} : memref<64x512xf32, #tpu.memory_space<vmem>>, vector<16xf32>,
      tpu.vector_store %arg8[%parallel_loop3A_180, %parallel_loop3A_181], %parallel_loop3A_179 {strides = array<i32>} : memref<64x512xf32, #tpu.memory_space<vmem>>, vector<16xf32>,
      %parallel_loop3A_183 = tpu.vector_load_idx %arg6[%parallel_loop3A_170, %get3A_21] : memref<64x512xf32, #tpu.memory_space<vmem>>[vector<16xi32>, vector<16xi32>], vector<16xf32>,
      %parallel_loop3A_184 = arith.index_cast %parallel_loop3A_169 : i32 to index
      %parallel_loop3A_185 = arith.constant 48 : index
      %parallel_loop3A_186 = tpu.vector_load %arg8[%parallel_loop3A_184, %parallel_loop3A_185] {strides = array<i32>} : memref<64x512xf32, #tpu.memory_space<vmem>>, vector<16xf32>,
      tpu.vector_store %arg8[%parallel_loop3A_184, %parallel_loop3A_185], %parallel_loop3A_183 {strides = array<i32>} : memref<64x512xf32, #tpu.memory_space<vmem>>, vector<16xf32>,
      %parallel_loop3A_187 = tpu.vector_load_idx %arg6[%parallel_loop3A_170, %get3A_23] : memref<64x512xf32, #tpu.memory_space<vmem>>[vector<16xi32>, vector<16xi32>], vector<16xf32>,
      %parallel_loop3A_188 = arith.index_cast %parallel_loop3A_169 : i32 to index
      %parallel_loop3A_189 = arith.constant 64 : index
      %parallel_loop3A_190 = tpu.vector_load %arg8[%parallel_loop3A_188, %parallel_loop3A_189] {strides = array<i32>} : memref<64x512xf32, #tpu.memory_space<vmem>>, vector<16xf32>,
      tpu.vector_store %arg8[%parallel_loop3A_188, %parallel_loop3A_189], %parallel_loop3A_187 {strides = array<i32>} : memref<64x512xf32, #tpu.memory_space<vmem>>, vector<16xf32>,
      %parallel_loop3A_191 = tpu.vector_load_idx %arg6[%parallel_loop3A_170, %get3A_25] : memref<64x512xf32, #tpu.memory_space<vmem>>[vector<16xi32>, vector<16xi32>], vector<16xf32>,
      %parallel_loop3A_192 = arith.index_cast %parallel_loop3A_169 : i32 to index
      %parallel_loop3A_193 = arith.constant 80 : index
      %parallel_loop3A_194 = tpu.vector_load %arg8[%parallel_loop3A_192, %parallel_loop3A_193] {strides = array<i32>} : memref<64x512xf32, #tpu.memory_space<vmem>>, vector<16xf32>,
      tpu.vector_store %arg8[%parallel_loop3A_192, %parallel_loop3A_193], %parallel_loop3A_191 {strides = array<i32>} : memref<64x512xf32, #tpu.memory_space<vmem>>, vector<16xf32>,
      %parallel_loop3A_195 = tpu.vector_load_idx %arg6[%parallel_loop3A_170, %get3A_27] : memref<64x512xf32, #tpu.memory_space<vmem>>[vector<16xi32>, vector<16xi32>], vector<16xf32>,
      %parallel_loop3A_196 = arith.index_cast %parallel_loop3A_169 : i32 to index
      %parallel_loop3A_197 = arith.constant 96 : index
      %parallel_loop3A_198 = tpu.vector_load %arg8[%parallel_loop3A_196, %parallel_loop3A_197] {strides = array<i32>} : memref<64x512xf32, #tpu.memory_space<vmem>>, vector<16xf32>,
      tpu.vector_store %arg8[%parallel_loop3A_196, %parallel_loop3A_197], %parallel_loop3A_195 {strides = array<i32>} : memref<64x512xf32, #tpu.memory_space<vmem>>, vector<16xf32>,
      %parallel_loop3A_199 = tpu.vector_load_idx %arg6[%parallel_loop3A_170, %get3A_29] : memref<64x512xf32, #tpu.memory_space<vmem>>[vector<16xi32>, vector<16xi32>], vector<16xf32>,
      %parallel_loop3A_200 = arith.index_cast %parallel_loop3A_169 : i32 to index
      %parallel_loop3A_201 = arith.constant 112 : index
      %parallel_loop3A_202 = tpu.vector_load %arg8[%parallel_loop3A_200, %parallel_loop3A_201] {strides = array<i32>} : memref<64x512xf32, #tpu.memory_space<vmem>>, vector<16xf32>,
      tpu.vector_store %arg8[%parallel_loop3A_200, %parallel_loop3A_201], %parallel_loop3A_199 {strides = array<i32>} : memref<64x512xf32, #tpu.memory_space<vmem>>, vector<16xf32>,
      %parallel_loop3A_203 = tpu.vector_load_idx %arg6[%parallel_loop3A_170, %get3A_31] : memref<64x512xf32, #tpu.memory_space<vmem>>[vector<16xi32>, vector<16xi32>], vector<16xf32>,
      %parallel_loop3A_204 = arith.index_cast %parallel_loop3A_169 : i32 to index
      %parallel_loop3A_205 = arith.constant 128 : index
      %parallel_loop3A_206 = tpu.vector_load %arg8[%parallel_loop3A_204, %parallel_loop3A_205] {strides = array<i32>} : memref<64x512xf32, #tpu.memory_space<vmem>>, vector<16xf32>,
      tpu.vector_store %arg8[%parallel_loop3A_204, %parallel_loop3A_205], %parallel_loop3A_203 {strides = array<i32>} : memref<64x512xf32, #tpu.memory_space<vmem>>, vector<16xf32>,
      %parallel_loop3A_207 = tpu.vector_load_idx %arg6[%parallel_loop3A_170, %get3A_33] : memref<64x512xf32, #tpu.memory_space<vmem>>[vector<16xi32>, vector<16xi32>], vector<16xf32>,
      %parallel_loop3A_208 = arith.index_cast %parallel_loop3A_169 : i32 to index
      %parallel_loop3A_209 = arith.constant 144 : index
      %parallel_loop3A_210 = tpu.vector_load %arg8[%parallel_loop3A_208, %parallel_loop3A_209] {strides = array<i32>} : memref<64x512xf32, #tpu.memory_space<vmem>>, vector<16xf32>,
      tpu.vector_store %arg8[%parallel_loop3A_208, %parallel_loop3A_209], %parallel_loop3A_207 {strides = array<i32>} : memref<64x512xf32, #tpu.memory_space<vmem>>, vector<16xf32>,
      %parallel_loop3A_211 = tpu.vector_load_idx %arg6[%parallel_loop3A_170, %get3A_35] : memref<64x512xf32, #tpu.memory_space<vmem>>[vector<16xi32>, vector<16xi32>], vector<16xf32>,
      %parallel_loop3A_212 = arith.index_cast %parallel_loop3A_169 : i32 to index
      %parallel_loop3A_213 = arith.constant 160 : index
      %parallel_loop3A_214 = tpu.vector_load %arg8[%parallel_loop3A_212, %parallel_loop3A_213] {strides = array<i32>} : memref<64x512xf32, #tpu.memory_space<vmem>>, vector<16xf32>,
      tpu.vector_store %arg8[%parallel_loop3A_212, %parallel_loop3A_213], %parallel_loop3A_211 {strides = array<i32>} : memref<64x512xf32, #tpu.memory_space<vmem>>, vector<16xf32>,
      %parallel_loop3A_215 = tpu.vector_load_idx %arg6[%parallel_loop3A_170, %get3A_37] : memref<64x512xf32, #tpu.memory_space<vmem>>[vector<16xi32>, vector<16xi32>], vector<16xf32>,
      %parallel_loop3A_216 = arith.index_cast %parallel_loop3A_169 : i32 to index
      %parallel_loop3A_217 = arith.constant 176 : index
      %parallel_loop3A_218 = tpu.vector_load %arg8[%parallel_loop3A_216, %parallel_loop3A_217] {strides = array<i32>} : memref<64x512xf32, #tpu.memory_space<vmem>>, vector<16xf32>,
      tpu.vector_store %arg8[%parallel_loop3A_216, %parallel_loop3A_217], %parallel_loop3A_215 {strides = array<i32>} : memref<64x512xf32, #tpu.memory_space<vmem>>, vector<16xf32>,
      %parallel_loop3A_219 = tpu.vector_load_idx %arg6[%parallel_loop3A_170, %get3A_39] : memref<64x512xf32, #tpu.memory_space<vmem>>[vector<16xi32>, vector<16xi32>], vector<16xf32>,
      %parallel_loop3A_220 = arith.index_cast %parallel_loop3A_169 : i32 to index
      %parallel_loop3A_221 = arith.constant 192 : index
      %parallel_loop3A_222 = tpu.vector_load %arg8[%parallel_loop3A_220, %parallel_loop3A_221] {strides = array<i32>} : memref<64x512xf32, #tpu.memory_space<vmem>>, vector<16xf32>,
      tpu.vector_store %arg8[%parallel_loop3A_220, %parallel_loop3A_221], %parallel_loop3A_219 {strides = array<i32>} : memref<64x512xf32, #tpu.memory_space<vmem>>, vector<16xf32>,
      %parallel_loop3A_223 = tpu.vector_load_idx %arg6[%parallel_loop3A_170, %get3A_41] : memref<64x512xf32, #tpu.memory_space<vmem>>[vector<16xi32>, vector<16xi32>], vector<16xf32>,
      %parallel_loop3A_224 = arith.index_cast %parallel_loop3A_169 : i32 to index
      %parallel_loop3A_225 = arith.constant 208 : index
      %parallel_loop3A_226 = tpu.vector_load %arg8[%parallel_loop3A_224, %parallel_loop3A_225] {strides = array<i32>} : memref<64x512xf32, #tpu.memory_space<vmem>>, vector<16xf32>,
      tpu.vector_store %arg8[%parallel_loop3A_224, %parallel_loop3A_225], %parallel_loop3A_223 {strides = array<i32>} : memref<64x512xf32, #tpu.memory_space<vmem>>, vector<16xf32>,
      %parallel_loop3A_227 = tpu.vector_load_idx %arg6[%parallel_loop3A_170, %get3A_43] : memref<64x512xf32, #tpu.memory_space<vmem>>[vector<16xi32>, vector<16xi32>], vector<16xf32>,
      %parallel_loop3A_228 = arith.index_cast %parallel_loop3A_169 : i32 to index
      %parallel_loop3A_229 = arith.constant 224 : index
      %parallel_loop3A_230 = tpu.vector_load %arg8[%parallel_loop3A_228, %parallel_loop3A_229] {strides = array<i32>} : memref<64x512xf32, #tpu.memory_space<vmem>>, vector<16xf32>,
      tpu.vector_store %arg8[%parallel_loop3A_228, %parallel_loop3A_229], %parallel_loop3A_227 {strides = array<i32>} : memref<64x512xf32, #tpu.memory_space<vmem>>, vector<16xf32>,
      %parallel_loop3A_231 = tpu.vector_load_idx %arg6[%parallel_loop3A_170, %get3A_45] : memref<64x512xf32, #tpu.memory_space<vmem>>[vector<16xi32>, vector<16xi32>], vector<16xf32>,
      %parallel_loop3A_232 = arith.index_cast %parallel_loop3A_169 : i32 to index
      %parallel_loop3A_233 = arith.constant 240 : index
      %parallel_loop3A_234 = tpu.vector_load %arg8[%parallel_loop3A_232, %parallel_loop3A_233] {strides = array<i32>} : memref<64x512xf32, #tpu.memory_space<vmem>>, vector<16xf32>,
      tpu.vector_store %arg8[%parallel_loop3A_232, %parallel_loop3A_233], %parallel_loop3A_231 {strides = array<i32>} : memref<64x512xf32, #tpu.memory_space<vmem>>, vector<16xf32>,
      %parallel_loop3A_235 = tpu.vector_load_idx %arg6[%parallel_loop3A_170, %get3A_47] : memref<64x512xf32, #tpu.memory_space<vmem>>[vector<16xi32>, vector<16xi32>], vector<16xf32>,
      %parallel_loop3A_236 = arith.index_cast %parallel_loop3A_169 : i32 to index
      %parallel_loop3A_237 = arith.constant 256 : index
      %parallel_loop3A_238 = tpu.vector_load %arg8[%parallel_loop3A_236, %parallel_loop3A_237] {strides = array<i32>} : memref<64x512xf32, #tpu.memory_space<vmem>>, vector<16xf32>,
      tpu.vector_store %arg8[%parallel_loop3A_236, %parallel_loop3A_237], %parallel_loop3A_235 {strides = array<i32>} : memref<64x512xf32, #tpu.memory_space<vmem>>, vector<16xf32>,
      %parallel_loop3A_239 = tpu.vector_load_idx %arg6[%parallel_loop3A_170, %get3A_49] : memref<64x512xf32, #tpu.memory_space<vmem>>[vector<16xi32>, vector<16xi32>], vector<16xf32>,
      %parallel_loop3A_240 = arith.index_cast %parallel_loop3A_169 : i32 to index
      %parallel_loop3A_241 = arith.constant 272 : index
      %parallel_loop3A_242 = tpu.vector_load %arg8[%parallel_loop3A_240, %parallel_loop3A_241] {strides = array<i32>} : memref<64x512xf32, #tpu.memory_space<vmem>>, vector<16xf32>,
      tpu.vector_store %arg8[%parallel_loop3A_240, %parallel_loop3A_241], %parallel_loop3A_239 {strides = array<i32>} : memref<64x512xf32, #tpu.memory_space<vmem>>, vector<16xf32>,
      %parallel_loop3A_243 = tpu.vector_load_idx %arg6[%parallel_loop3A_170, %get3A_51] : memref<64x512xf32, #tpu.memory_space<vmem>>[vector<16xi32>, vector<16xi32>], vector<16xf32>,
      %parallel_loop3A_244 = arith.index_cast %parallel_loop3A_169 : i32 to index
      %parallel_loop3A_245 = arith.constant 288 : index
      %parallel_loop3A_246 = tpu.vector_load %arg8[%parallel_loop3A_244, %parallel_loop3A_245] {strides = array<i32>} : memref<64x512xf32, #tpu.memory_space<vmem>>, vector<16xf32>,
      tpu.vector_store %arg8[%parallel_loop3A_244, %parallel_loop3A_245], %parallel_loop3A_243 {strides = array<i32>} : memref<64x512xf32, #tpu.memory_space<vmem>>, vector<16xf32>,
      %parallel_loop3A_247 = tpu.vector_load_idx %arg6[%parallel_loop3A_170, %get3A_53] : memref<64x512xf32, #tpu.memory_space<vmem>>[vector<16xi32>, vector<16xi32>], vector<16xf32>,
      %parallel_loop3A_248 = arith.index_cast %parallel_loop3A_169 : i32 to index
      %parallel_loop3A_249 = arith.constant 304 : index
      %parallel_loop3A_250 = tpu.vector_load %arg8[%parallel_loop3A_248, %parallel_loop3A_249] {strides = array<i32>} : memref<64x512xf32, #tpu.memory_space<vmem>>, vector<16xf32>,
      tpu.vector_store %arg8[%parallel_loop3A_248, %parallel_loop3A_249], %parallel_loop3A_247 {strides = array<i32>} : memref<64x512xf32, #tpu.memory_space<vmem>>, vector<16xf32>,
      %parallel_loop3A_251 = tpu.vector_load_idx %arg6[%parallel_loop3A_170, %get3A_55] : memref<64x512xf32, #tpu.memory_space<vmem>>[vector<16xi32>, vector<16xi32>], vector<16xf32>,
      %parallel_loop3A_252 = arith.index_cast %parallel_loop3A_169 : i32 to index
      %parallel_loop3A_253 = arith.constant 320 : index
      %parallel_loop3A_254 = tpu.vector_load %arg8[%parallel_loop3A_252, %parallel_loop3A_253] {strides = array<i32>} : memref<64x512xf32, #tpu.memory_space<vmem>>, vector<16xf32>,
      tpu.vector_store %arg8[%parallel_loop3A_252, %parallel_loop3A_253], %parallel_loop3A_251 {strides = array<i32>} : memref<64x512xf32, #tpu.memory_space<vmem>>, vector<16xf32>,
      %parallel_loop3A_255 = tpu.vector_load_idx %arg6[%parallel_loop3A_170, %get3A_57] : memref<64x512xf32, #tpu.memory_space<vmem>>[vector<16xi32>, vector<16xi32>], vector<16xf32>,
      %parallel_loop3A_256 = arith.index_cast %parallel_loop3A_169 : i32 to index
      %parallel_loop3A_257 = arith.constant 336 : index
      %parallel_loop3A_258 = tpu.vector_load %arg8[%parallel_loop3A_256, %parallel_loop3A_257] {strides = array<i32>} : memref<64x512xf32, #tpu.memory_space<vmem>>, vector<16xf32>,
      tpu.vector_store %arg8[%parallel_loop3A_256, %parallel_loop3A_257], %parallel_loop3A_255 {strides = array<i32>} : memref<64x512xf32, #tpu.memory_space<vmem>>, vector<16xf32>,
      %parallel_loop3A_259 = tpu.vector_load_idx %arg6[%parallel_loop3A_170, %get3A_59] : memref<64x512xf32, #tpu.memory_space<vmem>>[vector<16xi32>, vector<16xi32>], vector<16xf32>,
      %parallel_loop3A_260 = arith.index_cast %parallel_loop3A_169 : i32 to index
      %parallel_loop3A_261 = arith.constant 352 : index
      %parallel_loop3A_262 = tpu.vector_load %arg8[%parallel_loop3A_260, %parallel_loop3A_261] {strides = array<i32>} : memref<64x512xf32, #tpu.memory_space<vmem>>, vector<16xf32>,
      tpu.vector_store %arg8[%parallel_loop3A_260, %parallel_loop3A_261], %parallel_loop3A_259 {strides = array<i32>} : memref<64x512xf32, #tpu.memory_space<vmem>>, vector<16xf32>,
      %parallel_loop3A_263 = tpu.vector_load_idx %arg6[%parallel_loop3A_170, %get3A_61] : memref<64x512xf32, #tpu.memory_space<vmem>>[vector<16xi32>, vector<16xi32>], vector<16xf32>,
      %parallel_loop3A_264 = arith.index_cast %parallel_loop3A_169 : i32 to index
      %parallel_loop3A_265 = arith.constant 368 : index
      %parallel_loop3A_266 = tpu.vector_load %arg8[%parallel_loop3A_264, %parallel_loop3A_265] {strides = array<i32>} : memref<64x512xf32, #tpu.memory_space<vmem>>, vector<16xf32>,
      tpu.vector_store %arg8[%parallel_loop3A_264, %parallel_loop3A_265], %parallel_loop3A_263 {strides = array<i32>} : memref<64x512xf32, #tpu.memory_space<vmem>>, vector<16xf32>,
      %parallel_loop3A_267 = tpu.vector_load_idx %arg6[%parallel_loop3A_170, %get3A_63] : memref<64x512xf32, #tpu.memory_space<vmem>>[vector<16xi32>, vector<16xi32>], vector<16xf32>,
      %parallel_loop3A_268 = arith.index_cast %parallel_loop3A_169 : i32 to index
      %parallel_loop3A_269 = arith.constant 384 : index
      %parallel_loop3A_270 = tpu.vector_load %arg8[%parallel_loop3A_268, %parallel_loop3A_269] {strides = array<i32>} : memref<64x512xf32, #tpu.memory_space<vmem>>, vector<16xf32>,
      tpu.vector_store %arg8[%parallel_loop3A_268, %parallel_loop3A_269], %parallel_loop3A_267 {strides = array<i32>} : memref<64x512xf32, #tpu.memory_space<vmem>>, vector<16xf32>,
      %parallel_loop3A_271 = tpu.vector_load_idx %arg6[%parallel_loop3A_170, %get3A_65] : memref<64x512xf32, #tpu.memory_space<vmem>>[vector<16xi32>, vector<16xi32>], vector<16xf32>,
      %parallel_loop3A_272 = arith.index_cast %parallel_loop3A_169 : i32 to index
      %parallel_loop3A_273 = arith.constant 400 : index
      %parallel_loop3A_274 = tpu.vector_load %arg8[%parallel_loop3A_272, %parallel_loop3A_273] {strides = array<i32>} : memref<64x512xf32, #tpu.memory_space<vmem>>, vector<16xf32>,
      tpu.vector_store %arg8[%parallel_loop3A_272, %parallel_loop3A_273], %parallel_loop3A_271 {strides = array<i32>} : memref<64x512xf32, #tpu.memory_space<vmem>>, vector<16xf32>,
      %parallel_loop3A_275 = tpu.vector_load_idx %arg6[%parallel_loop3A_170, %get3A_67] : memref<64x512xf32, #tpu.memory_space<vmem>>[vector<16xi32>, vector<16xi32>], vector<16xf32>,
      %parallel_loop3A_276 = arith.index_cast %parallel_loop3A_169 : i32 to index
      %parallel_loop3A_277 = arith.constant 416 : index
      %parallel_loop3A_278 = tpu.vector_load %arg8[%parallel_loop3A_276, %parallel_loop3A_277] {strides = array<i32>} : memref<64x512xf32, #tpu.memory_space<vmem>>, vector<16xf32>,
      tpu.vector_store %arg8[%parallel_loop3A_276, %parallel_loop3A_277], %parallel_loop3A_275 {strides = array<i32>} : memref<64x512xf32, #tpu.memory_space<vmem>>, vector<16xf32>,
      %parallel_loop3A_279 = tpu.vector_load_idx %arg6[%parallel_loop3A_170, %get3A_69] : memref<64x512xf32, #tpu.memory_space<vmem>>[vector<16xi32>, vector<16xi32>], vector<16xf32>,
      %parallel_loop3A_280 = arith.index_cast %parallel_loop3A_169 : i32 to index
      %parallel_loop3A_281 = arith.constant 432 : index
      %parallel_loop3A_282 = tpu.vector_load %arg8[%parallel_loop3A_280, %parallel_loop3A_281] {strides = array<i32>} : memref<64x512xf32, #tpu.memory_space<vmem>>, vector<16xf32>,
      tpu.vector_store %arg8[%parallel_loop3A_280, %parallel_loop3A_281], %parallel_loop3A_279 {strides = array<i32>} : memref<64x512xf32, #tpu.memory_space<vmem>>, vector<16xf32>,
      %parallel_loop3A_283 = tpu.vector_load_idx %arg6[%parallel_loop3A_170, %get3A_71] : memref<64x512xf32, #tpu.memory_space<vmem>>[vector<16xi32>, vector<16xi32>], vector<16xf32>,
      %parallel_loop3A_284 = arith.index_cast %parallel_loop3A_169 : i32 to index
      %parallel_loop3A_285 = arith.constant 448 : index
      %parallel_loop3A_286 = tpu.vector_load %arg8[%parallel_loop3A_284, %parallel_loop3A_285] {strides = array<i32>} : memref<64x512xf32, #tpu.memory_space<vmem>>, vector<16xf32>,
      tpu.vector_store %arg8[%parallel_loop3A_284, %parallel_loop3A_285], %parallel_loop3A_283 {strides = array<i32>} : memref<64x512xf32, #tpu.memory_space<vmem>>, vector<16xf32>,
      %parallel_loop3A_287 = tpu.vector_load_idx %arg6[%parallel_loop3A_170, %get3A_73] : memref<64x512xf32, #tpu.memory_space<vmem>>[vector<16xi32>, vector<16xi32>], vector<16xf32>,
      %parallel_loop3A_288 = arith.index_cast %parallel_loop3A_169 : i32 to index
      %parallel_loop3A_289 = arith.constant 464 : index
      %parallel_loop3A_290 = tpu.vector_load %arg8[%parallel_loop3A_288, %parallel_loop3A_289] {strides = array<i32>} : memref<64x512xf32, #tpu.memory_space<vmem>>, vector<16xf32>,
      tpu.vector_store %arg8[%parallel_loop3A_288, %parallel_loop3A_289], %parallel_loop3A_287 {strides = array<i32>} : memref<64x512xf32, #tpu.memory_space<vmem>>, vector<16xf32>,
      %parallel_loop3A_291 = tpu.vector_load_idx %arg6[%parallel_loop3A_170, %get3A_75] : memref<64x512xf32, #tpu.memory_space<vmem>>[vector<16xi32>, vector<16xi32>], vector<16xf32>,
      %parallel_loop3A_292 = arith.index_cast %parallel_loop3A_169 : i32 to index
      %parallel_loop3A_293 = arith.constant 480 : index
      %parallel_loop3A_294 = tpu.vector_load %arg8[%parallel_loop3A_292, %parallel_loop3A_293] {strides = array<i32>} : memref<64x512xf32, #tpu.memory_space<vmem>>, vector<16xf32>,
      tpu.vector_store %arg8[%parallel_loop3A_292, %parallel_loop3A_293], %parallel_loop3A_291 {strides = array<i32>} : memref<64x512xf32, #tpu.memory_space<vmem>>, vector<16xf32>,
      %parallel_loop3A_295 = tpu.vector_load_idx %arg6[%parallel_loop3A_170, %get3A_77] : memref<64x512xf32, #tpu.memory_space<vmem>>[vector<16xi32>, vector<16xi32>], vector<16xf32>,
      %parallel_loop3A_296 = arith.index_cast %parallel_loop3A_169 : i32 to index
      %parallel_loop3A_297 = arith.constant 496 : index
      %parallel_loop3A_298 = tpu.vector_load %arg8[%parallel_loop3A_296, %parallel_loop3A_297] {strides = array<i32>} : memref<64x512xf32, #tpu.memory_space<vmem>>, vector<16xf32>,
      tpu.vector_store %arg8[%parallel_loop3A_296, %parallel_loop3A_297], %parallel_loop3A_295 {strides = array<i32>} : memref<64x512xf32, #tpu.memory_space<vmem>>, vector<16xf32>,
    } {sc.loop_unroll_factor = 2 : i64, sc.parallel_access}
    %dma_start3A_80 = arith.constant 0 : i32
    %dma_start3A_81 = tpu.memref_slice %arg4[%mul3A_2, %dma_start3A_80] : memref<4096x512xf32, #tpu.memory_space<hbm>> -> memref<64x512xf32, #tpu.memory_space<hbm>>
    %dma_start3A_82 = arith.constant 0 : i32
    %dma_start3A_83 = tpu.memref_slice %arg4[%mul3A_2, %dma_start3A_82] : memref<4096x512xf32, #tpu.memory_space<hbm>> -> memref<64x512xf32, #tpu.memory_space<hbm>>
    tpu.enqueue_dma source(%arg8 : memref<64x512xf32, #tpu.memory_space<vmem>>) target(%dma_start3A_83 : memref<64x512xf32, #tpu.memory_space<hbm>>) target_semaphore(%arg11 : memref<!tpu.dma_semaphore, #tpu.memory_space<semaphore_mem>>)
    %dma_wait3A_84 = arith.constant 0 : i32
    %dma_wait3A_85 = tpu.memref_slice %arg2[%add3A_7, %dma_wait3A_84] : memref<4096x512xf32, #tpu.memory_space<hbm>> -> memref<64x512xf32, #tpu.memory_space<hbm>>
    %dma_wait3A_86 = arith.constant 0 : i32
    %dma_wait3A_87 = tpu.memref_slice %arg2[%add3A_7, %dma_wait3A_86] : memref<4096x512xf32, #tpu.memory_space<hbm>> -> memref<64x512xf32, #tpu.memory_space<hbm>>
    tpu.wait_dma2 semaphore(%arg10 : memref<!tpu.dma_semaphore, #tpu.memory_space<semaphore_mem>>) src(%dma_wait3A_87 : memref<64x512xf32, #tpu.memory_space<hbm>>) dst(%arg7 : memref<64x512xf32, #tpu.memory_space<vmem>>)
    %get3A_88 = arith.constant 0 : index
    %get3A_89 = tpu.vector_load %arg5[%get3A_88] {strides = array<i32>} : memref<512xi32, #tpu.memory_space<vmem>>, vector<16xi32>,
    %get3A_90 = arith.constant 16 : index
    %get3A_91 = tpu.vector_load %arg5[%get3A_90] {strides = array<i32>} : memref<512xi32, #tpu.memory_space<vmem>>, vector<16xi32>,
    %get3A_92 = arith.constant 32 : index
    %get3A_93 = tpu.vector_load %arg5[%get3A_92] {strides = array<i32>} : memref<512xi32, #tpu.memory_space<vmem>>, vector<16xi32>,
    %get3A_94 = arith.constant 48 : index
    %get3A_95 = tpu.vector_load %arg5[%get3A_94] {strides = array<i32>} : memref<512xi32, #tpu.memory_space<vmem>>, vector<16xi32>,
    %get3A_96 = arith.constant 64 : index
    %get3A_97 = tpu.vector_load %arg5[%get3A_96] {strides = array<i32>} : memref<512xi32, #tpu.memory_space<vmem>>, vector<16xi32>,
    %get3A_98 = arith.constant 80 : index
    %get3A_99 = tpu.vector_load %arg5[%get3A_98] {strides = array<i32>} : memref<512xi32, #tpu.memory_space<vmem>>, vector<16xi32>,
    %get3A_100 = arith.constant 96 : index
    %get3A_101 = tpu.vector_load %arg5[%get3A_100] {strides = array<i32>} : memref<512xi32, #tpu.memory_space<vmem>>, vector<16xi32>,
    %get3A_102 = arith.constant 112 : index
    %get3A_103 = tpu.vector_load %arg5[%get3A_102] {strides = array<i32>} : memref<512xi32, #tpu.memory_space<vmem>>, vector<16xi32>,
    %get3A_104 = arith.constant 128 : index
    %get3A_105 = tpu.vector_load %arg5[%get3A_104] {strides = array<i32>} : memref<512xi32, #tpu.memory_space<vmem>>, vector<16xi32>,
    %get3A_106 = arith.constant 144 : index
    %get3A_107 = tpu.vector_load %arg5[%get3A_106] {strides = array<i32>} : memref<512xi32, #tpu.memory_space<vmem>>, vector<16xi32>,
    %get3A_108 = arith.constant 160 : index
    %get3A_109 = tpu.vector_load %arg5[%get3A_108] {strides = array<i32>} : memref<512xi32, #tpu.memory_space<vmem>>, vector<16xi32>,
    %get3A_110 = arith.constant 176 : index
    %get3A_111 = tpu.vector_load %arg5[%get3A_110] {strides = array<i32>} : memref<512xi32, #tpu.memory_space<vmem>>, vector<16xi32>,
    %get3A_112 = arith.constant 192 : index
    %get3A_113 = tpu.vector_load %arg5[%get3A_112] {strides = array<i32>} : memref<512xi32, #tpu.memory_space<vmem>>, vector<16xi32>,
    %get3A_114 = arith.constant 208 : index
    %get3A_115 = tpu.vector_load %arg5[%get3A_114] {strides = array<i32>} : memref<512xi32, #tpu.memory_space<vmem>>, vector<16xi32>,
    %get3A_116 = arith.constant 224 : index
    %get3A_117 = tpu.vector_load %arg5[%get3A_116] {strides = array<i32>} : memref<512xi32, #tpu.memory_space<vmem>>, vector<16xi32>,
    %get3A_118 = arith.constant 240 : index
    %get3A_119 = tpu.vector_load %arg5[%get3A_118] {strides = array<i32>} : memref<512xi32, #tpu.memory_space<vmem>>, vector<16xi32>,
    %get3A_120 = arith.constant 256 : index
    %get3A_121 = tpu.vector_load %arg5[%get3A_120] {strides = array<i32>} : memref<512xi32, #tpu.memory_space<vmem>>, vector<16xi32>,
    %get3A_122 = arith.constant 272 : index
    %get3A_123 = tpu.vector_load %arg5[%get3A_122] {strides = array<i32>} : memref<512xi32, #tpu.memory_space<vmem>>, vector<16xi32>,
    %get3A_124 = arith.constant 288 : index
    %get3A_125 = tpu.vector_load %arg5[%get3A_124] {strides = array<i32>} : memref<512xi32, #tpu.memory_space<vmem>>, vector<16xi32>,
    %get3A_126 = arith.constant 304 : index
    %get3A_127 = tpu.vector_load %arg5[%get3A_126] {strides = array<i32>} : memref<512xi32, #tpu.memory_space<vmem>>, vector<16xi32>,
    %get3A_128 = arith.constant 320 : index
    %get3A_129 = tpu.vector_load %arg5[%get3A_128] {strides = array<i32>} : memref<512xi32, #tpu.memory_space<vmem>>, vector<16xi32>,
    %get3A_130 = arith.constant 336 : index
    %get3A_131 = tpu.vector_load %arg5[%get3A_130] {strides = array<i32>} : memref<512xi32, #tpu.memory_space<vmem>>, vector<16xi32>,
    %get3A_132 = arith.constant 352 : index
    %get3A_133 = tpu.vector_load %arg5[%get3A_132] {strides = array<i32>} : memref<512xi32, #tpu.memory_space<vmem>>, vector<16xi32>,
    %get3A_134 = arith.constant 368 : index
    %get3A_135 = tpu.vector_load %arg5[%get3A_134] {strides = array<i32>} : memref<512xi32, #tpu.memory_space<vmem>>, vector<16xi32>,
    %get3A_136 = arith.constant 384 : index
    %get3A_137 = tpu.vector_load %arg5[%get3A_136] {strides = array<i32>} : memref<512xi32, #tpu.memory_space<vmem>>, vector<16xi32>,
    %get3A_138 = arith.constant 400 : index
    %get3A_139 = tpu.vector_load %arg5[%get3A_138] {strides = array<i32>} : memref<512xi32, #tpu.memory_space<vmem>>, vector<16xi32>,
    %get3A_140 = arith.constant 416 : index
    %get3A_141 = tpu.vector_load %arg5[%get3A_140] {strides = array<i32>} : memref<512xi32, #tpu.memory_space<vmem>>, vector<16xi32>,
    %get3A_142 = arith.constant 432 : index
    %get3A_143 = tpu.vector_load %arg5[%get3A_142] {strides = array<i32>} : memref<512xi32, #tpu.memory_space<vmem>>, vector<16xi32>,
    %get3A_144 = arith.constant 448 : index
    %get3A_145 = tpu.vector_load %arg5[%get3A_144] {strides = array<i32>} : memref<512xi32, #tpu.memory_space<vmem>>, vector<16xi32>,
    %get3A_146 = arith.constant 464 : index
    %get3A_147 = tpu.vector_load %arg5[%get3A_146] {strides = array<i32>} : memref<512xi32, #tpu.memory_space<vmem>>, vector<16xi32>,
    %get3A_148 = arith.constant 480 : index
    %get3A_149 = tpu.vector_load %arg5[%get3A_148] {strides = array<i32>} : memref<512xi32, #tpu.memory_space<vmem>>, vector<16xi32>,
    %get3A_150 = arith.constant 496 : index
    %get3A_151 = tpu.vector_load %arg5[%get3A_150] {strides = array<i32>} : memref<512xi32, #tpu.memory_space<vmem>>, vector<16xi32>,
    %parallel_loop3A_152 = arith.constant 0 : i32
    %parallel_loop3A_153 = arith.constant 64 : i32
    %parallel_loop3A_154 = arith.constant 1 : i32
    scf.for %parallel_loop3A_169 = %parallel_loop3A_152 to %parallel_loop3A_153 step %parallel_loop3A_154  : i32 {
      %parallel_loop3A_170 = vector.broadcast %parallel_loop3A_169 : i32 to vector<16xi32>
      %parallel_loop3A_171 = tpu.vector_load_idx %arg7[%parallel_loop3A_170, %get3A_89] : memref<64x512xf32, #tpu.memory_space<vmem>>[vector<16xi32>, vector<16xi32>], vector<16xf32>,
      %parallel_loop3A_172 = arith.index_cast %parallel_loop3A_169 : i32 to index
      %parallel_loop3A_173 = arith.constant 0 : index
      %parallel_loop3A_174 = tpu.vector_load %arg6[%parallel_loop3A_172, %parallel_loop3A_173] {strides = array<i32>} : memref<64x512xf32, #tpu.memory_space<vmem>>, vector<16xf32>,
      tpu.vector_store %arg6[%parallel_loop3A_172, %parallel_loop3A_173], %parallel_loop3A_171 {strides = array<i32>} : memref<64x512xf32, #tpu.memory_space<vmem>>, vector<16xf32>,
      %parallel_loop3A_175 = tpu.vector_load_idx %arg7[%parallel_loop3A_170, %get3A_91] : memref<64x512xf32, #tpu.memory_space<vmem>>[vector<16xi32>, vector<16xi32>], vector<16xf32>,
      %parallel_loop3A_176 = arith.index_cast %parallel_loop3A_169 : i32 to index
      %parallel_loop3A_177 = arith.constant 16 : index
      %parallel_loop3A_178 = tpu.vector_load %arg6[%parallel_loop3A_176, %parallel_loop3A_177] {strides = array<i32>} : memref<64x512xf32, #tpu.memory_space<vmem>>, vector<16xf32>,
      tpu.vector_store %arg6[%parallel_loop3A_176, %parallel_loop3A_177], %parallel_loop3A_175 {strides = array<i32>} : memref<64x512xf32, #tpu.memory_space<vmem>>, vector<16xf32>,
      %parallel_loop3A_179 = tpu.vector_load_idx %arg7[%parallel_loop3A_170, %get3A_93] : memref<64x512xf32, #tpu.memory_space<vmem>>[vector<16xi32>, vector<16xi32>], vector<16xf32>,
      %parallel_loop3A_180 = arith.index_cast %parallel_loop3A_169 : i32 to index
      %parallel_loop3A_181 = arith.constant 32 : index
      %parallel_loop3A_182 = tpu.vector_load %arg6[%parallel_loop3A_180, %parallel_loop3A_181] {strides = array<i32>} : memref<64x512xf32, #tpu.memory_space<vmem>>, vector<16xf32>,
      tpu.vector_store %arg6[%parallel_loop3A_180, %parallel_loop3A_181], %parallel_loop3A_179 {strides = array<i32>} : memref<64x512xf32, #tpu.memory_space<vmem>>, vector<16xf32>,
      %parallel_loop3A_183 = tpu.vector_load_idx %arg7[%parallel_loop3A_170, %get3A_95] : memref<64x512xf32, #tpu.memory_space<vmem>>[vector<16xi32>, vector<16xi32>], vector<16xf32>,
      %parallel_loop3A_184 = arith.index_cast %parallel_loop3A_169 : i32 to index
      %parallel_loop3A_185 = arith.constant 48 : index
      %parallel_loop3A_186 = tpu.vector_load %arg6[%parallel_loop3A_184, %parallel_loop3A_185] {strides = array<i32>} : memref<64x512xf32, #tpu.memory_space<vmem>>, vector<16xf32>,
      tpu.vector_store %arg6[%parallel_loop3A_184, %parallel_loop3A_185], %parallel_loop3A_183 {strides = array<i32>} : memref<64x512xf32, #tpu.memory_space<vmem>>, vector<16xf32>,
      %parallel_loop3A_187 = tpu.vector_load_idx %arg7[%parallel_loop3A_170, %get3A_97] : memref<64x512xf32, #tpu.memory_space<vmem>>[vector<16xi32>, vector<16xi32>], vector<16xf32>,
      %parallel_loop3A_188 = arith.index_cast %parallel_loop3A_169 : i32 to index
      %parallel_loop3A_189 = arith.constant 64 : index
      %parallel_loop3A_190 = tpu.vector_load %arg6[%parallel_loop3A_188, %parallel_loop3A_189] {strides = array<i32>} : memref<64x512xf32, #tpu.memory_space<vmem>>, vector<16xf32>,
      tpu.vector_store %arg6[%parallel_loop3A_188, %parallel_loop3A_189], %parallel_loop3A_187 {strides = array<i32>} : memref<64x512xf32, #tpu.memory_space<vmem>>, vector<16xf32>,
      %parallel_loop3A_191 = tpu.vector_load_idx %arg7[%parallel_loop3A_170, %get3A_99] : memref<64x512xf32, #tpu.memory_space<vmem>>[vector<16xi32>, vector<16xi32>], vector<16xf32>,
      %parallel_loop3A_192 = arith.index_cast %parallel_loop3A_169 : i32 to index
      %parallel_loop3A_193 = arith.constant 80 : index
      %parallel_loop3A_194 = tpu.vector_load %arg6[%parallel_loop3A_192, %parallel_loop3A_193] {strides = array<i32>} : memref<64x512xf32, #tpu.memory_space<vmem>>, vector<16xf32>,
      tpu.vector_store %arg6[%parallel_loop3A_192, %parallel_loop3A_193], %parallel_loop3A_191 {strides = array<i32>} : memref<64x512xf32, #tpu.memory_space<vmem>>, vector<16xf32>,
      %parallel_loop3A_195 = tpu.vector_load_idx %arg7[%parallel_loop3A_170, %get3A_101] : memref<64x512xf32, #tpu.memory_space<vmem>>[vector<16xi32>, vector<16xi32>], vector<16xf32>,
      %parallel_loop3A_196 = arith.index_cast %parallel_loop3A_169 : i32 to index
      %parallel_loop3A_197 = arith.constant 96 : index
      %parallel_loop3A_198 = tpu.vector_load %arg6[%parallel_loop3A_196, %parallel_loop3A_197] {strides = array<i32>} : memref<64x512xf32, #tpu.memory_space<vmem>>, vector<16xf32>,
      tpu.vector_store %arg6[%parallel_loop3A_196, %parallel_loop3A_197], %parallel_loop3A_195 {strides = array<i32>} : memref<64x512xf32, #tpu.memory_space<vmem>>, vector<16xf32>,
      %parallel_loop3A_199 = tpu.vector_load_idx %arg7[%parallel_loop3A_170, %get3A_103] : memref<64x512xf32, #tpu.memory_space<vmem>>[vector<16xi32>, vector<16xi32>], vector<16xf32>,
      %parallel_loop3A_200 = arith.index_cast %parallel_loop3A_169 : i32 to index
      %parallel_loop3A_201 = arith.constant 112 : index
      %parallel_loop3A_202 = tpu.vector_load %arg6[%parallel_loop3A_200, %parallel_loop3A_201] {strides = array<i32>} : memref<64x512xf32, #tpu.memory_space<vmem>>, vector<16xf32>,
      tpu.vector_store %arg6[%parallel_loop3A_200, %parallel_loop3A_201], %parallel_loop3A_199 {strides = array<i32>} : memref<64x512xf32, #tpu.memory_space<vmem>>, vector<16xf32>,
      %parallel_loop3A_203 = tpu.vector_load_idx %arg7[%parallel_loop3A_170, %get3A_105] : memref<64x512xf32, #tpu.memory_space<vmem>>[vector<16xi32>, vector<16xi32>], vector<16xf32>,
      %parallel_loop3A_204 = arith.index_cast %parallel_loop3A_169 : i32 to index
      %parallel_loop3A_205 = arith.constant 128 : index
      %parallel_loop3A_206 = tpu.vector_load %arg6[%parallel_loop3A_204, %parallel_loop3A_205] {strides = array<i32>} : memref<64x512xf32, #tpu.memory_space<vmem>>, vector<16xf32>,
      tpu.vector_store %arg6[%parallel_loop3A_204, %parallel_loop3A_205], %parallel_loop3A_203 {strides = array<i32>} : memref<64x512xf32, #tpu.memory_space<vmem>>, vector<16xf32>,
      %parallel_loop3A_207 = tpu.vector_load_idx %arg7[%parallel_loop3A_170, %get3A_107] : memref<64x512xf32, #tpu.memory_space<vmem>>[vector<16xi32>, vector<16xi32>], vector<16xf32>,
      %parallel_loop3A_208 = arith.index_cast %parallel_loop3A_169 : i32 to index
      %parallel_loop3A_209 = arith.constant 144 : index
      %parallel_loop3A_210 = tpu.vector_load %arg6[%parallel_loop3A_208, %parallel_loop3A_209] {strides = array<i32>} : memref<64x512xf32, #tpu.memory_space<vmem>>, vector<16xf32>,
      tpu.vector_store %arg6[%parallel_loop3A_208, %parallel_loop3A_209], %parallel_loop3A_207 {strides = array<i32>} : memref<64x512xf32, #tpu.memory_space<vmem>>, vector<16xf32>,
      %parallel_loop3A_211 = tpu.vector_load_idx %arg7[%parallel_loop3A_170, %get3A_109] : memref<64x512xf32, #tpu.memory_space<vmem>>[vector<16xi32>, vector<16xi32>], vector<16xf32>,
      %parallel_loop3A_212 = arith.index_cast %parallel_loop3A_169 : i32 to index
      %parallel_loop3A_213 = arith.constant 160 : index
      %parallel_loop3A_214 = tpu.vector_load %arg6[%parallel_loop3A_212, %parallel_loop3A_213] {strides = array<i32>} : memref<64x512xf32, #tpu.memory_space<vmem>>, vector<16xf32>,
      tpu.vector_store %arg6[%parallel_loop3A_212, %parallel_loop3A_213], %parallel_loop3A_211 {strides = array<i32>} : memref<64x512xf32, #tpu.memory_space<vmem>>, vector<16xf32>,
      %parallel_loop3A_215 = tpu.vector_load_idx %arg7[%parallel_loop3A_170, %get3A_111] : memref<64x512xf32, #tpu.memory_space<vmem>>[vector<16xi32>, vector<16xi32>], vector<16xf32>,
      %parallel_loop3A_216 = arith.index_cast %parallel_loop3A_169 : i32 to index
      %parallel_loop3A_217 = arith.constant 176 : index
      %parallel_loop3A_218 = tpu.vector_load %arg6[%parallel_loop3A_216, %parallel_loop3A_217] {strides = array<i32>} : memref<64x512xf32, #tpu.memory_space<vmem>>, vector<16xf32>,
      tpu.vector_store %arg6[%parallel_loop3A_216, %parallel_loop3A_217], %parallel_loop3A_215 {strides = array<i32>} : memref<64x512xf32, #tpu.memory_space<vmem>>, vector<16xf32>,
      %parallel_loop3A_219 = tpu.vector_load_idx %arg7[%parallel_loop3A_170, %get3A_113] : memref<64x512xf32, #tpu.memory_space<vmem>>[vector<16xi32>, vector<16xi32>], vector<16xf32>,
      %parallel_loop3A_220 = arith.index_cast %parallel_loop3A_169 : i32 to index
      %parallel_loop3A_221 = arith.constant 192 : index
      %parallel_loop3A_222 = tpu.vector_load %arg6[%parallel_loop3A_220, %parallel_loop3A_221] {strides = array<i32>} : memref<64x512xf32, #tpu.memory_space<vmem>>, vector<16xf32>,
      tpu.vector_store %arg6[%parallel_loop3A_220, %parallel_loop3A_221], %parallel_loop3A_219 {strides = array<i32>} : memref<64x512xf32, #tpu.memory_space<vmem>>, vector<16xf32>,
      %parallel_loop3A_223 = tpu.vector_load_idx %arg7[%parallel_loop3A_170, %get3A_115] : memref<64x512xf32, #tpu.memory_space<vmem>>[vector<16xi32>, vector<16xi32>], vector<16xf32>,
      %parallel_loop3A_224 = arith.index_cast %parallel_loop3A_169 : i32 to index
      %parallel_loop3A_225 = arith.constant 208 : index
      %parallel_loop3A_226 = tpu.vector_load %arg6[%parallel_loop3A_224, %parallel_loop3A_225] {strides = array<i32>} : memref<64x512xf32, #tpu.memory_space<vmem>>, vector<16xf32>,
      tpu.vector_store %arg6[%parallel_loop3A_224, %parallel_loop3A_225], %parallel_loop3A_223 {strides = array<i32>} : memref<64x512xf32, #tpu.memory_space<vmem>>, vector<16xf32>,
      %parallel_loop3A_227 = tpu.vector_load_idx %arg7[%parallel_loop3A_170, %get3A_117] : memref<64x512xf32, #tpu.memory_space<vmem>>[vector<16xi32>, vector<16xi32>], vector<16xf32>,
      %parallel_loop3A_228 = arith.index_cast %parallel_loop3A_169 : i32 to index
      %parallel_loop3A_229 = arith.constant 224 : index
      %parallel_loop3A_230 = tpu.vector_load %arg6[%parallel_loop3A_228, %parallel_loop3A_229] {strides = array<i32>} : memref<64x512xf32, #tpu.memory_space<vmem>>, vector<16xf32>,
      tpu.vector_store %arg6[%parallel_loop3A_228, %parallel_loop3A_229], %parallel_loop3A_227 {strides = array<i32>} : memref<64x512xf32, #tpu.memory_space<vmem>>, vector<16xf32>,
      %parallel_loop3A_231 = tpu.vector_load_idx %arg7[%parallel_loop3A_170, %get3A_119] : memref<64x512xf32, #tpu.memory_space<vmem>>[vector<16xi32>, vector<16xi32>], vector<16xf32>,
      %parallel_loop3A_232 = arith.index_cast %parallel_loop3A_169 : i32 to index
      %parallel_loop3A_233 = arith.constant 240 : index
      %parallel_loop3A_234 = tpu.vector_load %arg6[%parallel_loop3A_232, %parallel_loop3A_233] {strides = array<i32>} : memref<64x512xf32, #tpu.memory_space<vmem>>, vector<16xf32>,
      tpu.vector_store %arg6[%parallel_loop3A_232, %parallel_loop3A_233], %parallel_loop3A_231 {strides = array<i32>} : memref<64x512xf32, #tpu.memory_space<vmem>>, vector<16xf32>,
      %parallel_loop3A_235 = tpu.vector_load_idx %arg7[%parallel_loop3A_170, %get3A_121] : memref<64x512xf32, #tpu.memory_space<vmem>>[vector<16xi32>, vector<16xi32>], vector<16xf32>,
      %parallel_loop3A_236 = arith.index_cast %parallel_loop3A_169 : i32 to index
      %parallel_loop3A_237 = arith.constant 256 : index
      %parallel_loop3A_238 = tpu.vector_load %arg6[%parallel_loop3A_236, %parallel_loop3A_237] {strides = array<i32>} : memref<64x512xf32, #tpu.memory_space<vmem>>, vector<16xf32>,
      tpu.vector_store %arg6[%parallel_loop3A_236, %parallel_loop3A_237], %parallel_loop3A_235 {strides = array<i32>} : memref<64x512xf32, #tpu.memory_space<vmem>>, vector<16xf32>,
      %parallel_loop3A_239 = tpu.vector_load_idx %arg7[%parallel_loop3A_170, %get3A_123] : memref<64x512xf32, #tpu.memory_space<vmem>>[vector<16xi32>, vector<16xi32>], vector<16xf32>,
      %parallel_loop3A_240 = arith.index_cast %parallel_loop3A_169 : i32 to index
      %parallel_loop3A_241 = arith.constant 272 : index
      %parallel_loop3A_242 = tpu.vector_load %arg6[%parallel_loop3A_240, %parallel_loop3A_241] {strides = array<i32>} : memref<64x512xf32, #tpu.memory_space<vmem>>, vector<16xf32>,
      tpu.vector_store %arg6[%parallel_loop3A_240, %parallel_loop3A_241], %parallel_loop3A_239 {strides = array<i32>} : memref<64x512xf32, #tpu.memory_space<vmem>>, vector<16xf32>,
      %parallel_loop3A_243 = tpu.vector_load_idx %arg7[%parallel_loop3A_170, %get3A_125] : memref<64x512xf32, #tpu.memory_space<vmem>>[vector<16xi32>, vector<16xi32>], vector<16xf32>,
      %parallel_loop3A_244 = arith.index_cast %parallel_loop3A_169 : i32 to index
      %parallel_loop3A_245 = arith.constant 288 : index
      %parallel_loop3A_246 = tpu.vector_load %arg6[%parallel_loop3A_244, %parallel_loop3A_245] {strides = array<i32>} : memref<64x512xf32, #tpu.memory_space<vmem>>, vector<16xf32>,
      tpu.vector_store %arg6[%parallel_loop3A_244, %parallel_loop3A_245], %parallel_loop3A_243 {strides = array<i32>} : memref<64x512xf32, #tpu.memory_space<vmem>>, vector<16xf32>,
      %parallel_loop3A_247 = tpu.vector_load_idx %arg7[%parallel_loop3A_170, %get3A_127] : memref<64x512xf32, #tpu.memory_space<vmem>>[vector<16xi32>, vector<16xi32>], vector<16xf32>,
      %parallel_loop3A_248 = arith.index_cast %parallel_loop3A_169 : i32 to index
      %parallel_loop3A_249 = arith.constant 304 : index
      %parallel_loop3A_250 = tpu.vector_load %arg6[%parallel_loop3A_248, %parallel_loop3A_249] {strides = array<i32>} : memref<64x512xf32, #tpu.memory_space<vmem>>, vector<16xf32>,
      tpu.vector_store %arg6[%parallel_loop3A_248, %parallel_loop3A_249], %parallel_loop3A_247 {strides = array<i32>} : memref<64x512xf32, #tpu.memory_space<vmem>>, vector<16xf32>,
      %parallel_loop3A_251 = tpu.vector_load_idx %arg7[%parallel_loop3A_170, %get3A_129] : memref<64x512xf32, #tpu.memory_space<vmem>>[vector<16xi32>, vector<16xi32>], vector<16xf32>,
      %parallel_loop3A_252 = arith.index_cast %parallel_loop3A_169 : i32 to index
      %parallel_loop3A_253 = arith.constant 320 : index
      %parallel_loop3A_254 = tpu.vector_load %arg6[%parallel_loop3A_252, %parallel_loop3A_253] {strides = array<i32>} : memref<64x512xf32, #tpu.memory_space<vmem>>, vector<16xf32>,
      tpu.vector_store %arg6[%parallel_loop3A_252, %parallel_loop3A_253], %parallel_loop3A_251 {strides = array<i32>} : memref<64x512xf32, #tpu.memory_space<vmem>>, vector<16xf32>,
      %parallel_loop3A_255 = tpu.vector_load_idx %arg7[%parallel_loop3A_170, %get3A_131] : memref<64x512xf32, #tpu.memory_space<vmem>>[vector<16xi32>, vector<16xi32>], vector<16xf32>,
      %parallel_loop3A_256 = arith.index_cast %parallel_loop3A_169 : i32 to index
      %parallel_loop3A_257 = arith.constant 336 : index
      %parallel_loop3A_258 = tpu.vector_load %arg6[%parallel_loop3A_256, %parallel_loop3A_257] {strides = array<i32>} : memref<64x512xf32, #tpu.memory_space<vmem>>, vector<16xf32>,
      tpu.vector_store %arg6[%parallel_loop3A_256, %parallel_loop3A_257], %parallel_loop3A_255 {strides = array<i32>} : memref<64x512xf32, #tpu.memory_space<vmem>>, vector<16xf32>,
      %parallel_loop3A_259 = tpu.vector_load_idx %arg7[%parallel_loop3A_170, %get3A_133] : memref<64x512xf32, #tpu.memory_space<vmem>>[vector<16xi32>, vector<16xi32>], vector<16xf32>,
      %parallel_loop3A_260 = arith.index_cast %parallel_loop3A_169 : i32 to index
      %parallel_loop3A_261 = arith.constant 352 : index
      %parallel_loop3A_262 = tpu.vector_load %arg6[%parallel_loop3A_260, %parallel_loop3A_261] {strides = array<i32>} : memref<64x512xf32, #tpu.memory_space<vmem>>, vector<16xf32>,
      tpu.vector_store %arg6[%parallel_loop3A_260, %parallel_loop3A_261], %parallel_loop3A_259 {strides = array<i32>} : memref<64x512xf32, #tpu.memory_space<vmem>>, vector<16xf32>,
      %parallel_loop3A_263 = tpu.vector_load_idx %arg7[%parallel_loop3A_170, %get3A_135] : memref<64x512xf32, #tpu.memory_space<vmem>>[vector<16xi32>, vector<16xi32>], vector<16xf32>,
      %parallel_loop3A_264 = arith.index_cast %parallel_loop3A_169 : i32 to index
      %parallel_loop3A_265 = arith.constant 368 : index
      %parallel_loop3A_266 = tpu.vector_load %arg6[%parallel_loop3A_264, %parallel_loop3A_265] {strides = array<i32>} : memref<64x512xf32, #tpu.memory_space<vmem>>, vector<16xf32>,
      tpu.vector_store %arg6[%parallel_loop3A_264, %parallel_loop3A_265], %parallel_loop3A_263 {strides = array<i32>} : memref<64x512xf32, #tpu.memory_space<vmem>>, vector<16xf32>,
      %parallel_loop3A_267 = tpu.vector_load_idx %arg7[%parallel_loop3A_170, %get3A_137] : memref<64x512xf32, #tpu.memory_space<vmem>>[vector<16xi32>, vector<16xi32>], vector<16xf32>,
      %parallel_loop3A_268 = arith.index_cast %parallel_loop3A_169 : i32 to index
      %parallel_loop3A_269 = arith.constant 384 : index
      %parallel_loop3A_270 = tpu.vector_load %arg6[%parallel_loop3A_268, %parallel_loop3A_269] {strides = array<i32>} : memref<64x512xf32, #tpu.memory_space<vmem>>, vector<16xf32>,
      tpu.vector_store %arg6[%parallel_loop3A_268, %parallel_loop3A_269], %parallel_loop3A_267 {strides = array<i32>} : memref<64x512xf32, #tpu.memory_space<vmem>>, vector<16xf32>,
      %parallel_loop3A_271 = tpu.vector_load_idx %arg7[%parallel_loop3A_170, %get3A_139] : memref<64x512xf32, #tpu.memory_space<vmem>>[vector<16xi32>, vector<16xi32>], vector<16xf32>,
      %parallel_loop3A_272 = arith.index_cast %parallel_loop3A_169 : i32 to index
      %parallel_loop3A_273 = arith.constant 400 : index
      %parallel_loop3A_274 = tpu.vector_load %arg6[%parallel_loop3A_272, %parallel_loop3A_273] {strides = array<i32>} : memref<64x512xf32, #tpu.memory_space<vmem>>, vector<16xf32>,
      tpu.vector_store %arg6[%parallel_loop3A_272, %parallel_loop3A_273], %parallel_loop3A_271 {strides = array<i32>} : memref<64x512xf32, #tpu.memory_space<vmem>>, vector<16xf32>,
      %parallel_loop3A_275 = tpu.vector_load_idx %arg7[%parallel_loop3A_170, %get3A_141] : memref<64x512xf32, #tpu.memory_space<vmem>>[vector<16xi32>, vector<16xi32>], vector<16xf32>,
      %parallel_loop3A_276 = arith.index_cast %parallel_loop3A_169 : i32 to index
      %parallel_loop3A_277 = arith.constant 416 : index
      %parallel_loop3A_278 = tpu.vector_load %arg6[%parallel_loop3A_276, %parallel_loop3A_277] {strides = array<i32>} : memref<64x512xf32, #tpu.memory_space<vmem>>, vector<16xf32>,
      tpu.vector_store %arg6[%parallel_loop3A_276, %parallel_loop3A_277], %parallel_loop3A_275 {strides = array<i32>} : memref<64x512xf32, #tpu.memory_space<vmem>>, vector<16xf32>,
      %parallel_loop3A_279 = tpu.vector_load_idx %arg7[%parallel_loop3A_170, %get3A_143] : memref<64x512xf32, #tpu.memory_space<vmem>>[vector<16xi32>, vector<16xi32>], vector<16xf32>,
      %parallel_loop3A_280 = arith.index_cast %parallel_loop3A_169 : i32 to index
      %parallel_loop3A_281 = arith.constant 432 : index
      %parallel_loop3A_282 = tpu.vector_load %arg6[%parallel_loop3A_280, %parallel_loop3A_281] {strides = array<i32>} : memref<64x512xf32, #tpu.memory_space<vmem>>, vector<16xf32>,
      tpu.vector_store %arg6[%parallel_loop3A_280, %parallel_loop3A_281], %parallel_loop3A_279 {strides = array<i32>} : memref<64x512xf32, #tpu.memory_space<vmem>>, vector<16xf32>,
      %parallel_loop3A_283 = tpu.vector_load_idx %arg7[%parallel_loop3A_170, %get3A_145] : memref<64x512xf32, #tpu.memory_space<vmem>>[vector<16xi32>, vector<16xi32>], vector<16xf32>,
      %parallel_loop3A_284 = arith.index_cast %parallel_loop3A_169 : i32 to index
      %parallel_loop3A_285 = arith.constant 448 : index
      %parallel_loop3A_286 = tpu.vector_load %arg6[%parallel_loop3A_284, %parallel_loop3A_285] {strides = array<i32>} : memref<64x512xf32, #tpu.memory_space<vmem>>, vector<16xf32>,
      tpu.vector_store %arg6[%parallel_loop3A_284, %parallel_loop3A_285], %parallel_loop3A_283 {strides = array<i32>} : memref<64x512xf32, #tpu.memory_space<vmem>>, vector<16xf32>,
      %parallel_loop3A_287 = tpu.vector_load_idx %arg7[%parallel_loop3A_170, %get3A_147] : memref<64x512xf32, #tpu.memory_space<vmem>>[vector<16xi32>, vector<16xi32>], vector<16xf32>,
      %parallel_loop3A_288 = arith.index_cast %parallel_loop3A_169 : i32 to index
      %parallel_loop3A_289 = arith.constant 464 : index
      %parallel_loop3A_290 = tpu.vector_load %arg6[%parallel_loop3A_288, %parallel_loop3A_289] {strides = array<i32>} : memref<64x512xf32, #tpu.memory_space<vmem>>, vector<16xf32>,
      tpu.vector_store %arg6[%parallel_loop3A_288, %parallel_loop3A_289], %parallel_loop3A_287 {strides = array<i32>} : memref<64x512xf32, #tpu.memory_space<vmem>>, vector<16xf32>,
      %parallel_loop3A_291 = tpu.vector_load_idx %arg7[%parallel_loop3A_170, %get3A_149] : memref<64x512xf32, #tpu.memory_space<vmem>>[vector<16xi32>, vector<16xi32>], vector<16xf32>,
      %parallel_loop3A_292 = arith.index_cast %parallel_loop3A_169 : i32 to index
      %parallel_loop3A_293 = arith.constant 480 : index
      %parallel_loop3A_294 = tpu.vector_load %arg6[%parallel_loop3A_292, %parallel_loop3A_293] {strides = array<i32>} : memref<64x512xf32, #tpu.memory_space<vmem>>, vector<16xf32>,
      tpu.vector_store %arg6[%parallel_loop3A_292, %parallel_loop3A_293], %parallel_loop3A_291 {strides = array<i32>} : memref<64x512xf32, #tpu.memory_space<vmem>>, vector<16xf32>,
      %parallel_loop3A_295 = tpu.vector_load_idx %arg7[%parallel_loop3A_170, %get3A_151] : memref<64x512xf32, #tpu.memory_space<vmem>>[vector<16xi32>, vector<16xi32>], vector<16xf32>,
      %parallel_loop3A_296 = arith.index_cast %parallel_loop3A_169 : i32 to index
      %parallel_loop3A_297 = arith.constant 496 : index
      %parallel_loop3A_298 = tpu.vector_load %arg6[%parallel_loop3A_296, %parallel_loop3A_297] {strides = array<i32>} : memref<64x512xf32, #tpu.memory_space<vmem>>, vector<16xf32>,
      tpu.vector_store %arg6[%parallel_loop3A_296, %parallel_loop3A_297], %parallel_loop3A_295 {strides = array<i32>} : memref<64x512xf32, #tpu.memory_space<vmem>>, vector<16xf32>,
    } {sc.loop_unroll_factor = 2 : i64, sc.parallel_access}
    %add3A_155 = arith.constant 64 : i32
    %add3A_156 = arith.addi %mul3A_2, %add3A_155 : i32
    %dma_start3A_157 = arith.constant 0 : i32
    %dma_start3A_158 = tpu.memref_slice %arg4[%add3A_156, %dma_start3A_157] : memref<4096x512xf32, #tpu.memory_space<hbm>> -> memref<64x512xf32, #tpu.memory_space<hbm>>
    %dma_start3A_159 = arith.constant 0 : i32
    %dma_start3A_160 = tpu.memref_slice %arg4[%add3A_156, %dma_start3A_159] : memref<4096x512xf32, #tpu.memory_space<hbm>> -> memref<64x512xf32, #tpu.memory_space<hbm>>
    tpu.enqueue_dma source(%arg6 : memref<64x512xf32, #tpu.memory_space<vmem>>) target(%dma_start3A_160 : memref<64x512xf32, #tpu.memory_space<hbm>>) target_semaphore(%arg11 : memref<!tpu.dma_semaphore, #tpu.memory_space<semaphore_mem>>)
    %dma_wait3A_161 = arith.constant 0 : i32
    %dma_wait3A_162 = tpu.memref_slice %arg4[%mul3A_2, %dma_wait3A_161] : memref<4096x512xf32, #tpu.memory_space<hbm>> -> memref<64x512xf32, #tpu.memory_space<hbm>>
    %dma_wait3A_163 = arith.constant 0 : i32
    %dma_wait3A_164 = tpu.memref_slice %arg4[%mul3A_2, %dma_wait3A_163] : memref<4096x512xf32, #tpu.memory_space<hbm>> -> memref<64x512xf32, #tpu.memory_space<hbm>>
    tpu.wait_dma2 semaphore(%arg11 : memref<!tpu.dma_semaphore, #tpu.memory_space<semaphore_mem>>) src(%arg8 : memref<64x512xf32, #tpu.memory_space<vmem>>) dst(%dma_wait3A_164 : memref<64x512xf32, #tpu.memory_space<hbm>>)
    %dma_wait3A_165 = arith.constant 0 : i32
    %dma_wait3A_166 = tpu.memref_slice %arg4[%add3A_156, %dma_wait3A_165] : memref<4096x512xf32, #tpu.memory_space<hbm>> -> memref<64x512xf32, #tpu.memory_space<hbm>>
    %dma_wait3A_167 = arith.constant 0 : i32
    %dma_wait3A_168 = tpu.memref_slice %arg4[%add3A_156, %dma_wait3A_167] : memref<4096x512xf32, #tpu.memory_space<hbm>> -> memref<64x512xf32, #tpu.memory_space<hbm>>
    tpu.wait_dma2 semaphore(%arg11 : memref<!tpu.dma_semaphore, #tpu.memory_space<semaphore_mem>>) src(%arg6 : memref<64x512xf32, #tpu.memory_space<vmem>>) dst(%dma_wait3A_168 : memref<64x512xf32, #tpu.memory_space<hbm>>)
    return
  }
}

</mosaic_0001>

<sc_bundles>
// kernel: kernel.3.cloned.1.call-start
scs
__scs_entry_jumppad:
0x0: {  	(pc) =	sbr.rel $0x88, $3  }
0x1: {  	(tag) =	ssettag $0x0;
	lr =	simm.s32 $0x1  }
0x2: {  	[smem:$0x3F9F] =	sst lr;
	_ =	strace $0xD0000000  }
0x3: {  	_ = 	snop  }
0x4: {  	_ = 	snop  }
0x5: {  	_ = 	snop  }
0x6: {  	_ = 	snop  }
0x7: {  	_ = 	snop  }
__scs_overlays_trampoline_lowered:
0x8: {  	[smem:$0x3FAE] =	sst s0  }
0x9: {  	[smem:$0x3FAF] =	sst s1  }
0xa: {  	[smem:$0x3FB0] =	sst s2  }
0xb: {  	[smem:$0x3FB1] =	sst s3  }
0xc: {  	[smem:$0x3FB2] =	sst s4  }
0xd: {  	[smem:$0x3FB3] =	sst s5  }
0xe: {  	[smem:$0x3FB4] =	sst s6  }
0xf: {  	[smem:$0x3FB5] =	sst s7  }
0x10: {  	[smem:$0x3FB6] =	sst s8  }
0x11: {  	[smem:$0x3FB7] =	sst s9;
	s0 =	simm.s32 @!p0 $0x0  }
0x12: {  	s1 =	sld [smem:$0x3F9D];
	s0 =	simm.s32 @p0 $0x1  }
0x13: {  	[smem:$0x3FB8] =	sst s0;
	s0 =	simm.s32 @!p1 $0x0  }
0x14: {  	s2 =	sld [smem:$0x3F9C];
	s0 =	simm.s32 @p1 $0x1  }
0x15: {  	[smem:$0x3FB9] =	sst s0;
	s0 =	simm.s32 @!p2 $0x0  }
0x16: {  	s3 =	sld [smem:$0x3FDB];
	s0 =	simm.s32 @p2 $0x1  }
0x17: {  	s4 =	simm.s32 $0x1BF5;
	[smem:$0x3FBB] =	sst s0  }
0x18: {  	s0 =	sld [smem:$0x3F9E];
	_ =	swait.ge [sflag:s4], $0x0  }
0x19: {  	s7 =	sld [smem:$0x3F9F]  }
0x1a: {  	s8 =	sadd.s32 $0xFFFFE003, lr  }
0x1b: {  	s9 =	sadd.s32 $0xFFFFFEF7, lr;
	s5 =	simm.s32 $0xFFFFFFFF;
	p2 =	slt.u32 s8, $0xFFFFF086  }
0x1c: {  	p1 =	slt.u32 s9, $0xF7A;
	s5 =	simm.s32 @!p2 $0x0  }
0x1d: {  	s5 =	simm.s32 @p1 $0x1;
	p0 =	seq.s32 s7, s2  }
0x1e: {  	s7 =	smul.u32 @!p0 $0xF7A, s2;
	p2 =	seq.s32 @!p0 s5, $0x0  }
0x1f: {  	s9 =	smul.u32 $0xF7A, s1;
	s8 =	simm.s32 @!p0 $0x1BF5;
	p2 =	por !p2, p0  }
0x20: {  	[sflag:s8] =	ssyncset.s32 @!p0 $0xFFFFF086;
	s6 =	sadd.s32 @!p0 s3, s7;
	s7 =	simm.s32 @!p0 $0x108  }
0x21: {  	s3 =	sadd.s32 s3, s9;
	s6 =	sadd.s32 @!p0 $0x88, s6;
	s7 =	simm.s32 @p2 $0x1082  }
0x22: {  	[simem:s7], [sflag:s8] =	dma.local @!p0 [hbm:s6], $0xF7A  }
0x23: {  	s9 =	sor.u32 $0xD0000000, s2;
	s6 =	simm.s32 $0x108;
	_ =	swait.ge @!p0 [sflag:s8], $0x0  }
0x24: {  	s3 =	sadd.s32 $0x88, s3;
	s6 =	simm.s32 @!p1 $0x1082;
	[sflag:s4] =	ssyncset.s32 $0xFFFFF086  }
0x25: {  	[simem:s6], [sflag:s4] =	dma.local [hbm:s3], $0xF7A  }
0x26: {  	[smem:$0x3F9F] =	sst s1;
	(tag) =	ssettag s2;
	_ =	strace s9  }
0x27: {  	s1 =	sld [smem:$0x3FAF]  }
0x28: {  	s2 =	sld [smem:$0x3FB0]  }
0x29: {  	s4 =	sld [smem:$0x3FB2]  }
0x2a: {  	p0 =	seq.s32 s5, $0x0;
	s5 =	sld [smem:$0x3FB3]  }
0x2b: {  	s6 =	sld [smem:$0x3FB4]  }
0x2c: {  	s7 =	sld [smem:$0x3FB5]  }
0x2d: {  	s3 =	simm.s32 $0x108;
	s8 =	sld [smem:$0x3FB6]  }
0x2e: {  	s3 =	simm.s32 @!p0 $0x1082;
	s9 =	sld [smem:$0x3FB7]  }
0x2f: {  	lr =	sadd.s32 s0, s3;
	s0 =	sld [smem:$0x3FAE]  }
0x30: {  	s3 =	sld [smem:$0x3FB1]  }
0x31: {  	[smem:$0x3FBA] =	sst s10  }
0x32: {  	s10 =	sld [smem:$0x3FB8];
	_ =	sdelay $0x3  }
0x33: {  	p0 =	seq.s32 s10, $0x1;
	s10 =	sld [smem:$0x3FBA];
	_ =	sdelay $0x3  }
0x34: {  	[smem:$0x3FBA] =	sst s10  }
0x35: {  	s10 =	sld [smem:$0x3FB9];
	_ =	sdelay $0x3  }
0x36: {  	p1 =	seq.s32 s10, $0x1;
	s10 =	sld [smem:$0x3FBA];
	_ =	sdelay $0x3  }
0x37: {  	[smem:$0x3FBA] =	sst s10  }
0x38: {  	s10 =	sld [smem:$0x3FBB]  }
0x39: {  	_ = 	snop;
	(pc) =	sbr.ind lr, $3  }
0x3a: {  	_ = 	snop  }
0x3b: {  	_ = 	snop  }
0x3c: {  	p2 =	seq.s32 s10, $0x1;
	s10 =	sld [smem:$0x3FBA]  }
0x3d: {  	_ =	shalt  }
0x3e: {  	_ =	shalt  }
0x3f: {  	_ =	shalt  }
0x40: {  	_ =	shalt  }
0x41: {  	_ =	shalt  }
0x42: {  	_ =	shalt  }
0x43: {  	_ =	shalt  }
0x44: {  	_ =	shalt  }
0x45: {  	_ =	shalt  }
0x46: {  	_ =	shalt  }
0x47: {  	_ =	shalt  }
0x48: {  	_ =	shalt  }
0x49: {  	_ =	shalt  }
0x4a: {  	_ =	shalt  }
0x4b: {  	_ =	shalt  }
0x4c: {  	_ =	shalt  }
0x4d: {  	_ =	shalt  }
0x4e: {  	_ =	shalt  }
0x4f: {  	_ =	shalt  }
0x50: {  	_ =	shalt  }
0x51: {  	_ =	shalt  }
0x52: {  	_ =	shalt  }
0x53: {  	_ =	shalt  }
0x54: {  	_ =	shalt  }
0x55: {  	_ =	shalt  }
0x56: {  	_ =	shalt  }
0x57: {  	_ =	shalt  }
0x58: {  	_ =	shalt  }
0x59: {  	_ =	shalt  }
0x5a: {  	_ =	shalt  }
0x5b: {  	_ =	shalt  }
0x5c: {  	_ =	shalt  }
0x5d: {  	_ =	shalt  }
0x5e: {  	_ =	shalt  }
0x5f: {  	_ =	shalt  }
0x60: {  	_ =	shalt  }
0x61: {  	_ =	shalt  }
0x62: {  	_ =	shalt  }
0x63: {  	_ =	shalt  }
0x64: {  	_ =	shalt  }
0x65: {  	_ =	shalt  }
0x66: {  	_ =	shalt  }
0x67: {  	_ =	shalt  }
0x68: {  	_ =	shalt  }
0x69: {  	_ =	shalt  }
0x6a: {  	_ =	shalt  }
0x6b: {  	_ =	shalt  }
0x6c: {  	_ =	shalt  }
0x6d: {  	_ =	shalt  }
0x6e: {  	_ =	shalt  }
0x6f: {  	_ =	shalt  }
0x70: {  	_ =	shalt  }
0x71: {  	_ =	shalt  }
0x72: {  	_ =	shalt  }
0x73: {  	_ =	shalt  }
0x74: {  	_ =	shalt  }
0x75: {  	_ =	shalt  }
0x76: {  	_ =	shalt  }
0x77: {  	_ =	shalt  }
0x78: {  	_ =	shalt  }
0x79: {  	_ =	shalt  }
0x7a: {  	_ =	shalt  }
0x7b: {  	_ =	shalt  }
0x7c: {  	_ =	shalt  }
0x7d: {  	_ =	shalt  }
0x7e: {  	_ =	shalt  }
0x7f: {  	_ =	shalt  }
0x80: {  	_ =	shalt  }
0x81: {  	_ =	shalt  }
0x82: {  	_ =	shalt  }
0x83: {  	_ =	shalt  }
0x84: {  	_ =	shalt  }
0x85: {  	_ =	shalt  }
0x86: {  	_ =	shalt  }
0x87: {  	_ =	shalt  }
.Lfunc_end0:
.L_simem_size_0:
called_computation_lowered:
.L_overlay_start_0:
0x88: {  	s2 =	sld [smem:$0x3FD9]  }
0x89: {  	s3 =	sld [smem:$0x3FFE];
	_ =	sdelay $0x1  }
0x8a: {  	s1 =	srdreg.scid  }
0x8b: {  	s0 =	sand.u32 $0x1, s1  }
0x8c: {  	s15 =	sshll.u32 s0, $0xA;
	s2 =	sadd.s32 s3, s2  }
0x8d: {  	s2 =	sadd.s32 s2, s15  }
0x8e: {  	[smem:$0x3FC6] =	sst s2  }
0x8f: {  	_ = 	snop  }
0x90: {  	s2 =	sld [smem:$0x3FD0];
	_ =	sdelay $0x1  }
0x91: {  	s16 =	sld [smem:$0x3FC9]  }
0x92: {  	s5 =	simm.s32 $0xA;
	s6 =	simm.s32 $0x10;
	s4 =	sld [smem:$0x3FC8]  }
0x93: {  	[smem:s6], [sflag:s5] =	dma.local [hbm:s2], $0x1  }
0x94: {  	_ =	swait.eq [sflag:s5], $0x1  }
0x95: {  	[sflag:s5] =	ssyncset.done $0x0  }
0x96: {  	[sflag:s5] =	ssyncadd.s32 $0xFFFFFFFF  }
0x97: {  	s17 =	sld [smem:$0x10];
	(tm) =	ssettm $0x1  }
0x98: {  	s18 =	sld [smem:$0x3FFB];
	_ =	sdelay $0x3  }
0x99: {  	_ =	strace s18  }
0x9a: {  	s5 =	sld [smem:$0x3FFC];
	_ =	sdelay $0x3  }
0x9b: {  	_ =	strace s5  }
0x9c: {  	s5 =	sld [smem:$0x3FFD];
	_ =	sdelay $0x3  }
0x9d: {  	_ =	strace s5  }
0x9e: {  	_ =	strace $0x8FFFFFFF  }
0x9f: {  	s19 =	sld [smem:$0x3FDB];
	_ =	sdelay $0x1  }
0xa0: {  	s20 =	simm.s32 $_scs_section_size  }
0xa1: {  	s7 =	simm.s32 $_size__tile_overlayer_lowered;
	s8 =	simm.s32 $_tile_overlayer_lowered  }
0xa2: {  	s23 =	simm.s32 $0x1BFF;
	s22 =	sshll.u32 s8, $0x1;
	s5 =	sadd.s32 s20, s19  }
0xa3: {  	s9 =	simm.s32 $0x0;
	s21 =	sshll.u32 s7, $0x1;
	s7 =	sadd.s32 s22, s5  }
0xa4: {  	[timem:s9], [sflag:s23] =	dma.local [hbm:s7], s21  }
0xa5: {  	_ =	swait.ge [sflag:s23], s21  }
0xa6: {  	s6 =	ssub.s32 $0x0, s21;
	[sflag:s23] =	ssyncset.done $0x0  }
0xa7: {  	[sflag:s23] =	ssyncadd.s32 s6;
	_ =	sdelay $0x1  }
0xa8: {  	s24 =	simm.s32 $0x1B8B  }
0xa9: {  	_ =	swait.ge [sflag:s24], $0x1  }
0xaa: {  	[sflag:s24] =	ssyncset.done $0x0  }
0xab: {  	s25 =	simm.s32 $0x1B8E;
	[sflag:s24] =	ssyncadd.s32 $0xFFFFFFFF  }
0xac: {  	s26 =	simm.s32 $execute0_lowered;
	[smem:$0x3FD2] =	sst s25  }
0xad: {  	s6 =	sshll.u32 s26, $0x1;
	_ =	strace $0x80000046;
	[dreg:$0x1] =	wrdreg $0xFFFFFFFF  }
0xae: {  	s28 =	simm.s32 $_size_execute0_lowered;
	s5 =	sadd.s32 s5, s6;
	[dreg:$0x0] =	wrdreg $0x0  }
0xaf: {  	s6 =	sshll.u32 s28, $0x1;
	[dreg:$0x2] =	wrdreg s5  }
0xb0: {  	[dreg:$0x3] =	wrdreg s6  }
0xb1: {  	[dreg:$0x4] =	wrdreg $0xC0  }
0xb2: {  	_ =	task [dreg:s9], $0x5FFFF  }
0xb3: {  	[dreg:$0x1] =	wrdreg $0xFFFFFFFF  }
0xb4: {  	[dreg:$0x0] =	wrdreg $0x60  }
0xb5: {  	[dreg:$0x2] =	wrdreg s16  }
0xb6: {  	[dreg:$0x3] =	wrdreg s4  }
0xb7: {  	[dreg:$0x4] =	wrdreg s17  }
0xb8: {  	[dreg:$0x5] =	wrdreg $0x9  }
0xb9: {  	_ =	task.clear_ibuf [dreg:s9], $0x6FFFF;
	_ =	strace $0x90000046  }
0xba: {  	s29 =	simm.s32 $0x9;
	_ =	strace $0x80000048  }
0xbb: {  	_ =	swait.ge [sflag:s29], $0x1  }
0xbc: {  	[sflag:s29] =	ssyncadd.s32 $0xFFFFFFFF  }
0xbd: {  	_ =	strace $0x90000048  }
0xbe: {  	_ =	sfence  }
0xbf: {  	s30 =	sld [smem:$0x0];
	_ =	sdelay $0x2  }
0xc0: {  	s31 =	sshll.u32 s1, $0xD;
	s1 =	sshrl.u32 s1, $0x2  }
0xc1: {  	s3 =	sand.u32 $0x4000, s31;
	s1 =	sadd.s32 s1, s30  }
0xc2: {  	s0 =	sor.u32 s3, s0;
	s1 =	sshll.u32 s1, $0x11  }
0xc3: {  	s0 =	sor.u32 s1, s0  }
0xc4: {  	s0 =	sadd.s32 $0x8F2B, s0  }
0xc5: {  	[sflag:s0] =	ssyncadd.remote.s32 $0x1  }
0xc6: {  	_ =	sfence.sel $0xFFFF  }
0xc7: {  	[dreg:$0x0] =	wrdreg $0xFFFFFFFF;
	(pc) =	sbr.abs _section_cstart, $3  }
0xc8: {  	[dreg:$0x1] =	wrdreg $0xFFFFFFFF  }
0xc9: {  	_ =	task.clear_ibuf [dreg:s9], $0x2FFFF;
	_ =	strace $0x9FFFFFFF  }
0xca: {  	(tm) =	ssettm $0x7FFFFFFF  }
0xcb: {  	_ =	shalt  }
tec
execute0_lowered:
.L_overlay_start_1:
0x0: {  	(tag) =	ssettag $0x1  }
0x1: {  	s0 =	rddreg [dreg:$0x0];
	s2 =	srdreg.scid  }
0x2: {  	s7 =	simm.s32 $0x0;
	s4 =	stileid.u32;
	s2 =	sand.u32 $0x1, s2  }
0x3: {  	s4 =	sshll.u32 s4, $0xE;
	s3 =	ssub.s32 $0x2, s2;
	s2 =	sshll.u32 s2, $0xD  }
0x4: {  	[smem:$0x7FF] =	sst s7;
	s2 =	sor.u32 s2, s4  }
0x5: {  	s1 =	rddreg [dreg:$0x2];
	_ =	strace $0x80000047;
	s28 =	sadd.s32 s0, s2  }
0x6: {  	s4 =	sor.u32 $0x1000, s2;
	s29 =	sadd.s32 s1, s2;
	[dreg:$0x12] =	wrdreg s28  }
0x7: {  	s5 =	sshrl.u32 s3, $0x1;
	s0 =	sadd.s32 s0, s4;
	[dreg:$0x14] =	wrdreg s29  }
0x8: {  	s3 =	ssub.s32 s3, s5;
	s30 =	sadd.s32 s1, s4;
	[dreg:$0x13] =	wrdreg s0  }
0x9: {  	s9 =	simm.s32 $0x200;
	s31 =	smax.u32 s3, $0x1;
	[dreg:$0x15] =	wrdreg s30  }
0xa: {  	s10 =	simm.s32 $0x8200;
	s2 =	simm.s32 $0x0;
	[dreg:$0x16] =	wrdreg s31  }
.LBB2_1:
0xb: {  	[dreg:$0x17] =	wrdreg s2  }
0xc: {  	s0 =	rddreg [dreg:$0x1]  }
0xd: {  	[tilespmem:s7], [sflag:$0x1] =	stream.linear.gather [hbm4b:s0+s7], $0x200, $0x38;
	[tilespmem:$0x18200] =	vst v63  }
0xe: {  	s3 =	rddreg [dreg:$0x12]  }
0xf: {  	[tilespmem:s9], [sflag:$0x2] =	stream.linear.gather [hbm4b:s3+s7], $0x8000, $0x38;
	[tilespmem:$0x18200] =	vst v63  }
0x10: {  	s4 =	rddreg [dreg:$0x13];
	s5 =	simm.s32 $0x1  }
0x11: {  	[tilespmem:s10], [sflag:$0x2] =	stream.linear.gather [hbm4b:s4+s7], $0x8000, $0x38;
	[tilespmem:$0x18200] =	vst v63  }
0x12: {  	_ =	swait.ge [sflag:s5], $0x200  }
0x13: {  	[sflag:s5] =	ssyncset.done $0x0  }
0x14: {  	s6 =	simm.s32 $0x2;
	[sflag:s5] =	ssyncadd.s32 $0xFFFFFE00  }
0x15: {  	_ =	swait.ge [sflag:s6], $0x8000  }
0x16: {  	[sflag:s6] =	ssyncset.done $0x0  }
0x17: {  	[sflag:s6] =	ssyncadd.s32 $0xFFFF8000  }
0x18: {  	v3 =	vld [tilespmem:$0x0];
	_ =	sdelay $0x2  }
0x19: {  	s0 =	simm.s32 $0x1  }
0x1a: {  	v5 =	vmov s0  }
0x1b: {  	v4 =	vshll.u32 v3, $0x3;
	v48 =	vand.u32 $0x7F, v3;
	v3 =	vshll.u32 v5, $0x9  }
0x1c: {  	v9 =	vld [tilespmem:$0x10];
	v11 =	vand.u32 $0x7000, v3;
	v3 =	vshll.u32 v5, $0x7  }
0x1d: {  	v12 =	vand.u32 $0x380, v3;
	v3 =	vld [tilespmem:$0x1A0]  }
0x1e: {  	v29 =	vld [tilespmem:$0x20]  }
0x1f: {  	v30 =	vld [tilespmem:$0x30]  }
0x20: {  	v31 =	vld [tilespmem:$0x40]  }
0x21: {  	v32 =	vld [tilespmem:$0x50]  }
0x22: {  	[tilespmem:$0x1FD40] =	vst v3;
	v3 =	vld [tilespmem:$0x1B0]  }
0x23: {  	v33 =	vld [tilespmem:$0x60]  }
0x24: {  	v28 =	vld [tilespmem:$0x70]  }
0x25: {  	v27 =	vld [tilespmem:$0x80]  }
0x26: {  	v19 =	vld [tilespmem:$0x90]  }
0x27: {  	[tilespmem:$0x1FDD0] =	vst v3;
	v3 =	vld [tilespmem:$0x1C0]  }
0x28: {  	v7 =	vmov s7;
	v2 =	vld [tilespmem:$0xA0];
	v49 =	vand.u32 $0xFFFFFC00, v4  }
0x29: {  	v8 =	vshll.u32 v7, $0x9;
	v1 =	vld [tilespmem:$0xB0];
	v10 =	vadd.s32 v49, v11  }
0x2a: {  	v14 =	vand.u32 $0x7000, v8;
	v0 =	vld [tilespmem:$0xC0];
	v8 =	vor.u32 v12, v10  }
0x2b: {  	v26 =	vld [tilespmem:$0xD0];
	v16 =	vor.u32 v48, v8  }
0x2c: {  	[tilespmem:$0x1FE10] =	vst v3;
	v3 =	vld [tilespmem:$0x1D0]  }
0x2d: {  	v7 =	vshll.u32 v7, $0x7;
	v25 =	vld [tilespmem:$0xE0]  }
0x2e: {  	v15 =	vand.u32 $0x300, v7;
	v24 =	vld [tilespmem:$0xF0];
	v7 =	vadd.s32 v49, v14  }
0x2f: {  	v23 =	vld [tilespmem:$0x100];
	v7 =	vor.u32 v15, v7  }
0x30: {  	v34 =	vor.u32 v48, v7;
	v35 =	vld.idx.msk [tilespmem:v16+s9+$0x0], $0xffff  }
0x31: {  	[tilespmem:$0x1FE50] =	vst v3;
	v3 =	vld [tilespmem:$0x1E0]  }
0x32: {  	v22 =	vld [tilespmem:$0x110]  }
0x33: {  	v21 =	vld [tilespmem:$0x120]  }
0x34: {  	v20 =	vld [tilespmem:$0x130];
	v17 =	vshll.u32 v9, $0x3  }
0x35: {  	v60 =	vand.u32 $0xFFFFFC00, v17;
	v34 =	vld.idx.msk [tilespmem:v34+s9+$0x0], $0xffff  }
0x36: {  	v17 =	vadd.s32 v60, v11;
	[tilespmem:$0x1FE90] =	vst v3;
	v3 =	vld [tilespmem:$0x1F0]  }
0x37: {  	v18 =	vld [tilespmem:$0x140];
	v59 =	vand.u32 $0x7F, v9;
	v16 =	vor.u32 v12, v17  }
0x38: {  	v6 =	vld [tilespmem:$0x150];
	v36 =	vor.u32 v59, v16  }
0x39: {  	s16 =	simm.s32 $0x80;
	s1 =	sand.u32 $0x7000, s7;
	v13 =	vld [tilespmem:$0x190];
	v16 =	vadd.s32 v60, v14  }
0x3a: {  	s8 =	sor.u32 $0x10200, s1;
	s11 =	sand.u32 $0x380, s16;
	v37 =	vshll.u32 v29, $0x3;
	v5 =	vld [tilespmem:$0x160];
	v16 =	vor.u32 v15, v16  }
0x3b: {  	s1 =	sadd.s32 s11, s8;
	v4 =	vld [tilespmem:$0x170];
	v62 =	vand.u32 $0xFFFFFC00, v37;
	v38 =	vor.u32 v59, v16;
	[tilespmem:$0x1FEA0] =	vst v3  }
0x3c: {  	s3 =	simm.s32 $0x0;
	v51 =	vadd.s32 v62, v11;
	v10 =	vld [tilespmem:$0x180];
	[tilespmem:s1+$0x0] =	vst v35  }
0x3d: {  	s3 =	sand.u32 $0x300, s3;
	v61 =	vand.u32 $0x7F, v29;
	v35 =	vor.u32 v12, v51;
	v29 =	vld.idx.msk [tilespmem:v36+s9+$0x0], $0xffff  }
0x3e: {  	s2 =	sadd.s32 s3, s8;
	v35 =	vor.u32 v61, v35  }
0x3f: {  	v52 =	vadd.s32 v62, v14;
	[tilespmem:s2+$0x0] =	vst v34  }
0x40: {  	v54 =	vshll.u32 v30, $0x3;
	v34 =	vor.u32 v15, v52;
	v53 =	vld.idx.msk [tilespmem:v38+s9+$0x0], $0xffff  }
0x41: {  	v39 =	vand.u32 $0xFFFFFC00, v54;
	v34 =	vor.u32 v61, v34  }
0x42: {  	[tilespmem:s1+$0x10] =	vst v29;
	v29 =	vadd.s32 v39, v11  }
0x43: {  	v37 =	vand.u32 $0x7F, v30;
	v30 =	vld.idx.msk [tilespmem:v35+s9+$0x0], $0xffff;
	v29 =	vor.u32 v12, v29  }
0x44: {  	v29 =	vor.u32 v37, v29  }
0x45: {  	v55 =	vadd.s32 v39, v14;
	[tilespmem:s2+$0x10] =	vst v53  }
0x46: {  	v56 =	vshll.u32 v31, $0x3;
	v34 =	vld.idx.msk [tilespmem:v34+s9+$0x0], $0xffff;
	v35 =	vor.u32 v15, v55  }
0x47: {  	v38 =	vand.u32 $0xFFFFFC00, v56;
	v35 =	vor.u32 v37, v35  }
0x48: {  	[tilespmem:s1+$0x20] =	vst v30;
	v30 =	vadd.s32 v38, v11  }
0x49: {  	v9 =	vand.u32 $0x7F, v31;
	v29 =	vld.idx.msk [tilespmem:v29+s9+$0x0], $0xffff;
	v30 =	vor.u32 v12, v30  }
0x4a: {  	v30 =	vor.u32 v9, v30  }
0x4b: {  	v31 =	vadd.s32 v38, v14;
	[tilespmem:s2+$0x20] =	vst v34  }
0x4c: {  	v57 =	vshll.u32 v32, $0x3;
	v31 =	vor.u32 v15, v31;
	v34 =	vld.idx.msk [tilespmem:v35+s9+$0x0], $0xffff  }
0x4d: {  	v17 =	vand.u32 $0xFFFFFC00, v57;
	v31 =	vor.u32 v9, v31  }
0x4e: {  	[tilespmem:s1+$0x30] =	vst v29;
	v29 =	vadd.s32 v17, v11  }
0x4f: {  	v42 =	vand.u32 $0x7F, v32;
	v30 =	vld.idx.msk [tilespmem:v30+s9+$0x0], $0xffff;
	v29 =	vor.u32 v12, v29  }
0x50: {  	v29 =	vor.u32 v42, v29  }
0x51: {  	v58 =	vadd.s32 v17, v14;
	[tilespmem:s2+$0x30] =	vst v34  }
0x52: {  	v63 =	vshll.u32 v33, $0x3;
	v32 =	vor.u32 v15, v58;
	v31 =	vld.idx.msk [tilespmem:v31+s9+$0x0], $0xffff  }
0x53: {  	v44 =	vand.u32 $0xFFFFFC00, v63;
	v32 =	vor.u32 v42, v32  }
0x54: {  	[tilespmem:s1+$0x40] =	vst v30;
	v30 =	vadd.s32 v44, v11  }
0x55: {  	v46 =	vand.u32 $0x7F, v33;
	v29 =	vld.idx.msk [tilespmem:v29+s9+$0x0], $0xffff;
	v30 =	vor.u32 v12, v30  }
0x56: {  	v30 =	vor.u32 v46, v30  }
0x57: {  	[tilespmem:s2+$0x40] =	vst v31;
	v31 =	vadd.s32 v44, v14  }
0x58: {  	v36 =	vshll.u32 v28, $0x3;
	v32 =	vld.idx.msk [tilespmem:v32+s9+$0x0], $0xffff;
	v31 =	vor.u32 v15, v31  }
0x59: {  	v50 =	vand.u32 $0xFFFFFC00, v36;
	v31 =	vor.u32 v46, v31  }
0x5a: {  	[tilespmem:s1+$0x50] =	vst v29;
	v29 =	vadd.s32 v50, v11  }
0x5b: {  	v54 =	vand.u32 $0x7F, v28;
	v28 =	vld.idx.msk [tilespmem:v30+s9+$0x0], $0xffff;
	v29 =	vor.u32 v12, v29  }
0x5c: {  	v29 =	vor.u32 v54, v29  }
0x5d: {  	[tilespmem:s2+$0x50] =	vst v32;
	v30 =	vadd.s32 v50, v14  }
0x5e: {  	v40 =	vshll.u32 v27, $0x3;
	v31 =	vld.idx.msk [tilespmem:v31+s9+$0x0], $0xffff;
	v30 =	vor.u32 v15, v30  }
0x5f: {  	v36 =	vand.u32 $0xFFFFFC00, v40;
	v30 =	vor.u32 v54, v30  }
0x60: {  	[tilespmem:s1+$0x60] =	vst v28;
	v28 =	vadd.s32 v36, v11  }
0x61: {  	v35 =	vand.u32 $0x7F, v27;
	v27 =	vld.idx.msk [tilespmem:v29+s9+$0x0], $0xffff;
	v28 =	vor.u32 v12, v28  }
0x62: {  	v28 =	vor.u32 v35, v28  }
0x63: {  	[tilespmem:s2+$0x60] =	vst v31;
	v29 =	vadd.s32 v36, v14  }
0x64: {  	v31 =	vshll.u32 v19, $0x3;
	v30 =	vld.idx.msk [tilespmem:v30+s9+$0x0], $0xffff;
	v29 =	vor.u32 v15, v29  }
0x65: {  	v53 =	vand.u32 $0xFFFFFC00, v31;
	v29 =	vor.u32 v35, v29  }
0x66: {  	[tilespmem:s1+$0x70] =	vst v27;
	v27 =	vadd.s32 v53, v11  }
0x67: {  	v56 =	vand.u32 $0x7F, v19;
	v19 =	vld.idx.msk [tilespmem:v28+s9+$0x0], $0xffff;
	v27 =	vor.u32 v12, v27  }
0x68: {  	v27 =	vor.u32 v56, v27  }
0x69: {  	[tilespmem:s2+$0x70] =	vst v30;
	v28 =	vadd.s32 v53, v14  }
0x6a: {  	v30 =	vshll.u32 v2, $0x3;
	v29 =	vld.idx.msk [tilespmem:v29+s9+$0x0], $0xffff;
	v28 =	vor.u32 v15, v28  }
0x6b: {  	v40 =	vand.u32 $0xFFFFFC00, v30;
	v28 =	vor.u32 v56, v28  }
0x6c: {  	[tilespmem:s1+$0x400] =	vst v19;
	v19 =	vadd.s32 v40, v11  }
0x6d: {  	v43 =	vand.u32 $0x7F, v2;
	v2 =	vld.idx.msk [tilespmem:v27+s9+$0x0], $0xffff;
	v19 =	vor.u32 v12, v19  }
0x6e: {  	v19 =	vor.u32 v43, v19  }
0x6f: {  	[tilespmem:s2+$0x400] =	vst v29;
	v27 =	vadd.s32 v40, v14  }
0x70: {  	v45 =	vand.u32 $0x7F, v0;
	v29 =	vshll.u32 v1, $0x3;
	v28 =	vld.idx.msk [tilespmem:v28+s9+$0x0], $0xffff;
	v27 =	vor.u32 v15, v27  }
0x71: {  	s12 =	simm.s32 $0x2;
	v0 =	vshll.u32 v0, $0x3;
	v3 =	vand.u32 $0xFFFFFC00, v29;
	v27 =	vor.u32 v43, v27  }
0x72: {  	v8 =	vand.u32 $0x7F, v1;
	v1 =	vmov s12;
	[tilespmem:s1+$0x410] =	vst v2;
	v2 =	vadd.s32 v3, v11  }
0x73: {  	s13 =	simm.s32 $0x3;
	v58 =	vand.u32 $0xFFFFFC00, v0;
	v29 =	vshll.u32 v1, $0x7;
	v19 =	vld.idx.msk [tilespmem:v19+s9+$0x0], $0xffff;
	v0 =	vor.u32 v12, v2  }
0x74: {  	v2 =	vmov s13;
	v30 =	vor.u32 v8, v0;
	v0 =	vadd.s32 v3, v14  }
0x75: {  	[tilespmem:s2+$0x410] =	vst v28;
	v28 =	vshll.u32 v1, $0x9;
	v1 =	vshll.u32 v2, $0x9;
	v31 =	vor.u32 v15, v0  }
0x76: {  	v27 =	vld.idx.msk [tilespmem:v27+s9+$0x0], $0xffff;
	v0 =	vand.u32 $0x7000, v1;
	v1 =	vshll.u32 v2, $0x7;
	v2 =	vand.u32 $0x300, v29  }
0x77: {  	v31 =	vor.u32 v8, v31;
	v29 =	vadd.s32 v49, v0;
	v1 =	vand.u32 $0x380, v1  }
0x78: {  	[tilespmem:s1+$0x420] =	vst v19;
	v19 =	vand.u32 $0x7000, v28;
	v28 =	vor.u32 v1, v29  }
0x79: {  	v29 =	vadd.s32 v58, v11;
	v28 =	vor.u32 v48, v28  }
0x7a: {  	v30 =	vld.idx.msk [tilespmem:v30+s9+$0x0], $0xffff;
	v29 =	vor.u32 v12, v29;
	v41 =	vadd.s32 v49, v19  }
0x7b: {  	[tilespmem:s2+$0x420] =	vst v27;
	v27 =	vadd.s32 v58, v14;
	v29 =	vor.u32 v45, v29;
	v32 =	vor.u32 v2, v41  }
0x7c: {  	v27 =	vor.u32 v15, v27;
	v31 =	vld.idx.msk [tilespmem:v31+s9+$0x0], $0xffff;
	v32 =	vor.u32 v48, v32  }
0x7d: {  	v47 =	vshll.u32 v26, $0x3;
	v51 =	vadd.s32 v60, v0;
	v27 =	vor.u32 v45, v27  }
0x7e: {  	v63 =	vand.u32 $0x7F, v26;
	v7 =	vand.u32 $0xFFFFFC00, v47;
	v26 =	vld.idx.msk [tilespmem:v28+s9+$0x0], $0xffff;
	v28 =	vor.u32 v1, v51  }
0x7f: {  	s14 =	simm.s32 $0x400;
	[tilespmem:s1+$0x430] =	vst v30;
	v30 =	vadd.s32 v7, v11;
	v28 =	vor.u32 v59, v28  }
0x80: {  	s3 =	sand.u32 $0x7000, s14;
	s4 =	simm.s32 $0x180;
	v55 =	vshll.u32 v25, $0x3;
	v29 =	vld.idx.msk [tilespmem:v29+s9+$0x0], $0xffff;
	v30 =	vor.u32 v12, v30  }
0x81: {  	s3 =	sor.u32 $0x10200, s3;
	s4 =	sand.u32 $0x380, s4;
	v16 =	vand.u32 $0xFFFFFC00, v55;
	v52 =	vadd.s32 v60, v19;
	v30 =	vor.u32 v63, v30;
	v32 =	vld.idx.msk [tilespmem:v32+s9+$0x0], $0xffff;
	[tilespmem:s2+$0x430] =	vst v31  }
0x82: {  	s20 =	sadd.s32 s4, s3;
	v33 =	vadd.s32 v7, v14;
	v31 =	vor.u32 v2, v52;
	v27 =	vld.idx.msk [tilespmem:v27+s9+$0x0], $0xffff;
	[tilespmem:$0x1FD80] =	vst v16  }
0x83: {  	v33 =	vor.u32 v15, v33;
	v31 =	vor.u32 v59, v31;
	[tilespmem:s20+$0x0] =	vst v26  }
0x84: {  	s15 =	simm.s32 $0x100;
	v33 =	vor.u32 v63, v33;
	v26 =	vadd.s32 v62, v0;
	v28 =	vld.idx.msk [tilespmem:v28+s9+$0x0], $0xffff  }
0x85: {  	s4 =	sand.u32 $0x300, s15;
	[tilespmem:s1+$0x440] =	vst v29;
	v26 =	vor.u32 v1, v26;
	v29 =	vadd.s32 v16, v11  }
0x86: {  	s24 =	sadd.s32 s4, s3;
	v34 =	vand.u32 $0x7F, v25;
	v25 =	vld.idx.msk [tilespmem:v30+s9+$0x0], $0xffff;
	v26 =	vor.u32 v61, v26;
	v29 =	vor.u32 v12, v29  }
0x87: {  	[tilespmem:s24+$0x0] =	vst v32;
	v30 =	vadd.s32 v62, v19;
	v29 =	vor.u32 v34, v29  }
0x88: {  	v41 =	vshll.u32 v24, $0x3;
	v31 =	vld.idx.msk [tilespmem:v31+s9+$0x0], $0xffff;
	[tilespmem:s2+$0x440] =	vst v27;
	v27 =	vadd.s32 v16, v14;
	v30 =	vor.u32 v2, v30  }
0x89: {  	v16 =	vand.u32 $0xFFFFFC00, v41;
	v57 =	vld.idx.msk [tilespmem:v33+s9+$0x0], $0xffff;
	v27 =	vor.u32 v15, v27;
	v30 =	vor.u32 v61, v30;
	[tilespmem:s20+$0x10] =	vst v28  }
0x8a: {  	v27 =	vor.u32 v34, v27;
	v28 =	vadd.s32 v39, v0;
	[tilespmem:$0x1FDC0] =	vst v16  }
0x8b: {  	v33 =	vand.u32 $0x7F, v24;
	v24 =	vor.u32 v1, v28;
	v28 =	vadd.s32 v16, v11;
	v26 =	vld.idx.msk [tilespmem:v26+s9+$0x0], $0xffff;
	[tilespmem:s1+$0x450] =	vst v25  }
0x8c: {  	v24 =	vor.u32 v37, v24;
	v28 =	vor.u32 v12, v28;
	v25 =	vld.idx.msk [tilespmem:v29+s9+$0x0], $0xffff  }
0x8d: {  	[tilespmem:s24+$0x10] =	vst v31;
	v29 =	vadd.s32 v39, v19;
	v28 =	vor.u32 v33, v28  }
0x8e: {  	v31 =	vadd.s32 v16, v14;
	[tilespmem:s2+$0x450] =	vst v57;
	v30 =	vld.idx.msk [tilespmem:v30+s9+$0x0], $0xffff;
	v29 =	vor.u32 v2, v29  }
0x8f: {  	v31 =	vor.u32 v15, v31;
	v27 =	vld.idx.msk [tilespmem:v27+s9+$0x0], $0xffff;
	v29 =	vor.u32 v37, v29  }
0x90: {  	v31 =	vor.u32 v33, v31;
	[tilespmem:s20+$0x20] =	vst v26;
	v26 =	vshll.u32 v23, $0x3  }
0x91: {  	v47 =	vadd.s32 v38, v0;
	[tilespmem:s1+$0x460] =	vst v25;
	v52 =	vand.u32 $0xFFFFFC00, v26;
	v24 =	vld.idx.msk [tilespmem:v24+s9+$0x0], $0xffff  }
0x92: {  	v25 =	vor.u32 v1, v47;
	v26 =	vld.idx.msk [tilespmem:v28+s9+$0x0], $0xffff;
	v28 =	vadd.s32 v52, v11  }
0x93: {  	v32 =	vand.u32 $0x7F, v23;
	[tilespmem:s24+$0x20] =	vst v30;
	v25 =	vor.u32 v9, v25;
	v23 =	vor.u32 v12, v28  }
0x94: {  	[tilespmem:s2+$0x460] =	vst v27;
	v27 =	vadd.s32 v38, v19;
	v28 =	vld.idx.msk [tilespmem:v29+s9+$0x0], $0xffff;
	v23 =	vor.u32 v32, v23  }
0x95: {  	v30 =	vadd.s32 v52, v14;
	v27 =	vor.u32 v2, v27;
	v29 =	vld.idx.msk [tilespmem:v31+s9+$0x0], $0xffff  }
0x96: {  	v30 =	vor.u32 v15, v30;
	v27 =	vor.u32 v9, v27;
	[tilespmem:s20+$0x30] =	vst v24  }
0x97: {  	v24 =	vor.u32 v32, v30;
	[tilespmem:s1+$0x470] =	vst v26;
	v26 =	vshll.u32 v22, $0x3  }
0x98: {  	v25 =	vld.idx.msk [tilespmem:v25+s9+$0x0], $0xffff;
	v51 =	vand.u32 $0xFFFFFC00, v26;
	v26 =	vadd.s32 v17, v0  }
0x99: {  	v30 =	vand.u32 $0x7F, v22;
	[tilespmem:s24+$0x30] =	vst v28;
	v22 =	vor.u32 v1, v26;
	v23 =	vld.idx.msk [tilespmem:v23+s9+$0x0], $0xffff;
	v26 =	vadd.s32 v51, v11  }
0x9a: {  	[tilespmem:s2+$0x470] =	vst v29;
	v28 =	vadd.s32 v17, v19;
	v22 =	vor.u32 v42, v22;
	v26 =	vor.u32 v12, v26  }
0x9b: {  	v27 =	vld.idx.msk [tilespmem:v27+s9+$0x0], $0xffff;
	v28 =	vor.u32 v2, v28;
	v29 =	vadd.s32 v51, v14;
	v26 =	vor.u32 v30, v26  }
0x9c: {  	v29 =	vor.u32 v15, v29;
	v28 =	vor.u32 v42, v28;
	v24 =	vld.idx.msk [tilespmem:v24+s9+$0x0], $0xffff  }
0x9d: {  	[tilespmem:s20+$0x40] =	vst v25;
	v25 =	vor.u32 v30, v29  }
0x9e: {  	[tilespmem:s1+$0x800] =	vst v23;
	v23 =	vshll.u32 v21, $0x3  }
0x9f: {  	v47 =	vand.u32 $0xFFFFFC00, v23;
	v22 =	vld.idx.msk [tilespmem:v22+s9+$0x0], $0xffff;
	v23 =	vadd.s32 v44, v0  }
0xa0: {  	v16 =	vand.u32 $0x7F, v21;
	[tilespmem:s24+$0x40] =	vst v27;
	v21 =	vor.u32 v1, v23;
	v23 =	vld.idx.msk [tilespmem:v26+s9+$0x0], $0xffff  }
0xa1: {  	[tilespmem:s2+$0x800] =	vst v24;
	v24 =	vadd.s32 v47, v11;
	v26 =	vld.idx.msk [tilespmem:v28+s9+$0x0], $0xffff  }
0xa2: {  	v27 =	vadd.s32 v44, v19;
	v21 =	vor.u32 v46, v21;
	v24 =	vor.u32 v12, v24;
	v25 =	vld.idx.msk [tilespmem:v25+s9+$0x0], $0xffff  }
0xa3: {  	v27 =	vor.u32 v2, v27;
	v24 =	vor.u32 v16, v24  }
0xa4: {  	v28 =	vadd.s32 v47, v14;
	v27 =	vor.u32 v46, v27;
	[tilespmem:s20+$0x50] =	vst v22  }
0xa5: {  	v28 =	vor.u32 v15, v28;
	[tilespmem:s1+$0x810] =	vst v23  }
0xa6: {  	v22 =	vor.u32 v16, v28;
	v23 =	vshll.u32 v20, $0x3;
	[tilespmem:s24+$0x50] =	vst v26  }
0xa7: {  	v41 =	vand.u32 $0xFFFFFC00, v23;
	v21 =	vld.idx.msk [tilespmem:v21+s9+$0x0], $0xffff;
	v23 =	vadd.s32 v50, v0;
	[tilespmem:s2+$0x810] =	vst v25  }
0xa8: {  	v31 =	vand.u32 $0x7F, v20;
	v20 =	vor.u32 v1, v23;
	v23 =	vld.idx.msk [tilespmem:v24+s9+$0x0], $0xffff;
	[tilespmem:$0x1FEE0] =	vst v54  }
0xa9: {  	v25 =	vld.idx.msk [tilespmem:v27+s9+$0x0], $0xffff  }
0xaa: {  	v24 =	vadd.s32 v41, v11;
	v20 =	vor.u32 v54, v20  }
0xab: {  	v26 =	vadd.s32 v50, v19;
	v24 =	vor.u32 v12, v24;
	v22 =	vld.idx.msk [tilespmem:v22+s9+$0x0], $0xffff  }
0xac: {  	v26 =	vor.u32 v2, v26;
	v27 =	vadd.s32 v41, v14;
	v24 =	vor.u32 v31, v24;
	[tilespmem:s20+$0x60] =	vst v21  }
0xad: {  	v26 =	vor.u32 v54, v26;
	v27 =	vor.u32 v15, v27;
	[tilespmem:s1+$0x820] =	vst v23  }
0xae: {  	v21 =	vor.u32 v31, v27;
	[tilespmem:s24+$0x60] =	vst v25  }
0xaf: {  	v20 =	vld.idx.msk [tilespmem:v20+s9+$0x0], $0xffff;
	[tilespmem:$0x1FF00] =	vst v36  }
0xb0: {  	v23 =	vshll.u32 v18, $0x3;
	[tilespmem:s2+$0x820] =	vst v22  }
0xb1: {  	v54 =	vand.u32 $0xFFFFFC00, v23;
	v23 =	vadd.s32 v36, v0;
	v22 =	vld.idx.msk [tilespmem:v24+s9+$0x0], $0xffff;
	[tilespmem:$0x1FF20] =	vst v35  }
0xb2: {  	v25 =	vmovc v36;
	v36 =	vand.u32 $0x7F, v18;
	v18 =	vor.u32 v1, v23;
	v23 =	vadd.s32 v54, v11;
	v24 =	vld.idx.msk [tilespmem:v26+s9+$0x0], $0xffff  }
0xb3: {  	v25 =	vadd.s32 v25, v19;
	v18 =	vor.u32 v35, v18;
	v23 =	vor.u32 v12, v23;
	v21 =	vld.idx.msk [tilespmem:v21+s9+$0x0], $0xffff  }
0xb4: {  	v25 =	vor.u32 v2, v25;
	v23 =	vor.u32 v36, v23  }
0xb5: {  	v25 =	vor.u32 v35, v25;
	v26 =	vadd.s32 v54, v14;
	[tilespmem:s20+$0x70] =	vst v20  }
0xb6: {  	v26 =	vor.u32 v15, v26;
	[tilespmem:s1+$0x830] =	vst v22  }
0xb7: {  	v20 =	vor.u32 v36, v26;
	[tilespmem:s24+$0x70] =	vst v24  }
0xb8: {  	v22 =	vshll.u32 v6, $0x3;
	v18 =	vld.idx.msk [tilespmem:v18+s9+$0x0], $0xffff;
	[tilespmem:s2+$0x830] =	vst v21  }
0xb9: {  	v55 =	vand.u32 $0xFFFFFC00, v22;
	v22 =	vadd.s32 v53, v0;
	v21 =	vld.idx.msk [tilespmem:v23+s9+$0x0], $0xffff;
	[tilespmem:$0x1FF40] =	vst v56  }
0xba: {  	v35 =	vand.u32 $0x7F, v6;
	v6 =	vor.u32 v1, v22;
	v22 =	vadd.s32 v55, v11;
	v23 =	vld.idx.msk [tilespmem:v25+s9+$0x0], $0xffff  }
0xbb: {  	v6 =	vor.u32 v56, v6;
	v22 =	vor.u32 v12, v22  }
0xbc: {  	v24 =	vadd.s32 v53, v19;
	v22 =	vor.u32 v35, v22;
	v20 =	vld.idx.msk [tilespmem:v20+s9+$0x0], $0xffff  }
0xbd: {  	v24 =	vor.u32 v2, v24;
	v25 =	vadd.s32 v55, v14;
	[tilespmem:s20+$0x400] =	vst v18  }
0xbe: {  	v24 =	vor.u32 v56, v24;
	v25 =	vor.u32 v15, v25;
	[tilespmem:s1+$0x840] =	vst v21  }
0xbf: {  	v18 =	vor.u32 v35, v25;
	[tilespmem:s24+$0x400] =	vst v23  }
0xc0: {  	v21 =	vshll.u32 v5, $0x3;
	v6 =	vld.idx.msk [tilespmem:v6+s9+$0x0], $0xffff;
	[tilespmem:$0x1FF60] =	vst v40  }
0xc1: {  	v56 =	vand.u32 $0xFFFFFC00, v21;
	v21 =	vadd.s32 v40, v0;
	[tilespmem:s2+$0x840] =	vst v20;
	v20 =	vld.idx.msk [tilespmem:v22+s9+$0x0], $0xffff  }
0xc2: {  	v23 =	vmov v40;
	v40 =	vand.u32 $0x7F, v5;
	v5 =	vor.u32 v1, v21;
	[tilespmem:$0x1FF80] =	vst v43  }
0xc3: {  	v21 =	vadd.s32 v56, v11;
	v5 =	vor.u32 v43, v5;
	v22 =	vld.idx.msk [tilespmem:v24+s9+$0x0], $0xffff  }
0xc4: {  	v23 =	vadd.s32 v23, v19;
	v21 =	vor.u32 v12, v21;
	v18 =	vld.idx.msk [tilespmem:v18+s9+$0x0], $0xffff;
	v24 =	vadd.s32 v56, v14  }
0xc5: {  	v23 =	vor.u32 v2, v23;
	v21 =	vor.u32 v40, v21;
	[tilespmem:s20+$0x410] =	vst v6;
	v24 =	vor.u32 v15, v24  }
0xc6: {  	v23 =	vor.u32 v43, v23;
	v6 =	vor.u32 v40, v24;
	v24 =	vshll.u32 v4, $0x3;
	[tilespmem:s1+$0x850] =	vst v20  }
0xc7: {  	v25 =	vand.u32 $0x7F, v4;
	v4 =	vadd.s32 v3, v0;
	[tilespmem:$0x1FF90] =	vst v3  }
0xc8: {  	v57 =	vand.u32 $0xFFFFFC00, v24;
	v4 =	vor.u32 v1, v4;
	[tilespmem:s24+$0x410] =	vst v22;
	v5 =	vld.idx.msk [tilespmem:v5+s9+$0x0], $0xffff  }
0xc9: {  	v24 =	vmovc v3;
	v3 =	vshll.u32 v10, $0x3;
	[tilespmem:s2+$0x850] =	vst v18;
	v18 =	vor.u32 v8, v4;
	v4 =	vadd.s32 v57, v11  }
0xca: {  	v43 =	vand.u32 $0xFFFFFC00, v3;
	v3 =	vld.idx.msk [tilespmem:v21+s9+$0x0], $0xffff;
	[tilespmem:$0x1FFB0] =	vst v8;
	v4 =	vor.u32 v12, v4;
	v22 =	vadd.s32 v24, v19  }
0xcb: {  	v21 =	vadd.s32 v57, v14;
	v20 =	vld.idx.msk [tilespmem:v23+s9+$0x0], $0xffff;
	v23 =	vor.u32 v25, v4;
	v4 =	vor.u32 v2, v22  }
0xcc: {  	v21 =	vor.u32 v15, v21;
	v6 =	vld.idx.msk [tilespmem:v6+s9+$0x0], $0xffff;
	v22 =	vor.u32 v8, v4  }
0xcd: {  	v21 =	vor.u32 v25, v21;
	[tilespmem:s20+$0x420] =	vst v5  }
0xce: {  	s17 =	simm.s32 $0x4;
	s18 =	simm.s32 $0x5;
	[tilespmem:$0x1FCC0] =	vst v25  }
0xcf: {  	v24 =	vmov s18;
	v4 =	vmov s17;
	[tilespmem:s1+$0x860] =	vst v3;
	v18 =	vld.idx.msk [tilespmem:v18+s9+$0x0], $0xffff  }
0xd0: {  	v28 =	vand.u32 $0x7F, v10;
	v26 =	vshll.u32 v4, $0x9;
	v25 =	vshll.u32 v24, $0x9;
	[tilespmem:s24+$0x420] =	vst v20;
	v23 =	vld.idx.msk [tilespmem:v23+s9+$0x0], $0xffff  }
0xd1: {  	v5 =	vshll.u32 v4, $0x7;
	v24 =	vshll.u32 v24, $0x7;
	v4 =	vand.u32 $0x7000, v25;
	[tilespmem:s2+$0x860] =	vst v6;
	v22 =	vld.idx.msk [tilespmem:v22+s9+$0x0], $0xffff  }
0xd2: {  	v3 =	vand.u32 $0x300, v5;
	v5 =	vand.u32 $0x380, v24;
	v20 =	vadd.s32 v49, v4;
	v21 =	vld.idx.msk [tilespmem:v21+s9+$0x0], $0xffff;
	[tilespmem:$0x1FCD0] =	vst v49  }
0xd3: {  	v6 =	vand.u32 $0x7000, v26;
	v24 =	vadd.s32 v58, v0;
	[tilespmem:$0x1FCE0] =	vst v58;
	v20 =	vor.u32 v5, v20  }
0xd4: {  	v25 =	vadd.s32 v43, v11;
	v24 =	vor.u32 v1, v24;
	v20 =	vor.u32 v48, v20;
	[tilespmem:s20+$0x430] =	vst v18  }
0xd5: {  	v25 =	vor.u32 v12, v25;
	v26 =	vadd.s32 v49, v6;
	v24 =	vor.u32 v45, v24;
	[tilespmem:$0x1FCF0] =	vst v48  }
0xd6: {  	v27 =	vadd.s32 v58, v19;
	v25 =	vor.u32 v28, v25;
	v26 =	vor.u32 v3, v26;
	[tilespmem:s1+$0x870] =	vst v23  }
0xd7: {  	v18 =	vor.u32 v48, v26;
	v26 =	vor.u32 v2, v27;
	[tilespmem:$0x1FD00] =	vst v45  }
0xd8: {  	v23 =	vor.u32 v45, v26;
	[tilespmem:s24+$0x430] =	vst v22  }
0xd9: {  	v20 =	vld.idx.msk [tilespmem:v20+s9+$0x0], $0xffff;
	[tilespmem:s2+$0x870] =	vst v21  }
0xda: {  	s6 =	simm.s32 $0x800;
	v21 =	vld.idx.msk [tilespmem:v24+s9+$0x0], $0xffff;
	[tilespmem:$0x1FD10] =	vst v28  }
0xdb: {  	s5 =	simm.s32 $0x280;
	s19 =	sand.u32 $0x7000, s6;
	v24 =	vld.idx.msk [tilespmem:v25+s9+$0x0], $0xffff  }
0xdc: {  	s21 =	sand.u32 $0x380, s5;
	s1 =	sor.u32 $0x10200, s19;
	v18 =	vld.idx.msk [tilespmem:v18+s9+$0x0], $0xffff  }
0xdd: {  	s22 =	sand.u32 $0x7, s7;
	s18 =	sadd.s32 s21, s1;
	v23 =	vld.idx.msk [tilespmem:v23+s9+$0x0], $0xffff;
	[tilespmem:$0x1FD20] =	vst v60  }
0xde: {  	s23 =	sshll.u32 s22, $0x7;
	[tilespmem:s18+$0x0] =	vst v20  }
0xdf: {  	s25 =	simm.s32 $0x200;
	v29 =	vand.u32 $0x7F, v13;
	v13 =	vshll.u32 v13, $0x3;
	v22 =	vadd.s32 v43, v14;
	s2 =	sadd.s32 $0x80, s23;
	[tilespmem:s20+$0x440] =	vst v21  }
0xe0: {  	s3 =	sand.u32 $0x300, s25;
	v58 =	vand.u32 $0xFFFFFC00, v13;
	v13 =	vor.u32 v15, v22;
	v22 =	vadd.s32 v60, v4;
	s26 =	sor.u32 $0xC00, s2;
	[tilespmem:$0x1FD30] =	vst v59  }
0xe1: {  	s17 =	sadd.s32 s3, s1;
	v13 =	vor.u32 v28, v13;
	v22 =	vor.u32 v5, v22;
	v25 =	vadd.s32 v7, v0;
	[tilespmem:s26+$0x10200] =	vst v24  }
0xe2: {  	v22 =	vor.u32 v59, v22;
	v25 =	vor.u32 v1, v25;
	[tilespmem:s17+$0x0] =	vst v18  }
0xe3: {  	v26 =	vadd.s32 v58, v11;
	v25 =	vor.u32 v63, v25;
	v8 =	vld [tilespmem:$0x1FD40]  }
0xe4: {  	v26 =	vor.u32 v12, v26  }
0xe5: {  	v27 =	vadd.s32 v60, v6;
	v20 =	vor.u32 v29, v26  }
0xe6: {  	v26 =	vor.u32 v3, v27;
	v13 =	vld.idx.msk [tilespmem:v13+s9+$0x0], $0xffff  }
0xe7: {  	v21 =	vor.u32 v59, v26;
	v18 =	vld.idx.msk [tilespmem:v22+s9+$0x0], $0xffff;
	[tilespmem:$0x1FD50] =	vst v7  }
0xe8: {  	s4 =	sand.u32 $0x3, s7;
	v24 =	vadd.s32 v7, v19;
	[tilespmem:s24+$0x440] =	vst v23;
	v23 =	vld.idx.msk [tilespmem:v25+s9+$0x0], $0xffff;
	v22 =	vshll.u32 v8, $0x3  }
0xe9: {  	s1 =	sshll.u32 s4, $0x8;
	[tilespmem:$0x1FD60] =	vst v63;
	v45 =	vld [tilespmem:$0x1FD80];
	v59 =	vand.u32 $0xFFFFFC00, v22;
	v22 =	vor.u32 v2, v24  }
0xea: {  	s1 =	sadd.s32 $0x0, s1;
	v20 =	vld.idx.msk [tilespmem:v20+s9+$0x0], $0xffff;
	v22 =	vor.u32 v63, v22  }
0xeb: {  	s7 =	sor.u32 $0xC00, s1;
	[tilespmem:$0x1FD70] =	vst v29;
	v24 =	vadd.s32 v58, v14  }
0xec: {  	v25 =	vadd.s32 v62, v4;
	v21 =	vld.idx.msk [tilespmem:v21+s9+$0x0], $0xffff;
	[tilespmem:s7+$0x10200] =	vst v13;
	v24 =	vor.u32 v15, v24  }
0xed: {  	v25 =	vor.u32 v5, v25;
	[tilespmem:s18+$0x10] =	vst v18;
	v24 =	vor.u32 v29, v24  }
0xee: {  	s8 =	sor.u32 $0xC10, s2;
	v13 =	vor.u32 v61, v25;
	[tilespmem:s20+$0x450] =	vst v23  }
0xef: {  	v26 =	vadd.s32 v45, v0;
	[tilespmem:s8+$0x10200] =	vst v20;
	v20 =	vld.idx.msk [tilespmem:v22+s9+$0x0], $0xffff  }
0xf0: {  	v25 =	vor.u32 v1, v26;
	[tilespmem:$0x1FD90] =	vst v62  }
0xf1: {  	v26 =	vadd.s32 v59, v11;
	v10 =	vor.u32 v34, v25;
	v22 =	vadd.s32 v62, v6;
	[tilespmem:s17+$0x10] =	vst v21  }
0xf2: {  	v60 =	vand.u32 $0x7F, v8;
	v18 =	vor.u32 v12, v26;
	v21 =	vor.u32 v3, v22;
	v22 =	vld.idx.msk [tilespmem:v24+s9+$0x0], $0xffff;
	[tilespmem:$0x1FDA0] =	vst v61  }
0xf3: {  	v18 =	vor.u32 v60, v18;
	v13 =	vld.idx.msk [tilespmem:v13+s9+$0x0], $0xffff;
	[tilespmem:$0x1FDB0] =	vst v34  }
0xf4: {  	v48 =	vld [tilespmem:$0x1FDC0];
	[tilespmem:s24+$0x450] =	vst v20  }
0xf5: {  	v7 =	vld [tilespmem:$0x1FDD0]  }
0xf6: {  	v23 =	vadd.s32 v45, v19;
	v21 =	vor.u32 v61, v21  }
0xf7: {  	v23 =	vor.u32 v2, v23;
	v24 =	vadd.s32 v59, v14;
	v10 =	vld.idx.msk [tilespmem:v10+s9+$0x0], $0xffff  }
0xf8: {  	v23 =	vor.u32 v34, v23;
	v25 =	vadd.s32 v39, v4;
	v24 =	vor.u32 v15, v24;
	v18 =	vld.idx.msk [tilespmem:v18+s9+$0x0], $0xffff  }
0xf9: {  	s11 =	sor.u32 $0xC10, s1;
	v25 =	vor.u32 v5, v25;
	v24 =	vor.u32 v60, v24;
	v26 =	vadd.s32 v48, v0  }
0xfa: {  	v20 =	vor.u32 v37, v25;
	[tilespmem:s11+$0x10200] =	vst v22;
	v25 =	vor.u32 v1, v26;
	v26 =	vshll.u32 v7, $0x3  }
0xfb: {  	[tilespmem:s18+$0x20] =	vst v13;
	v13 =	vld.idx.msk [tilespmem:v21+s9+$0x0], $0xffff;
	v63 =	vand.u32 $0xFFFFFC00, v26  }
0xfc: {  	s12 =	sor.u32 $0xC20, s2;
	v22 =	vor.u32 v33, v25;
	[tilespmem:s20+$0x460] =	vst v10;
	v21 =	vadd.s32 v63, v11  }
0xfd: {  	v10 =	vld.idx.msk [tilespmem:v23+s9+$0x0], $0xffff;
	[tilespmem:s12+$0x10200] =	vst v18;
	v61 =	vand.u32 $0x7F, v7;
	v8 =	vor.u32 v12, v21  }
0xfe: {  	v18 =	vor.u32 v61, v8;
	v8 =	vld.idx.msk [tilespmem:v24+s9+$0x0], $0xffff;
	[tilespmem:$0x1FDE0] =	vst v39  }
0xff: {  	v20 =	vld.idx.msk [tilespmem:v20+s9+$0x0], $0xffff;
	[tilespmem:$0x1FDF0] =	vst v37  }
0x100: {  	[tilespmem:s17+$0x20] =	vst v13  }
0x101: {  	v22 =	vld.idx.msk [tilespmem:v22+s9+$0x0], $0xffff;
	[tilespmem:$0x1FE00] =	vst v33  }
0x102: {  	[tilespmem:s24+$0x460] =	vst v10  }
0x103: {  	v21 =	vadd.s32 v39, v6;
	v7 =	vld [tilespmem:$0x1FE10]  }
0x104: {  	v23 =	vadd.s32 v63, v14;
	v21 =	vor.u32 v3, v21;
	v24 =	vadd.s32 v48, v19  }
0x105: {  	v23 =	vor.u32 v15, v23;
	v24 =	vor.u32 v2, v24;
	v21 =	vor.u32 v37, v21  }
0x106: {  	s13 =	sor.u32 $0xC20, s1;
	v13 =	vor.u32 v61, v23;
	v23 =	vor.u32 v33, v24;
	v24 =	vadd.s32 v38, v4  }
0x107: {  	v10 =	vor.u32 v5, v24;
	[tilespmem:s13+$0x10200] =	vst v8  }
0x108: {  	v25 =	vadd.s32 v52, v0;
	v10 =	vor.u32 v9, v10;
	[tilespmem:s18+$0x30] =	vst v20;
	v24 =	vshll.u32 v7, $0x3  }
0x109: {  	v18 =	vld.idx.msk [tilespmem:v18+s9+$0x0], $0xffff;
	[tilespmem:s20+$0x470] =	vst v22;
	v8 =	vand.u32 $0xFFFFFC00, v24;
	v24 =	vor.u32 v1, v25  }
0x10a: {  	v21 =	vld.idx.msk [tilespmem:v21+s9+$0x0], $0xffff;
	[tilespmem:$0x1FE20] =	vst v38;
	v20 =	vor.u32 v32, v24;
	v24 =	vadd.s32 v8, v11  }
0x10b: {  	v23 =	vld.idx.msk [tilespmem:v23+s9+$0x0], $0xffff;
	[tilespmem:$0x1FE30] =	vst v9;
	v7 =	vand.u32 $0x7F, v7;
	v22 =	vor.u32 v12, v24  }
0x10c: {  	v13 =	vld.idx.msk [tilespmem:v13+s9+$0x0], $0xffff;
	v24 =	vadd.s32 v38, v6;
	v22 =	vor.u32 v7, v22  }
0x10d: {  	v27 =	vld.idx.msk [tilespmem:v10+s9+$0x0], $0xffff;
	v26 =	vadd.s32 v8, v14;
	v24 =	vor.u32 v3, v24  }
0x10e: {  	s14 =	sor.u32 $0xC30, s2;
	[tilespmem:$0x1FE40] =	vst v32;
	v25 =	vadd.s32 v52, v19;
	v26 =	vor.u32 v15, v26;
	v24 =	vor.u32 v9, v24  }
0x10f: {  	[tilespmem:s14+$0x10200] =	vst v18;
	v25 =	vor.u32 v2, v25;
	v18 =	vor.u32 v7, v26;
	v20 =	vld.idx.msk [tilespmem:v20+s9+$0x0], $0xffff  }
0x110: {  	v10 =	vadd.s32 v17, v4;
	[tilespmem:s17+$0x30] =	vst v21;
	v25 =	vor.u32 v32, v25  }
0x111: {  	s15 =	sor.u32 $0xC30, s1;
	v10 =	vor.u32 v5, v10;
	[tilespmem:s24+$0x470] =	vst v23;
	v22 =	vld.idx.msk [tilespmem:v22+s9+$0x0], $0xffff  }
0x112: {  	v21 =	vor.u32 v42, v10;
	v23 =	vadd.s32 v51, v0;
	v9 =	vld [tilespmem:$0x1FE50];
	[tilespmem:s15+$0x10200] =	vst v13  }
0x113: {  	v13 =	vor.u32 v1, v23;
	[tilespmem:s18+$0x40] =	vst v27;
	v23 =	vld.idx.msk [tilespmem:v24+s9+$0x0], $0xffff  }
0x114: {  	v18 =	vld.idx.msk [tilespmem:v18+s9+$0x0], $0xffff;
	[tilespmem:s20+$0x800] =	vst v20  }
0x115: {  	s19 =	sor.u32 $0xC40, s2;
	v24 =	vld.idx.msk [tilespmem:v25+s9+$0x0], $0xffff;
	[tilespmem:$0x1FE60] =	vst v17  }
0x116: {  	[tilespmem:s19+$0x10200] =	vst v22  }
0x117: {  	v21 =	vld.idx.msk [tilespmem:v21+s9+$0x0], $0xffff;
	[tilespmem:$0x1FE70] =	vst v42  }
0x118: {  	v10 =	vshll.u32 v9, $0x3;
	[tilespmem:s17+$0x40] =	vst v23  }
0x119: {  	v10 =	vand.u32 $0xFFFFFC00, v10;
	[tilespmem:$0x1FE80] =	vst v30  }
0x11a: {  	s21 =	sor.u32 $0xC40, s1;
	v13 =	vor.u32 v30, v13;
	v25 =	vadd.s32 v10, v11;
	[tilespmem:s24+$0x800] =	vst v24  }
0x11b: {  	v9 =	vand.u32 $0x7F, v9;
	v20 =	vor.u32 v12, v25;
	[tilespmem:s21+$0x10200] =	vst v18  }
0x11c: {  	v25 =	vadd.s32 v17, v6;
	v20 =	vor.u32 v9, v20;
	v17 =	vld [tilespmem:$0x1FE90]  }
0x11d: {  	v26 =	vadd.s32 v51, v19;
	v25 =	vor.u32 v3, v25;
	v28 =	vld [tilespmem:$0x1FEA0]  }
0x11e: {  	v22 =	vor.u32 v2, v26;
	v26 =	vadd.s32 v44, v4;
	v25 =	vor.u32 v42, v25  }
0x11f: {  	v22 =	vor.u32 v30, v22;
	v23 =	vor.u32 v5, v26;
	v24 =	vld.idx.msk [tilespmem:v13+s9+$0x0], $0xffff  }
0x120: {  	v26 =	vadd.s32 v47, v0;
	v23 =	vor.u32 v46, v23  }
0x121: {  	v13 =	vor.u32 v1, v26;
	v20 =	vld.idx.msk [tilespmem:v20+s9+$0x0], $0xffff  }
0x122: {  	v18 =	vor.u32 v16, v13;
	v13 =	vshll.u32 v17, $0x3;
	v26 =	vshll.u32 v28, $0x3  }
0x123: {  	[tilespmem:s18+$0x50] =	vst v21;
	v21 =	vld.idx.msk [tilespmem:v25+s9+$0x0], $0xffff;
	v13 =	vand.u32 $0xFFFFFC00, v13;
	v62 =	vand.u32 $0xFFFFFC00, v26  }
0x124: {  	v22 =	vld.idx.msk [tilespmem:v22+s9+$0x0], $0xffff;
	[tilespmem:s20+$0x810] =	vst v24;
	v25 =	vadd.s32 v13, v11;
	v11 =	vadd.s32 v62, v11  }
0x125: {  	s22 =	sor.u32 $0xC50, s2;
	v25 =	vor.u32 v12, v25;
	v27 =	vor.u32 v12, v11;
	v12 =	vand.u32 $0x7F, v17;
	v17 =	vld.idx.msk [tilespmem:v23+s9+$0x0], $0xffff;
	[tilespmem:$0x1FEB0] =	vst v44  }
0x126: {  	[tilespmem:s22+$0x10200] =	vst v20  }
0x127: {  	v18 =	vld.idx.msk [tilespmem:v18+s9+$0x0], $0xffff;
	[tilespmem:$0x1FEC0] =	vst v46  }
0x128: {  	[tilespmem:s17+$0x50] =	vst v21  }
0x129: {  	v26 =	vadd.s32 v10, v14;
	[tilespmem:$0x1FED0] =	vst v16  }
0x12a: {  	v11 =	vor.u32 v15, v26;
	[tilespmem:s24+$0x810] =	vst v22  }
0x12b: {  	v11 =	vor.u32 v9, v11;
	v29 =	vld [tilespmem:$0x1FEE0]  }
0x12c: {  	v23 =	vadd.s32 v44, v6;
	v24 =	vor.u32 v12, v25;
	v25 =	vadd.s32 v47, v19  }
0x12d: {  	v23 =	vor.u32 v3, v23;
	v20 =	vor.u32 v2, v25;
	v25 =	vadd.s32 v50, v4  }
0x12e: {  	v23 =	vor.u32 v46, v23;
	v21 =	vor.u32 v5, v25;
	v25 =	vadd.s32 v41, v0  }
0x12f: {  	v20 =	vor.u32 v16, v20;
	v22 =	vor.u32 v1, v25;
	v25 =	vadd.s32 v13, v14  }
0x130: {  	[tilespmem:s18+$0x60] =	vst v17;
	v17 =	vor.u32 v15, v25;
	v25 =	vld.idx.msk [tilespmem:v11+s9+$0x0], $0xffff;
	v21 =	vor.u32 v29, v21  }
0x131: {  	[tilespmem:s20+$0x820] =	vst v18;
	v16 =	vor.u32 v12, v17;
	v17 =	vld.idx.msk [tilespmem:v24+s9+$0x0], $0xffff  }
0x132: {  	[tilespmem:$0x1FEF0] =	vst v50;
	v30 =	vld [tilespmem:$0x1FF00]  }
0x133: {  	v23 =	vld.idx.msk [tilespmem:v23+s9+$0x0], $0xffff  }
0x134: {  	v20 =	vld.idx.msk [tilespmem:v20+s9+$0x0], $0xffff  }
0x135: {  	s23 =	sor.u32 $0xC50, s1;
	v18 =	vadd.s32 v50, v6;
	v21 =	vld.idx.msk [tilespmem:v21+s9+$0x0], $0xffff;
	[tilespmem:$0x1FF10] =	vst v31  }
0x136: {  	v22 =	vor.u32 v31, v22;
	v18 =	vor.u32 v3, v18;
	[tilespmem:s23+$0x10200] =	vst v25  }
0x137: {  	v11 =	vand.u32 $0x7F, v28;
	v18 =	vor.u32 v29, v18;
	v29 =	vld [tilespmem:$0x1FF20]  }
0x138: {  	v26 =	vadd.s32 v41, v19;
	v24 =	vor.u32 v11, v27  }
0x139: {  	v26 =	vor.u32 v2, v26  }
0x13a: {  	v26 =	vor.u32 v31, v26;
	v27 =	vadd.s32 v30, v4  }
0x13b: {  	s25 =	sor.u32 $0xC60, s2;
	v27 =	vor.u32 v5, v27;
	v22 =	vld.idx.msk [tilespmem:v22+s9+$0x0], $0xffff  }
0x13c: {  	[tilespmem:s25+$0x10200] =	vst v17;
	v16 =	vld.idx.msk [tilespmem:v16+s9+$0x0], $0xffff;
	v25 =	vor.u32 v29, v27  }
0x13d: {  	[tilespmem:s17+$0x60] =	vst v23;
	v23 =	vld.idx.msk [tilespmem:v24+s9+$0x0], $0xffff  }
0x13e: {  	v28 =	vadd.s32 v54, v0;
	[tilespmem:s24+$0x820] =	vst v20;
	v18 =	vld.idx.msk [tilespmem:v18+s9+$0x0], $0xffff  }
0x13f: {  	v20 =	vld.idx.msk [tilespmem:v26+s9+$0x0], $0xffff;
	[tilespmem:s18+$0x70] =	vst v21;
	v27 =	vor.u32 v1, v28  }
0x140: {  	s26 =	sor.u32 $0xC60, s1;
	[tilespmem:s20+$0x830] =	vst v22;
	v17 =	vor.u32 v36, v27  }
0x141: {  	s2 =	sor.u32 $0xC70, s2;
	[tilespmem:s26+$0x10200] =	vst v16;
	v21 =	vld.idx.msk [tilespmem:v25+s9+$0x0], $0xffff  }
0x142: {  	[tilespmem:s2+$0x10200] =	vst v23  }
0x143: {  	[tilespmem:s17+$0x70] =	vst v18  }
0x144: {  	v14 =	vadd.s32 v62, v14;
	[tilespmem:s24+$0x830] =	vst v20  }
0x145: {  	v14 =	vor.u32 v15, v14;
	v16 =	vadd.s32 v30, v6;
	v15 =	vld.idx.msk [tilespmem:v17+s9+$0x0], $0xffff;
	[tilespmem:$0x1FF30] =	vst v36  }
0x146: {  	v14 =	vor.u32 v11, v14;
	v16 =	vor.u32 v3, v16;
	[tilespmem:s18+$0x400] =	vst v21  }
0x147: {  	v16 =	vor.u32 v29, v16;
	v17 =	vadd.s32 v54, v19;
	v23 =	vld [tilespmem:$0x1FF40]  }
0x148: {  	v17 =	vor.u32 v2, v17  }
0x149: {  	v18 =	vadd.s32 v53, v4;
	v20 =	vadd.s32 v55, v0;
	v17 =	vor.u32 v36, v17;
	[tilespmem:$0x1FF50] =	vst v53  }
0x14a: {  	v18 =	vor.u32 v5, v18;
	v20 =	vor.u32 v1, v20;
	v21 =	vadd.s32 v53, v6;
	[tilespmem:s20+$0x840] =	vst v15  }
0x14b: {  	v15 =	vor.u32 v35, v20;
	v20 =	vor.u32 v3, v21;
	v21 =	vadd.s32 v55, v19;
	v22 =	vld.idx.msk [tilespmem:v14+s9+$0x0], $0xffff  }
0x14c: {  	v14 =	vor.u32 v2, v21;
	v21 =	vld.idx.msk [tilespmem:v16+s9+$0x0], $0xffff;
	v18 =	vor.u32 v23, v18  }
0x14d: {  	v49 =	vld [tilespmem:$0x1FF60];
	[tilespmem:$0x1FF70] =	vst v35  }
0x14e: {  	s0 =	sand.u32 $0x3, s0;
	v25 =	vld.idx.msk [tilespmem:v17+s9+$0x0], $0xffff  }
0x14f: {  	s0 =	sshll.u32 s0, $0x8;
	s1 =	sor.u32 $0xC70, s1  }
0x150: {  	s0 =	sadd.s32 $0x400, s0;
	v31 =	vadd.s32 v43, v19;
	v26 =	vadd.s32 v59, v19;
	v50 =	vld [tilespmem:$0x1FF80];
	[tilespmem:s1+$0x10200] =	vst v22  }
0x151: {  	s11 =	sor.u32 $0xC20, s0;
	v27 =	vadd.s32 v57, v19;
	v16 =	vadd.s32 v56, v0;
	[tilespmem:s17+$0x400] =	vst v21;
	v42 =	vld.idx.msk [tilespmem:v18+s9+$0x0], $0xffff  }
0x152: {  	v29 =	vadd.s32 v58, v19;
	v24 =	vor.u32 v35, v14;
	v28 =	vor.u32 v1, v16;
	v15 =	vld.idx.msk [tilespmem:v15+s9+$0x0], $0xffff;
	[dreg:$0x11] =	wrdreg s11  }
0x153: {  	s13 =	simm.s32 $0x2;
	s14 =	sor.u32 $0xC30, s0;
	v16 =	vadd.s32 v13, v19;
	v23 =	vor.u32 v23, v20;
	v20 =	vadd.s32 v49, v4;
	[tilespmem:s24+$0x840] =	vst v25  }
0x154: {  	s12 =	sand.u32 $0x3, s13;
	s15 =	sor.u32 $0xC40, s0;
	v17 =	vadd.s32 v10, v19;
	v22 =	vadd.s32 v56, v19;
	v14 =	vor.u32 v5, v20;
	[dreg:$0xe] =	wrdreg s14  }
0x155: {  	s4 =	simm.s32 $0x6;
	s19 =	sshll.u32 s12, $0x8;
	v21 =	vadd.s32 v49, v6;
	v20 =	vadd.s32 v63, v19;
	v30 =	vor.u32 v50, v14;
	[dreg:$0x4] =	wrdreg s15  }
0x156: {  	s3 =	sadd.s32 $0x800, s19;
	v14 =	vadd.s32 v62, v19;
	v18 =	vadd.s32 v8, v19;
	v19 =	vmov s4;
	[tilespmem:s18+$0x410] =	vst v42  }
0x157: {  	s21 =	sor.u32 $0xC00, s3;
	v25 =	vshll.u32 v19, $0x7;
	v32 =	vshll.u32 v19, $0x9;
	v19 =	vor.u32 v3, v21;
	v21 =	vld [tilespmem:$0x1FF90];
	[tilespmem:s20+$0x850] =	vst v15  }
0x158: {  	s22 =	sor.u32 $0xC10, s3;
	[dreg:$0xd] =	wrdreg s21  }
0x159: {  	s23 =	sor.u32 $0xC20, s3;
	v53 =	vmov v43;
	[dreg:$0xa] =	wrdreg s22  }
0x15a: {  	s26 =	sor.u32 $0xC30, s3;
	v43 =	vor.u32 v40, v28;
	v28 =	vor.u32 v50, v19;
	v19 =	vor.u32 v2, v22;
	v35 =	vld.idx.msk [tilespmem:v23+s9+$0x0], $0xffff;
	[dreg:$0x8] =	wrdreg s23  }
0x15b: {  	v37 =	vor.u32 v40, v19;
	v19 =	vld [tilespmem:$0x1FFB0];
	[dreg:$0x5] =	wrdreg s26  }
0x15c: {  	v22 =	vadd.s32 v57, v0;
	v36 =	vld.idx.msk [tilespmem:v24+s9+$0x0], $0xffff;
	[tilespmem:$0x1FFA0] =	vst v40  }
0x15d: {  	v39 =	vor.u32 v1, v22;
	v33 =	vld.idx.msk [tilespmem:v30+s9+$0x0], $0xffff;
	[tilespmem:$0x1FFC0] =	vst v41  }
0x15e: {  	s30 =	sor.u32 $0xC60, s0;
	s29 =	sor.u32 $0xC70, s0;
	s7 =	sor.u32 $0xC10, s0;
	v22 =	vadd.s32 v51, v6;
	v15 =	vand.u32 $0x300, v25;
	v25 =	vadd.s32 v48, v6;
	[tilespmem:$0x1FFD0] =	vst v51  }
0x15f: {  	s8 =	sor.u32 $0xC00, s0;
	s12 =	simm.s32 $0x8;
	s28 =	sor.u32 $0xC40, s3;
	v23 =	vadd.s32 v52, v6;
	[tilespmem:$0x1FFE0] =	vst v47;
	v49 =	vmov v21;
	v21 =	vadd.s32 v21, v4  }
0x160: {  	s31 =	sor.u32 $0xC70, s3;
	s25 =	sor.u32 $0xC50, s0;
	s11 =	simm.s32 $0x0;
	v51 =	vmov v45;
	v30 =	vadd.s32 v45, v6;
	v38 =	vld.idx.msk [tilespmem:v43+s9+$0x0], $0xffff;
	[tilespmem:$0x1FFF0] =	vst v52;
	v21 =	vor.u32 v5, v21  }
0x161: {  	s26 =	sor.u32 $0xC50, s3;
	s23 =	sor.u32 $0xC60, s3;
	s3 =	simm.s32 $0x7;
	v46 =	vmovc v19;
	v34 =	vor.u32 v19, v21;
	v19 =	vadd.s32 v41, v6;
	v21 =	vadd.s32 v47, v6  }
.LBB2_2:
0x162: {  	v42 =	vld [tilespmem:$0x1FCC0]  }
0x163: {  	v52 =	vld [tilespmem:$0x1FCD0]  }
0x164: {  	v44 =	vld [tilespmem:$0x1FCE0]  }
0x165: {  	v50 =	vadd.s32 v49, v6;
	v47 =	vld [tilespmem:$0x1FCF0]  }
0x166: {  	[tilespmem:s17+$0x410] =	vst v35;
	v35 =	vor.u32 v3, v50;
	v50 =	vld [tilespmem:$0x1FD50]  }
0x167: {  	v24 =	vmov s3;
	v27 =	vor.u32 v2, v27;
	v41 =	vld.idx.msk [tilespmem:v28+s9+$0x0], $0xffff;
	[tilespmem:s24+$0x850] =	vst v36  }
0x168: {  	v40 =	vshll.u32 v24, $0x9;
	v24 =	vshll.u32 v24, $0x7;
	v35 =	vor.u32 v46, v35;
	[tilespmem:s18+$0x420] =	vst v33;
	v36 =	vld.idx.msk [tilespmem:v37+s9+$0x0], $0xffff  }
0x169: {  	v28 =	vand.u32 $0x7000, v40;
	v33 =	vld.idx.msk [tilespmem:v34+s9+$0x0], $0xffff;
	v39 =	vor.u32 v42, v39;
	v37 =	vor.u32 v42, v27  }
0x16a: {  	v40 =	vadd.s32 v52, v28;
	v43 =	vadd.s32 v44, v4;
	v48 =	vadd.s32 v44, v6;
	v44 =	vld [tilespmem:$0x1FD30]  }
0x16b: {  	v27 =	vand.u32 $0x380, v24;
	v24 =	vand.u32 $0x7000, v32;
	v34 =	vor.u32 v5, v43;
	v43 =	vld [tilespmem:$0x1FD00]  }
0x16c: {  	v40 =	vor.u32 v27, v40;
	v42 =	vadd.s32 v52, v24;
	v52 =	vld [tilespmem:$0x1FD10];
	[tilespmem:s17+$0x420] =	vst v41  }
0x16d: {  	[tilespmem:s20+$0x860] =	vst v38;
	v32 =	vor.u32 v47, v40;
	v42 =	vor.u32 v15, v42;
	v35 =	vld.idx.msk [tilespmem:v35+s9+$0x0], $0xffff  }
0x16e: {  	[tilespmem:s24+$0x860] =	vst v36;
	v36 =	vor.u32 v47, v42;
	v47 =	vld [tilespmem:$0x1FD20]  }
0x16f: {  	v45 =	vadd.s32 v53, v0;
	v31 =	vor.u32 v2, v31;
	v38 =	vld.idx.msk [tilespmem:v39+s9+$0x0], $0xffff  }
0x170: {  	v40 =	vadd.s32 v50, v6;
	v41 =	vor.u32 v3, v48;
	v39 =	vor.u32 v1, v45;
	v37 =	vld.idx.msk [tilespmem:v37+s9+$0x0], $0xffff  }
0x171: {  	v34 =	vor.u32 v43, v34;
	v39 =	vor.u32 v52, v39;
	v41 =	vor.u32 v43, v41;
	v43 =	vld [tilespmem:$0x1FD90]  }
0x172: {  	v31 =	vor.u32 v52, v31;
	v52 =	vadd.s32 v50, v4;
	v50 =	vadd.s32 v58, v0;
	v32 =	vld.idx.msk [tilespmem:v32+s9+$0x0], $0xffff  }
0x173: {  	v42 =	vor.u32 v1, v50;
	v50 =	vld [tilespmem:$0x1FDA0]  }
0x174: {  	v45 =	vadd.s32 v47, v28;
	v36 =	vld.idx.msk [tilespmem:v36+s9+$0x0], $0xffff  }
0x175: {  	v48 =	vor.u32 v27, v45;
	v45 =	vld [tilespmem:$0x1FD70]  }
0x176: {  	[tilespmem:s18+$0x430] =	vst v33;
	v33 =	vor.u32 v44, v48;
	v48 =	vor.u32 v5, v52;
	v52 =	vadd.s32 v47, v24;
	v47 =	vld [tilespmem:$0x1FD60]  }
0x177: {  	s6 =	sadd.s32 $0x400, s6;
	[tilespmem:s17+$0x430] =	vst v35;
	v34 =	vld.idx.msk [tilespmem:v34+s9+$0x0], $0xffff  }
0x178: {  	s13 =	sadd.s32 $0x1, s13;
	s5 =	sadd.s32 $0x100, s5;
	s14 =	sand.u32 $0x7000, s6;
	[tilespmem:s20+$0x870] =	vst v38;
	v41 =	vld.idx.msk [tilespmem:v41+s9+$0x0], $0xffff  }
0x179: {  	s11 =	sadd.s32 $0x2, s11;
	s21 =	sand.u32 $0x380, s5;
	s15 =	sor.u32 $0x10200, s14;
	[tilespmem:s24+$0x870] =	vst v37;
	v39 =	vld.idx.msk [tilespmem:v39+s9+$0x0], $0xffff;
	v52 =	vor.u32 v15, v52  }
0x17a: {  	s19 =	sand.u32 $0x3, s13;
	s20 =	smov.u32 s18;
	s18 =	sadd.s32 s21, s15;
	v31 =	vld.idx.msk [tilespmem:v31+s9+$0x0], $0xffff;
	v37 =	vor.u32 v44, v52  }
0x17b: {  	s3 =	sshll.u32 s19, $0x8;
	s19 =	sand.u32 $0x7, s11;
	v40 =	vor.u32 v3, v40;
	s24 =	sadd.s32 $0xFFFFFF80, s5;
	[tilespmem:s18+$0x0] =	vst v32;
	v35 =	vor.u32 v45, v42;
	v42 =	vld [tilespmem:$0x1FDE0];
	v38 =	vor.u32 v47, v48  }
0x17c: {  	v29 =	vor.u32 v2, v29;
	s22 =	sshll.u32 s19, $0x7;
	s19 =	sand.u32 $0x300, s24;
	v32 =	vld.idx.msk [tilespmem:v33+s9+$0x0], $0xffff;
	v40 =	vor.u32 v47, v40  }
0x17d: {  	s4 =	smov.u32 s28;
	s28 =	sadd.s32 s19, s15;
	v29 =	vor.u32 v45, v29;
	v45 =	vadd.s32 v43, v28;
	v47 =	vld [tilespmem:$0x1FDB0]  }
0x17e: {  	[tilespmem:s28+$0x0] =	vst v36;
	v33 =	vor.u32 v27, v45;
	v45 =	vadd.s32 v43, v24;
	v43 =	vld [tilespmem:$0x1FDC0]  }
0x17f: {  	s16 =	sadd.s32 $0x400, s16;
	s24 =	smov.u32 s17;
	[tilespmem:s20+$0x440] =	vst v34;
	v37 =	vld.idx.msk [tilespmem:v37+s9+$0x0], $0xffff  }
0x180: {  	s14 =	sadd.s32 s22, s16;
	[tilespmem:s24+$0x440] =	vst v41;
	v34 =	vld.idx.msk [tilespmem:v38+s9+$0x0], $0xffff  }
0x181: {  	s21 =	sor.u32 $0xC00, s14;
	v52 =	vadd.s32 v59, v0;
	v33 =	vor.u32 v50, v33;
	v40 =	vld.idx.msk [tilespmem:v40+s9+$0x0], $0xffff  }
0x182: {  	v36 =	vor.u32 v15, v45;
	[tilespmem:s21+$0x10200] =	vst v39;
	v39 =	vor.u32 v1, v52;
	v52 =	vld [tilespmem:$0x1FDF0]  }
0x183: {  	v48 =	vadd.s32 v51, v4;
	[tilespmem:s8+$0x10200] =	vst v31;
	v31 =	vor.u32 v50, v36;
	v35 =	vld.idx.msk [tilespmem:v35+s9+$0x0], $0xffff  }
0x184: {  	v30 =	vor.u32 v3, v30;
	v38 =	vor.u32 v5, v48;
	v50 =	vadd.s32 v43, v4;
	v29 =	vld.idx.msk [tilespmem:v29+s9+$0x0], $0xffff  }
0x185: {  	v48 =	vadd.s32 v42, v28;
	v38 =	vor.u32 v47, v38;
	[tilespmem:s18+$0x10] =	vst v32;
	v44 =	vor.u32 v5, v50;
	v50 =	vld [tilespmem:$0x1FE00]  }
0x186: {  	s17 =	smov.u32 s28;
	v30 =	vor.u32 v47, v30;
	v32 =	vld.idx.msk [tilespmem:v33+s9+$0x0], $0xffff;
	v33 =	vor.u32 v27, v48;
	v48 =	vadd.s32 v42, v24  }
0x187: {  	[tilespmem:s17+$0x10] =	vst v37;
	v37 =	vor.u32 v15, v48;
	v48 =	vld [tilespmem:$0x1FE60]  }
0x188: {  	[tilespmem:s20+$0x450] =	vst v34;
	v31 =	vld.idx.msk [tilespmem:v31+s9+$0x0], $0xffff  }
0x189: {  	[tilespmem:s24+$0x450] =	vst v40;
	v40 =	vld [tilespmem:$0x1FFE0]  }
0x18a: {  	v26 =	vor.u32 v2, v26;
	s3 =	sadd.s32 s3, s6;
	v39 =	vor.u32 v60, v39;
	v34 =	vld.idx.msk [tilespmem:v38+s9+$0x0], $0xffff  }
0x18b: {  	s2 =	smov.u32 s26;
	v26 =	vor.u32 v60, v26;
	s26 =	sor.u32 $0xC00, s3;
	s28 =	rddreg [dreg:$0xd];
	v30 =	vld.idx.msk [tilespmem:v30+s9+$0x0], $0xffff  }
0x18c: {  	s8 =	smov.u32 s28;
	s28 =	smov.u32 s26;
	s26 =	sor.u32 $0xC10, s14;
	v33 =	vor.u32 v52, v33;
	[tilespmem:s7+$0x10200] =	vst v29;
	v29 =	vor.u32 v52, v37;
	v52 =	vld [tilespmem:$0x1FE20]  }
0x18d: {  	v47 =	vadd.s32 v63, v0;
	[tilespmem:s26+$0x10200] =	vst v35;
	v35 =	vor.u32 v50, v44;
	v44 =	vld [tilespmem:$0x1FE30]  }
0x18e: {  	v38 =	vor.u32 v1, v47;
	v47 =	vld [tilespmem:$0x1FE40]  }
0x18f: {  	v45 =	vld.idx.msk [tilespmem:v39+s9+$0x0], $0xffff  }
0x190: {  	v25 =	vor.u32 v3, v25;
	v26 =	vld.idx.msk [tilespmem:v26+s9+$0x0], $0xffff  }
0x191: {  	v25 =	vor.u32 v50, v25;
	[tilespmem:s18+$0x20] =	vst v32;
	v39 =	vld [tilespmem:$0x1FFD0]  }
0x192: {  	v38 =	vor.u32 v61, v38;
	v32 =	vld.idx.msk [tilespmem:v33+s9+$0x0], $0xffff;
	[tilespmem:s17+$0x20] =	vst v31  }
0x193: {  	s1 =	smov.u32 s25;
	s25 =	sor.u32 $0xC10, s3;
	s26 =	rddreg [dreg:$0xa];
	[tilespmem:s20+$0x460] =	vst v34;
	v29 =	vld.idx.msk [tilespmem:v29+s9+$0x0], $0xffff  }
0x194: {  	v20 =	vor.u32 v2, v20;
	s7 =	smov.u32 s26;
	s26 =	smov.u32 s25;
	v41 =	vadd.s32 v52, v28;
	v34 =	vld.idx.msk [tilespmem:v35+s9+$0x0], $0xffff  }
0x195: {  	v20 =	vor.u32 v61, v20;
	[dreg:$0xa] =	wrdreg s26;
	s26 =	sor.u32 $0xC20, s14;
	[tilespmem:s24+$0x460] =	vst v30;
	v33 =	vor.u32 v27, v41;
	v41 =	vld [tilespmem:$0x1FFF0]  }
0x196: {  	v31 =	vadd.s32 v52, v24;
	[tilespmem:s26+$0x10200] =	vst v45;
	v25 =	vld.idx.msk [tilespmem:v25+s9+$0x0], $0xffff  }
0x197: {  	v31 =	vor.u32 v15, v31;
	s26 =	rddreg [dreg:$0x11];
	v33 =	vor.u32 v44, v33;
	v36 =	vld.idx.msk [tilespmem:v38+s9+$0x0], $0xffff  }
0x198: {  	[tilespmem:s26+$0x10200] =	vst v26;
	v26 =	vor.u32 v44, v31;
	v44 =	vld [tilespmem:$0x1FE70]  }
0x199: {  	v23 =	vor.u32 v3, v23;
	v38 =	vld [tilespmem:$0x1FED0]  }
0x19a: {  	v18 =	vor.u32 v2, v18;
	v23 =	vor.u32 v47, v23;
	v20 =	vld.idx.msk [tilespmem:v20+s9+$0x0], $0xffff;
	[tilespmem:s18+$0x30] =	vst v32  }
0x19b: {  	s25 =	rddreg [dreg:$0x8];
	v50 =	vadd.s32 v48, v28;
	[tilespmem:s17+$0x30] =	vst v29;
	v29 =	vadd.s32 v48, v24;
	v48 =	vld [tilespmem:$0x1FEB0];
	v42 =	vadd.s32 v41, v4  }
0x19c: {  	s0 =	smov.u32 s23;
	v18 =	vor.u32 v7, v18;
	s23 =	sor.u32 $0xC20, s3;
	v45 =	vadd.s32 v8, v0;
	s26 =	smov.u32 s25;
	v35 =	vor.u32 v5, v42;
	v31 =	vld.idx.msk [tilespmem:v33+s9+$0x0], $0xffff  }
0x19d: {  	v37 =	vor.u32 v1, v45;
	[dreg:$0x11] =	wrdreg s26;
	s26 =	smov.u32 s23;
	v26 =	vld.idx.msk [tilespmem:v26+s9+$0x0], $0xffff;
	v35 =	vor.u32 v47, v35  }
0x19e: {  	v30 =	vor.u32 v7, v37;
	[dreg:$0x8] =	wrdreg s26;
	[tilespmem:s24+$0x470] =	vst v25;
	v47 =	vld [tilespmem:$0x1FE80]  }
0x19f: {  	s26 =	rddreg [dreg:$0xe];
	v29 =	vor.u32 v15, v29;
	[tilespmem:s20+$0x470] =	vst v34;
	v42 =	vadd.s32 v39, v4;
	v23 =	vld.idx.msk [tilespmem:v23+s9+$0x0], $0xffff  }
0x1a0: {  	v34 =	vor.u32 v5, v42;
	[tilespmem:s26+$0x10200] =	vst v20;
	v20 =	vor.u32 v44, v29;
	v42 =	vld [tilespmem:$0x1FEF0]  }
0x1a1: {  	v32 =	vor.u32 v27, v50;
	v18 =	vld.idx.msk [tilespmem:v18+s9+$0x0], $0xffff  }
0x1a2: {  	v22 =	vor.u32 v3, v22;
	s25 =	sor.u32 $0xC30, s14;
	v32 =	vor.u32 v44, v32;
	v52 =	vld.idx.msk [tilespmem:v35+s9+$0x0], $0xffff  }
0x1a3: {  	v17 =	vor.u32 v2, v17;
	[tilespmem:s25+$0x10200] =	vst v36;
	v22 =	vor.u32 v47, v22;
	v36 =	vld [tilespmem:$0x1FEC0]  }
0x1a4: {  	v45 =	vadd.s32 v10, v0;
	[tilespmem:s17+$0x40] =	vst v26;
	v34 =	vor.u32 v47, v34;
	v30 =	vld.idx.msk [tilespmem:v30+s9+$0x0], $0xffff  }
0x1a5: {  	v17 =	vor.u32 v9, v17;
	v35 =	vor.u32 v1, v45;
	v20 =	vld.idx.msk [tilespmem:v20+s9+$0x0], $0xffff;
	[tilespmem:s24+$0x800] =	vst v23  }
0x1a6: {  	v44 =	vld [tilespmem:$0x1FEE0];
	v26 =	vadd.s32 v48, v24;
	s25 =	rddreg [dreg:$0x5];
	v25 =	vor.u32 v9, v35;
	[tilespmem:s18+$0x40] =	vst v31;
	v31 =	vadd.s32 v48, v28  }
0x1a7: {  	v26 =	vor.u32 v15, v26;
	s26 =	smov.u32 s25;
	s25 =	rddreg [dreg:$0x4];
	v29 =	vld.idx.msk [tilespmem:v32+s9+$0x0], $0xffff;
	v31 =	vor.u32 v27, v31;
	[tilespmem:s20+$0x800] =	vst v52  }
0x1a8: {  	s23 =	sor.u32 $0xC40, s14;
	v52 =	vadd.s32 v40, v4;
	v22 =	vld.idx.msk [tilespmem:v22+s9+$0x0], $0xffff;
	[tilespmem:s25+$0x10200] =	vst v18;
	v18 =	vor.u32 v36, v26  }
0x1a9: {  	v50 =	vld.idx.msk [tilespmem:v34+s9+$0x0], $0xffff;
	[tilespmem:s23+$0x10200] =	vst v30;
	v30 =	vor.u32 v36, v31;
	v31 =	vor.u32 v5, v52  }
0x1aa: {  	v47 =	vld [tilespmem:$0x1FFC0];
	v31 =	vor.u32 v38, v31  }
0x1ab: {  	v25 =	vld.idx.msk [tilespmem:v25+s9+$0x0], $0xffff  }
0x1ac: {  	v21 =	vor.u32 v3, v21;
	v37 =	vadd.s32 v13, v0;
	v17 =	vld.idx.msk [tilespmem:v17+s9+$0x0], $0xffff;
	[tilespmem:s17+$0x50] =	vst v20  }
0x1ad: {  	v33 =	vor.u32 v1, v37;
	v21 =	vor.u32 v38, v21;
	[tilespmem:s18+$0x50] =	vst v29;
	v18 =	vld.idx.msk [tilespmem:v18+s9+$0x0], $0xffff  }
0x1ae: {  	s22 =	sor.u32 $0xC30, s3;
	v23 =	vor.u32 v12, v33;
	v29 =	vadd.s32 v42, v28;
	v26 =	vld.idx.msk [tilespmem:v30+s9+$0x0], $0xffff;
	[tilespmem:s20+$0x810] =	vst v50  }
0x1af: {  	v45 =	vadd.s32 v62, v0;
	[dreg:$0xe] =	wrdreg s26;
	s26 =	smov.u32 s22;
	s22 =	sor.u32 $0xC50, s14;
	v29 =	vor.u32 v27, v29;
	v30 =	vld.idx.msk [tilespmem:v31+s9+$0x0], $0xffff;
	v31 =	vadd.s32 v47, v4  }
0x1b0: {  	[tilespmem:s22+$0x10200] =	vst v25;
	v25 =	vor.u32 v44, v29;
	v29 =	vor.u32 v5, v31;
	v31 =	vor.u32 v1, v45  }
0x1b1: {  	[tilespmem:s24+$0x810] =	vst v22;
	v22 =	vor.u32 v2, v14;
	v14 =	vor.u32 v11, v31;
	v31 =	vld [tilespmem:$0x1FF00]  }
0x1b2: {  	v48 =	vld [tilespmem:$0x1FF10]  }
0x1b3: {  	v16 =	vor.u32 v2, v16;
	v20 =	vadd.s32 v42, v24  }
0x1b4: {  	v16 =	vor.u32 v12, v16;
	v2 =	vor.u32 v15, v20;
	v20 =	vld.idx.msk [tilespmem:v21+s9+$0x0], $0xffff;
	[tilespmem:s1+$0x10200] =	vst v17  }
0x1b5: {  	v0 =	vmov v4;
	v17 =	vor.u32 v44, v2;
	v4 =	vmov v28;
	v23 =	vld.idx.msk [tilespmem:v23+s9+$0x0], $0xffff;
	[tilespmem:s18+$0x60] =	vst v26  }
0x1b6: {  	v21 =	vor.u32 v11, v22;
	v1 =	vmovc v5;
	v5 =	vmov v27;
	v22 =	vld.idx.msk [tilespmem:v25+s9+$0x0], $0xffff;
	v28 =	vadd.s32 v31, v4  }
0x1b7: {  	v29 =	vor.u32 v48, v29;
	v25 =	vor.u32 v5, v28;
	v28 =	vld [tilespmem:$0x1FF20]  }
0x1b8: {  	v19 =	vor.u32 v3, v19  }
0x1b9: {  	v19 =	vor.u32 v48, v19  }
0x1ba: {  	v16 =	vld.idx.msk [tilespmem:v16+s9+$0x0], $0xffff;
	[tilespmem:s17+$0x60] =	vst v18  }
0x1bb: {  	s23 =	sor.u32 $0xC60, s14;
	v17 =	vld.idx.msk [tilespmem:v17+s9+$0x0], $0xffff;
	[tilespmem:s20+$0x820] =	vst v30  }
0x1bc: {  	v26 =	vld.idx.msk [tilespmem:v29+s9+$0x0], $0xffff;
	[tilespmem:s23+$0x10200] =	vst v23;
	v23 =	vor.u32 v28, v25  }
0x1bd: {  	[tilespmem:s24+$0x820] =	vst v20;
	v30 =	vld [tilespmem:$0x1FF30]  }
0x1be: {  	v19 =	vld.idx.msk [tilespmem:v19+s9+$0x0], $0xffff  }
0x1bf: {  	v27 =	vadd.s32 v54, v0;
	v29 =	vld [tilespmem:$0x1FF50]  }
0x1c0: {  	v2 =	vmov v3;
	v20 =	vadd.s32 v54, v6;
	v25 =	vor.u32 v1, v27;
	v27 =	vld.idx.msk [tilespmem:v14+s9+$0x0], $0xffff;
	[tilespmem:s18+$0x70] =	vst v22  }
0x1c1: {  	[tilespmem:s30+$0x10200] =	vst v16;
	v16 =	vor.u32 v2, v20;
	v22 =	vld.idx.msk [tilespmem:v23+s9+$0x0], $0xffff  }
0x1c2: {  	v3 =	vmov v15;
	v15 =	vor.u32 v30, v25;
	v23 =	vor.u32 v30, v16;
	v30 =	vld [tilespmem:$0x1FF40]  }
0x1c3: {  	v18 =	vadd.s32 v31, v24;
	v31 =	vld [tilespmem:$0x1FF70]  }
0x1c4: {  	v18 =	vor.u32 v3, v18  }
0x1c5: {  	v25 =	vor.u32 v28, v18;
	v18 =	vadd.s32 v29, v4  }
0x1c6: {  	s14 =	sor.u32 $0xC70, s14;
	v36 =	vld [tilespmem:$0x1FF60];
	[tilespmem:s20+$0x830] =	vst v26;
	v16 =	vor.u32 v5, v18;
	v18 =	vadd.s32 v55, v0  }
0x1c7: {  	v15 =	vld.idx.msk [tilespmem:v15+s9+$0x0], $0xffff;
	[tilespmem:s14+$0x10200] =	vst v27;
	v20 =	vor.u32 v1, v18;
	v27 =	vor.u32 v30, v16  }
0x1c8: {  	v48 =	vld [tilespmem:$0x1FFA0];
	v28 =	vor.u32 v31, v20  }
0x1c9: {  	v21 =	vld.idx.msk [tilespmem:v21+s9+$0x0], $0xffff;
	[tilespmem:s17+$0x70] =	vst v17  }
0x1ca: {  	v17 =	vadd.s32 v10, v6;
	v25 =	vld.idx.msk [tilespmem:v25+s9+$0x0], $0xffff;
	[tilespmem:s24+$0x830] =	vst v19  }
0x1cb: {  	v14 =	vadd.s32 v62, v6;
	v26 =	vadd.s32 v29, v24;
	v23 =	vld.idx.msk [tilespmem:v23+s9+$0x0], $0xffff;
	[tilespmem:s18+$0x400] =	vst v22  }
0x1cc: {  	v29 =	vadd.s32 v55, v6;
	v18 =	vadd.s32 v8, v6;
	v19 =	vmov s12;
	v33 =	vld.idx.msk [tilespmem:v27+s9+$0x0], $0xffff;
	[tilespmem:s20+$0x840] =	vst v15  }
0x1cd: {  	v26 =	vor.u32 v3, v26;
	v20 =	vadd.s32 v63, v6;
	v32 =	vshll.u32 v19, $0x9;
	v52 =	vld.idx.msk [tilespmem:v28+s9+$0x0], $0xffff  }
0x1ce: {  	v16 =	vadd.s32 v13, v6;
	[tilespmem:s29+$0x10200] =	vst v21;
	v21 =	vor.u32 v30, v26;
	v22 =	vor.u32 v2, v29;
	v28 =	vld [tilespmem:$0x1FF80]  }
0x1cf: {  	v26 =	vadd.s32 v59, v6;
	v30 =	vshll.u32 v19, $0x7;
	v29 =	vadd.s32 v58, v6  }
0x1d0: {  	v19 =	vadd.s32 v47, v24;
	v50 =	vor.u32 v31, v22;
	[tilespmem:s17+$0x400] =	vst v25;
	v25 =	vadd.s32 v56, v6  }
0x1d1: {  	v22 =	vadd.s32 v56, v0;
	v25 =	vor.u32 v2, v25;
	v27 =	vadd.s32 v36, v4  }
0x1d2: {  	v31 =	vadd.s32 v53, v6;
	v37 =	vor.u32 v48, v25;
	v15 =	vor.u32 v5, v27  }
0x1d3: {  	p0 =	slt.u32 s12, $0x3E;
	v25 =	vadd.s32 v43, v24;
	v45 =	vor.u32 v28, v15;
	v15 =	vor.u32 v1, v22  }
0x1d4: {  	s19 =	sor.u32 $0xC50, s3;
	s15 =	sor.u32 $0xC60, s3;
	s21 =	sor.u32 $0xC40, s3;
	v35 =	vld.idx.msk [tilespmem:v21+s9+$0x0], $0xffff;
	v27 =	vadd.s32 v57, v6;
	v6 =	vor.u32 v48, v15;
	v15 =	vadd.s32 v36, v24  }
.Ltmp0:
0x1d5: {  	s3 =	sor.u32 $0xC70, s3;
	[dreg:$0xd] =	wrdreg s28;
	[tilespmem:s24+$0x840] =	vst v23;
	v21 =	vadd.s32 v40, v24;
	v23 =	vadd.s32 v41, v24;
	v15 =	vor.u32 v3, v15;
	(pc) =	sbr.rel @p0 .LBB2_2-.Ltmp0, $4  }
0x1d6: {  	s28 =	smov.u32 s21;
	[dreg:$0x5] =	wrdreg s26;
	s26 =	smov.u32 s4;
	v28 =	vor.u32 v28, v15;
	v15 =	vand.u32 $0x300, v30;
	v30 =	vadd.s32 v49, v4  }
0x1d7: {  	[dreg:$0x4] =	wrdreg s26;
	s26 =	smov.u32 s19;
	s25 =	smov.u32 s2;
	[tilespmem:s18+$0x410] =	vst v33;
	v22 =	vadd.s32 v39, v24;
	v36 =	vld.idx.msk [tilespmem:v50+s9+$0x0], $0xffff;
	v50 =	vor.u32 v5, v30  }
0x1d8: {  	s30 =	smov.u32 s0;
	s23 =	smov.u32 s15;
	s29 =	smov.u32 s31;
	v30 =	vadd.s32 v51, v24;
	v33 =	vld.idx.msk [tilespmem:v45+s9+$0x0], $0xffff;
	[tilespmem:s20+$0x850] =	vst v52;
	v52 =	vadd.s32 v57, v0  }
0x1d9: {  	s31 =	smov.u32 s3;
	s3 =	sadd.s32 $0x1, s12;
	s12 =	sadd.s32 $0x2, s12;
	v34 =	vor.u32 v46, v50;
	v38 =	vld.idx.msk [tilespmem:v6+s9+$0x0], $0xffff;
	v39 =	vor.u32 v1, v52;
	v6 =	vmov v24  }
0x1da: {  	_ =	sdelay $0x1  }
0x1db: {  	v45 =	vld [tilespmem:$0x1FCC0]  }
0x1dc: {  	v44 =	vmov s3;
	[tilespmem:s17+$0x410] =	vst v35  }
0x1dd: {  	v52 =	vshll.u32 v44, $0x9;
	v28 =	vld.idx.msk [tilespmem:v28+s9+$0x0], $0xffff;
	[tilespmem:s24+$0x850] =	vst v36  }
0x1de: {  	v37 =	vld.idx.msk [tilespmem:v37+s9+$0x0], $0xffff;
	[tilespmem:s20+$0x860] =	vst v38  }
0x1df: {  	v40 =	vadd.s32 v49, v6;
	v43 =	vadd.s32 v53, v0;
	v48 =	vand.u32 $0x7000, v52;
	v38 =	vld [tilespmem:$0x1FCD0];
	[tilespmem:s18+$0x420] =	vst v33  }
0x1e0: {  	v52 =	vmovc v53;
	v53 =	vand.u32 $0x7000, v32;
	v32 =	vor.u32 v1, v43;
	v24 =	vor.u32 v45, v39;
	v43 =	vld [tilespmem:$0x1FD10]  }
0x1e1: {  	v47 =	vor.u32 v3, v40;
	v40 =	vld [tilespmem:$0x1FCE0]  }
0x1e2: {  	v34 =	vld.idx.msk [tilespmem:v34+s9+$0x0], $0xffff  }
0x1e3: {  	v41 =	vld [tilespmem:$0x1FCF0];
	[tilespmem:s17+$0x420] =	vst v28  }
0x1e4: {  	v27 =	vor.u32 v2, v27;
	v35 =	vor.u32 v46, v47;
	v39 =	vld [tilespmem:$0x1FD00]  }
0x1e5: {  	v42 =	vshll.u32 v44, $0x7;
	v27 =	vor.u32 v45, v27;
	v24 =	vld.idx.msk [tilespmem:v24+s9+$0x0], $0xffff  }
0x1e6: {  	v50 =	vand.u32 $0x380, v42;
	v44 =	vadd.s32 v38, v48  }
0x1e7: {  	v47 =	vor.u32 v50, v44;
	v32 =	vor.u32 v43, v32;
	v44 =	vadd.s32 v40, v4  }
0x1e8: {  	[tilespmem:s24+$0x860] =	vst v37;
	v38 =	vadd.s32 v38, v53;
	v33 =	vor.u32 v41, v47;
	v36 =	vor.u32 v5, v44  }
0x1e9: {  	v35 =	vld.idx.msk [tilespmem:v35+s9+$0x0], $0xffff;
	[tilespmem:s18+$0x430] =	vst v34;
	v47 =	vor.u32 v15, v38;
	v28 =	vor.u32 v39, v36  }
0x1ea: {  	v27 =	vld.idx.msk [tilespmem:v27+s9+$0x0], $0xffff;
	v36 =	vor.u32 v41, v47;
	[tilespmem:s20+$0x870] =	vst v24  }
0x1eb: {  	v37 =	vld [tilespmem:$0x1FD20]  }
0x1ec: {  	s12 =	sadd.s32 $0x2, s11;
	v32 =	vld.idx.msk [tilespmem:v32+s9+$0x0], $0xffff  }
0x1ed: {  	s15 =	sand.u32 $0x7, s12;
	v33 =	vld.idx.msk [tilespmem:v33+s9+$0x0], $0xffff  }
0x1ee: {  	s6 =	sadd.s32 $0x400, s6;
	s19 =	sadd.s32 $0x400, s16;
	s3 =	sshll.u32 s15, $0x7;
	[tilespmem:s17+$0x430] =	vst v35;
	v28 =	vld.idx.msk [tilespmem:v28+s9+$0x0], $0xffff  }
0x1ef: {  	s14 =	sand.u32 $0x7000, s6;
	s15 =	sadd.s32 $0x100, s5;
	s5 =	sadd.s32 s3, s19;
	v41 =	vadd.s32 v40, v6;
	[tilespmem:s24+$0x870] =	vst v27;
	v35 =	vld.idx.msk [tilespmem:v36+s9+$0x0], $0xffff  }
0x1f0: {  	s21 =	sand.u32 $0x380, s15;
	s22 =	sor.u32 $0xC00, s5;
	v24 =	vor.u32 v3, v41;
	s20 =	sor.u32 $0x10200, s14;
	v36 =	vld [tilespmem:$0x1FD30];
	v42 =	vadd.s32 v37, v48  }
0x1f1: {  	v24 =	vor.u32 v39, v24;
	s24 =	sadd.s32 s21, s20;
	v34 =	vor.u32 v50, v42;
	v42 =	vld [tilespmem:$0x1FD50];
	[tilespmem:s22+$0x10200] =	vst v32  }
0x1f2: {  	[tilespmem:s24+$0x0] =	vst v33  }
0x1f3: {  	v41 =	vld [tilespmem:$0x1FD60]  }
0x1f4: {  	v31 =	vor.u32 v2, v31;
	s1 =	sadd.s32 $0xFFFFFF80, s15  }
0x1f5: {  	v31 =	vor.u32 v43, v31;
	s14 =	sand.u32 $0x300, s1  }
0x1f6: {  	s2 =	sadd.s32 s14, s20;
	v38 =	vadd.s32 v37, v53;
	v24 =	vld.idx.msk [tilespmem:v24+s9+$0x0], $0xffff;
	[tilespmem:s18+$0x440] =	vst v28;
	v44 =	vadd.s32 v42, v4  }
0x1f7: {  	v27 =	vor.u32 v36, v34;
	[tilespmem:s2+$0x0] =	vst v35;
	v47 =	vor.u32 v5, v44;
	v44 =	vor.u32 v15, v38  }
0x1f8: {  	v32 =	vor.u32 v41, v47;
	v47 =	vadd.s32 v58, v0;
	v33 =	vor.u32 v36, v44;
	v36 =	vld [tilespmem:$0x1FD90]  }
0x1f9: {  	v28 =	vor.u32 v1, v47;
	v47 =	vld [tilespmem:$0x1FD70];
	_ =	sdelay $0x2  }
0x1fa: {  	v31 =	vld.idx.msk [tilespmem:v31+s9+$0x0], $0xffff  }
0x1fb: {  	v29 =	vor.u32 v2, v29;
	v27 =	vld.idx.msk [tilespmem:v27+s9+$0x0], $0xffff;
	[tilespmem:s17+$0x440] =	vst v24;
	v38 =	vadd.s32 v36, v48  }
0x1fc: {  	v44 =	vadd.s32 v51, v4;
	v24 =	vor.u32 v47, v29;
	v29 =	vor.u32 v50, v38;
	v38 =	vld [tilespmem:$0x1FDA0]  }
0x1fd: {  	v35 =	vor.u32 v5, v44;
	v44 =	vld [tilespmem:$0x1FDB0]  }
0x1fe: {  	v37 =	vadd.s32 v42, v6  }
0x1ff: {  	v34 =	vor.u32 v3, v37;
	v36 =	vadd.s32 v36, v53;
	[tilespmem:s8+$0x10200] =	vst v31  }
0x200: {  	v37 =	vadd.s32 v59, v0;
	v32 =	vld.idx.msk [tilespmem:v32+s9+$0x0], $0xffff;
	v36 =	vor.u32 v15, v36;
	[tilespmem:s24+$0x10] =	vst v27  }
0x201: {  	v31 =	vor.u32 v38, v36;
	v36 =	vor.u32 v1, v37;
	v37 =	vld [tilespmem:$0x1FDE0]  }
0x202: {  	v33 =	vld.idx.msk [tilespmem:v33+s9+$0x0], $0xffff;
	v35 =	vor.u32 v44, v35;
	_ =	sdelay $0x1  }
0x203: {  	v26 =	vor.u32 v2, v26  }
0x204: {  	v34 =	vor.u32 v41, v34;
	v28 =	vor.u32 v47, v28;
	v27 =	vor.u32 v3, v30  }
0x205: {  	v30 =	vor.u32 v44, v27;
	v29 =	vor.u32 v38, v29;
	[tilespmem:s18+$0x450] =	vst v32;
	v27 =	vadd.s32 v37, v48  }
0x206: {  	v32 =	vor.u32 v60, v26;
	[tilespmem:s2+$0x10] =	vst v33;
	v26 =	vor.u32 v50, v27;
	v27 =	vld.idx.msk [tilespmem:v35+s9+$0x0], $0xffff  }
0x207: {  	v35 =	vld [tilespmem:$0x1FDF0];
	_ =	sdelay $0x1  }
0x208: {  	v28 =	vld.idx.msk [tilespmem:v28+s9+$0x0], $0xffff  }
0x209: {  	v34 =	vld.idx.msk [tilespmem:v34+s9+$0x0], $0xffff  }
0x20a: {  	v29 =	vld.idx.msk [tilespmem:v29+s9+$0x0], $0xffff  }
0x20b: {  	v24 =	vld.idx.msk [tilespmem:v24+s9+$0x0], $0xffff;
	v38 =	vor.u32 v35, v26  }
0x20c: {  	s4 =	sor.u32 $0xC10, s5  }
0x20d: {  	v36 =	vor.u32 v60, v36;
	v31 =	vld.idx.msk [tilespmem:v31+s9+$0x0], $0xffff;
	[tilespmem:s4+$0x10200] =	vst v28  }
0x20e: {  	[tilespmem:s17+$0x450] =	vst v34  }
0x20f: {  	[tilespmem:s24+$0x20] =	vst v29  }
0x210: {  	[tilespmem:s7+$0x10200] =	vst v24;
	v26 =	vadd.s32 v37, v53;
	v29 =	vld.idx.msk [tilespmem:v38+s9+$0x0], $0xffff  }
0x211: {  	v26 =	vor.u32 v15, v26;
	v38 =	vld [tilespmem:$0x1FE20]  }
0x212: {  	v37 =	vor.u32 v35, v26;
	v26 =	vld.idx.msk [tilespmem:v36+s9+$0x0], $0xffff;
	[tilespmem:s2+$0x20] =	vst v31  }
0x213: {  	v36 =	vld [tilespmem:$0x1FE30];
	_ =	sdelay $0x2  }
0x214: {  	v28 =	vld.idx.msk [tilespmem:v30+s9+$0x0], $0xffff;
	v30 =	vadd.s32 v38, v48  }
0x215: {  	v30 =	vor.u32 v50, v30  }
0x216: {  	v37 =	vld.idx.msk [tilespmem:v37+s9+$0x0], $0xffff;
	v31 =	vadd.s32 v38, v53;
	v30 =	vor.u32 v36, v30  }
0x217: {  	v31 =	vor.u32 v15, v31  }
0x218: {  	v31 =	vor.u32 v36, v31  }
0x219: {  	[tilespmem:s24+$0x30] =	vst v29  }
0x21a: {  	v38 =	vld [tilespmem:$0x1FE60]  }
0x21b: {  	[tilespmem:s2+$0x30] =	vst v37;
	v30 =	vld.idx.msk [tilespmem:v30+s9+$0x0], $0xffff  }
0x21c: {  	v37 =	vld [tilespmem:$0x1FE70]  }
0x21d: {  	v31 =	vld.idx.msk [tilespmem:v31+s9+$0x0], $0xffff;
	_ =	sdelay $0x1  }
0x21e: {  	v29 =	vadd.s32 v38, v48  }
0x21f: {  	v29 =	vor.u32 v50, v29;
	[tilespmem:s24+$0x40] =	vst v30  }
0x220: {  	v36 =	vadd.s32 v38, v53;
	v29 =	vor.u32 v37, v29;
	v38 =	vld [tilespmem:$0x1FEB0]  }
0x221: {  	v24 =	vld.idx.msk [tilespmem:v32+s9+$0x0], $0xffff;
	v32 =	vor.u32 v15, v36;
	[tilespmem:s2+$0x40] =	vst v31  }
0x222: {  	v32 =	vor.u32 v37, v32;
	v36 =	vld [tilespmem:$0x1FEC0];
	_ =	sdelay $0x2  }
0x223: {  	v29 =	vld.idx.msk [tilespmem:v29+s9+$0x0], $0xffff;
	v30 =	vadd.s32 v38, v48  }
0x224: {  	v30 =	vor.u32 v50, v30  }
0x225: {  	v32 =	vld.idx.msk [tilespmem:v32+s9+$0x0], $0xffff;
	v31 =	vadd.s32 v38, v53;
	v30 =	vor.u32 v36, v30  }
0x226: {  	v31 =	vor.u32 v15, v31  }
0x227: {  	v31 =	vor.u32 v36, v31  }
0x228: {  	[tilespmem:s24+$0x50] =	vst v29  }
0x229: {  	v37 =	vld [tilespmem:$0x1FEF0]  }
0x22a: {  	[tilespmem:s2+$0x50] =	vst v32;
	v30 =	vld.idx.msk [tilespmem:v30+s9+$0x0], $0xffff  }
0x22b: {  	v36 =	vld [tilespmem:$0x1FEE0]  }
0x22c: {  	v31 =	vld.idx.msk [tilespmem:v31+s9+$0x0], $0xffff;
	_ =	sdelay $0x1  }
0x22d: {  	v29 =	vadd.s32 v37, v48  }
0x22e: {  	v29 =	vor.u32 v50, v29;
	[tilespmem:s24+$0x60] =	vst v30  }
0x22f: {  	v38 =	vadd.s32 v37, v53;
	v29 =	vor.u32 v36, v29;
	v37 =	vld [tilespmem:$0x1FF00]  }
0x230: {  	v32 =	vor.u32 v15, v38;
	[tilespmem:s2+$0x60] =	vst v31  }
0x231: {  	v32 =	vor.u32 v36, v32;
	v38 =	vld [tilespmem:$0x1FF20];
	_ =	sdelay $0x2  }
0x232: {  	v29 =	vld.idx.msk [tilespmem:v29+s9+$0x0], $0xffff;
	v30 =	vadd.s32 v37, v48  }
0x233: {  	v30 =	vor.u32 v50, v30  }
0x234: {  	v32 =	vld.idx.msk [tilespmem:v32+s9+$0x0], $0xffff;
	v31 =	vadd.s32 v37, v53;
	v30 =	vor.u32 v38, v30  }
0x235: {  	v31 =	vor.u32 v15, v31  }
0x236: {  	v31 =	vor.u32 v38, v31  }
0x237: {  	[tilespmem:s24+$0x70] =	vst v29  }
0x238: {  	v36 =	vld [tilespmem:$0x1FF50]  }
0x239: {  	[tilespmem:s2+$0x70] =	vst v32;
	v30 =	vld.idx.msk [tilespmem:v30+s9+$0x0], $0xffff  }
0x23a: {  	v38 =	vld [tilespmem:$0x1FF40]  }
0x23b: {  	v31 =	vld.idx.msk [tilespmem:v31+s9+$0x0], $0xffff;
	_ =	sdelay $0x2  }
0x23c: {  	v29 =	vadd.s32 v36, v48;
	[tilespmem:s24+$0x400] =	vst v30  }
0x23d: {  	v37 =	vadd.s32 v36, v53;
	v29 =	vor.u32 v50, v29;
	v36 =	vld [tilespmem:$0x1FF60]  }
0x23e: {  	v32 =	vor.u32 v15, v37;
	v29 =	vor.u32 v38, v29;
	[tilespmem:s2+$0x400] =	vst v31  }
0x23f: {  	v32 =	vor.u32 v38, v32;
	v37 =	vld [tilespmem:$0x1FF80];
	_ =	sdelay $0x2  }
0x240: {  	v30 =	vadd.s32 v36, v48  }
0x241: {  	v29 =	vld.idx.msk [tilespmem:v29+s9+$0x0], $0xffff;
	v31 =	vadd.s32 v36, v53;
	v30 =	vor.u32 v50, v30  }
0x242: {  	v32 =	vld.idx.msk [tilespmem:v32+s9+$0x0], $0xffff;
	v31 =	vor.u32 v15, v31;
	v30 =	vor.u32 v37, v30  }
0x243: {  	v31 =	vor.u32 v37, v31;
	_ =	sdelay $0x2  }
0x244: {  	[tilespmem:s24+$0x410] =	vst v29;
	v29 =	vadd.s32 v49, v48  }
0x245: {  	v38 =	vadd.s32 v49, v53;
	[tilespmem:s2+$0x410] =	vst v32;
	v29 =	vor.u32 v50, v29;
	v30 =	vld.idx.msk [tilespmem:v30+s9+$0x0], $0xffff  }
0x246: {  	v32 =	vor.u32 v15, v38;
	v29 =	vor.u32 v46, v29;
	v31 =	vld.idx.msk [tilespmem:v31+s9+$0x0], $0xffff  }
0x247: {  	v32 =	vor.u32 v46, v32;
	_ =	sdelay $0x2  }
0x248: {  	[tilespmem:s24+$0x420] =	vst v30;
	v30 =	vadd.s32 v40, v48  }
0x249: {  	[tilespmem:s2+$0x420] =	vst v31;
	v31 =	vadd.s32 v40, v53;
	v29 =	vld.idx.msk [tilespmem:v29+s9+$0x0], $0xffff;
	v30 =	vor.u32 v50, v30  }
0x24a: {  	v32 =	vld.idx.msk [tilespmem:v32+s9+$0x0], $0xffff;
	v31 =	vor.u32 v15, v31;
	v30 =	vor.u32 v39, v30  }
0x24b: {  	v31 =	vor.u32 v39, v31;
	_ =	sdelay $0x2  }
0x24c: {  	[tilespmem:s24+$0x430] =	vst v29;
	v29 =	vadd.s32 v42, v48  }
0x24d: {  	[tilespmem:s2+$0x430] =	vst v32;
	v30 =	vld.idx.msk [tilespmem:v30+s9+$0x0], $0xffff;
	v29 =	vor.u32 v50, v29  }
0x24e: {  	v40 =	vadd.s32 v42, v53;
	v31 =	vld.idx.msk [tilespmem:v31+s9+$0x0], $0xffff;
	v29 =	vor.u32 v41, v29  }
0x24f: {  	v32 =	vor.u32 v15, v40  }
0x250: {  	v32 =	vor.u32 v41, v32;
	_ =	sdelay $0x1  }
0x251: {  	[tilespmem:s24+$0x440] =	vst v30  }
0x252: {  	v30 =	vadd.s32 v51, v48;
	[tilespmem:s2+$0x440] =	vst v31;
	v29 =	vld.idx.msk [tilespmem:v29+s9+$0x0], $0xffff  }
0x253: {  	v30 =	vor.u32 v50, v30;
	v42 =	vld [tilespmem:$0x1FDC0]  }
0x254: {  	v31 =	vadd.s32 v51, v53;
	v32 =	vld.idx.msk [tilespmem:v32+s9+$0x0], $0xffff;
	v30 =	vor.u32 v44, v30  }
0x255: {  	v31 =	vor.u32 v15, v31;
	v46 =	vld [tilespmem:$0x1FE00]  }
0x256: {  	v31 =	vor.u32 v44, v31;
	_ =	sdelay $0x1  }
0x257: {  	v44 =	vadd.s32 v42, v4;
	[tilespmem:s24+$0x450] =	vst v29  }
0x258: {  	v25 =	vor.u32 v3, v25;
	[tilespmem:s2+$0x450] =	vst v32;
	v33 =	vor.u32 v5, v44;
	v30 =	vld.idx.msk [tilespmem:v30+s9+$0x0], $0xffff  }
0x259: {  	v25 =	vor.u32 v46, v25;
	v29 =	vadd.s32 v42, v48;
	v51 =	vld [tilespmem:$0x1FFF0];
	v33 =	vor.u32 v46, v33  }
0x25a: {  	v34 =	vadd.s32 v42, v53;
	v29 =	vor.u32 v50, v29;
	v31 =	vld.idx.msk [tilespmem:v31+s9+$0x0], $0xffff;
	[tilespmem:s18+$0x460] =	vst v27  }
0x25b: {  	v49 =	vor.u32 v15, v34;
	v29 =	vor.u32 v46, v29;
	v40 =	vld [tilespmem:$0x1FE40]  }
0x25c: {  	v32 =	vor.u32 v46, v49;
	_ =	sdelay $0x1  }
0x25d: {  	[tilespmem:s17+$0x460] =	vst v28;
	v39 =	vadd.s32 v51, v4;
	v33 =	vld.idx.msk [tilespmem:v33+s9+$0x0], $0xffff  }
0x25e: {  	v25 =	vld.idx.msk [tilespmem:v25+s9+$0x0], $0xffff;
	[tilespmem:s24+$0x460] =	vst v30;
	v27 =	vor.u32 v5, v39  }
0x25f: {  	[tilespmem:s2+$0x460] =	vst v31;
	v29 =	vld.idx.msk [tilespmem:v29+s9+$0x0], $0xffff;
	v27 =	vor.u32 v40, v27  }
0x260: {  	v23 =	vor.u32 v3, v23;
	v31 =	vld.idx.msk [tilespmem:v32+s9+$0x0], $0xffff  }
0x261: {  	v28 =	vadd.s32 v51, v48;
	v23 =	vor.u32 v40, v23;
	v41 =	vld [tilespmem:$0x1FFD0]  }
0x262: {  	v30 =	vadd.s32 v51, v53;
	v28 =	vor.u32 v50, v28;
	[tilespmem:s18+$0x470] =	vst v33  }
0x263: {  	v30 =	vor.u32 v15, v30;
	v28 =	vor.u32 v40, v28;
	v33 =	vld [tilespmem:$0x1FE80]  }
0x264: {  	v30 =	vor.u32 v40, v30;
	v27 =	vld.idx.msk [tilespmem:v27+s9+$0x0], $0xffff;
	[tilespmem:s17+$0x470] =	vst v25  }
0x265: {  	[tilespmem:s24+$0x470] =	vst v29  }
0x266: {  	v42 =	vadd.s32 v41, v4;
	[tilespmem:s2+$0x470] =	vst v31;
	v23 =	vld.idx.msk [tilespmem:v23+s9+$0x0], $0xffff  }
0x267: {  	v32 =	vor.u32 v5, v42;
	v44 =	vld [tilespmem:$0x1FFE0]  }
0x268: {  	v28 =	vld.idx.msk [tilespmem:v28+s9+$0x0], $0xffff;
	v32 =	vor.u32 v33, v32  }
0x269: {  	v30 =	vld.idx.msk [tilespmem:v30+s9+$0x0], $0xffff;
	[tilespmem:s18+$0x800] =	vst v27  }
0x26a: {  	v22 =	vor.u32 v3, v22;
	v25 =	vadd.s32 v41, v48;
	v46 =	vld [tilespmem:$0x1FED0]  }
0x26b: {  	v29 =	vadd.s32 v41, v53;
	v25 =	vor.u32 v50, v25;
	v22 =	vor.u32 v33, v22  }
0x26c: {  	v29 =	vor.u32 v15, v29;
	v25 =	vor.u32 v33, v25;
	v31 =	vadd.s32 v44, v4;
	[tilespmem:s17+$0x800] =	vst v23  }
0x26d: {  	v29 =	vor.u32 v33, v29;
	[tilespmem:s24+$0x800] =	vst v28;
	v27 =	vor.u32 v5, v31;
	v31 =	vld.idx.msk [tilespmem:v32+s9+$0x0], $0xffff  }
0x26e: {  	[tilespmem:s2+$0x800] =	vst v30  }
0x26f: {  	v49 =	vld [tilespmem:$0x1FFC0];
	v27 =	vor.u32 v46, v27  }
0x270: {  	v22 =	vld.idx.msk [tilespmem:v22+s9+$0x0], $0xffff  }
0x271: {  	v25 =	vld.idx.msk [tilespmem:v25+s9+$0x0], $0xffff  }
0x272: {  	v29 =	vld.idx.msk [tilespmem:v29+s9+$0x0], $0xffff;
	[tilespmem:s18+$0x810] =	vst v31  }
0x273: {  	v21 =	vor.u32 v3, v21;
	v31 =	vld [tilespmem:$0x1FF10]  }
0x274: {  	v23 =	vadd.s32 v44, v48;
	v21 =	vor.u32 v46, v21;
	v27 =	vld.idx.msk [tilespmem:v27+s9+$0x0], $0xffff  }
0x275: {  	v28 =	vadd.s32 v44, v53;
	v23 =	vor.u32 v50, v23  }
0x276: {  	v28 =	vor.u32 v15, v28;
	v23 =	vor.u32 v46, v23;
	v30 =	vadd.s32 v49, v4;
	[tilespmem:s17+$0x810] =	vst v22  }
0x277: {  	v28 =	vor.u32 v46, v28;
	v30 =	vor.u32 v5, v30;
	[tilespmem:s24+$0x810] =	vst v25  }
0x278: {  	[tilespmem:s2+$0x810] =	vst v29;
	v30 =	vor.u32 v31, v30  }
0x279: {  	v21 =	vld.idx.msk [tilespmem:v21+s9+$0x0], $0xffff;
	[tilespmem:s18+$0x820] =	vst v27  }
0x27a: {  	v19 =	vor.u32 v3, v19;
	v22 =	vadd.s32 v49, v48;
	v51 =	vld [tilespmem:$0x1FF30]  }
0x27b: {  	v25 =	vadd.s32 v49, v53;
	v23 =	vld.idx.msk [tilespmem:v23+s9+$0x0], $0xffff;
	v22 =	vor.u32 v50, v22;
	v19 =	vor.u32 v31, v19  }
0x27c: {  	v28 =	vld.idx.msk [tilespmem:v28+s9+$0x0], $0xffff;
	v25 =	vor.u32 v15, v25;
	v22 =	vor.u32 v31, v22  }
0x27d: {  	v29 =	vadd.s32 v54, v4;
	v25 =	vor.u32 v31, v25;
	v30 =	vld.idx.msk [tilespmem:v30+s9+$0x0], $0xffff  }
0x27e: {  	v27 =	vor.u32 v5, v29  }
0x27f: {  	[tilespmem:s17+$0x820] =	vst v21;
	v27 =	vor.u32 v51, v27  }
0x280: {  	v29 =	vadd.s32 v54, v6;
	[tilespmem:s24+$0x820] =	vst v23;
	v19 =	vld.idx.msk [tilespmem:v19+s9+$0x0], $0xffff  }
0x281: {  	v21 =	vor.u32 v3, v29;
	[tilespmem:s2+$0x820] =	vst v28;
	v22 =	vld.idx.msk [tilespmem:v22+s9+$0x0], $0xffff  }
0x282: {  	v28 =	vadd.s32 v54, v53;
	v25 =	vld.idx.msk [tilespmem:v25+s9+$0x0], $0xffff;
	v21 =	vor.u32 v51, v21;
	[tilespmem:s18+$0x830] =	vst v30  }
0x283: {  	v23 =	vadd.s32 v54, v48;
	v28 =	vor.u32 v15, v28;
	v54 =	vld [tilespmem:$0x1FF70]  }
0x284: {  	v28 =	vor.u32 v51, v28;
	v27 =	vld.idx.msk [tilespmem:v27+s9+$0x0], $0xffff  }
0x285: {  	v23 =	vor.u32 v50, v23  }
0x286: {  	v31 =	vadd.s32 v55, v4;
	v23 =	vor.u32 v51, v23;
	[tilespmem:s17+$0x830] =	vst v19  }
0x287: {  	v30 =	vor.u32 v5, v31;
	v31 =	vadd.s32 v55, v6;
	v21 =	vld.idx.msk [tilespmem:v21+s9+$0x0], $0xffff;
	[tilespmem:s24+$0x830] =	vst v22  }
0x288: {  	v19 =	vor.u32 v3, v31;
	[tilespmem:s2+$0x830] =	vst v25;
	v25 =	vadd.s32 v55, v53;
	v30 =	vor.u32 v54, v30  }
0x289: {  	v28 =	vld.idx.msk [tilespmem:v28+s9+$0x0], $0xffff;
	v25 =	vor.u32 v15, v25;
	v19 =	vor.u32 v54, v19;
	[tilespmem:s18+$0x840] =	vst v27  }
0x28a: {  	v29 =	vadd.s32 v63, v0;
	v22 =	vadd.s32 v55, v48;
	v25 =	vor.u32 v54, v25;
	v55 =	vld [tilespmem:$0x1FFA0]  }
0x28b: {  	v29 =	vor.u32 v1, v29;
	v23 =	vld.idx.msk [tilespmem:v23+s9+$0x0], $0xffff;
	v22 =	vor.u32 v50, v22  }
0x28c: {  	v29 =	vor.u32 v61, v29;
	v31 =	vadd.s32 v56, v4;
	v22 =	vor.u32 v54, v22  }
0x28d: {  	v27 =	vor.u32 v5, v31;
	v31 =	vadd.s32 v56, v6;
	[tilespmem:s17+$0x840] =	vst v21;
	v30 =	vld.idx.msk [tilespmem:v30+s9+$0x0], $0xffff  }
0x28e: {  	s7 =	sor.u32 $0xC20, s5;
	v21 =	vor.u32 v3, v31;
	v31 =	vadd.s32 v56, v53;
	[tilespmem:s2+$0x840] =	vst v28;
	v19 =	vld.idx.msk [tilespmem:v19+s9+$0x0], $0xffff  }
0x28f: {  	[tilespmem:s7+$0x10200] =	vst v26;
	v26 =	vor.u32 v15, v31;
	v25 =	vld.idx.msk [tilespmem:v25+s9+$0x0], $0xffff;
	v27 =	vor.u32 v55, v27  }
0x290: {  	[tilespmem:s24+$0x840] =	vst v23;
	v23 =	vadd.s32 v56, v48;
	v26 =	vor.u32 v55, v26  }
0x291: {  	v20 =	vor.u32 v2, v20;
	v23 =	vor.u32 v50, v23;
	v22 =	vld.idx.msk [tilespmem:v22+s9+$0x0], $0xffff;
	v21 =	vor.u32 v55, v21  }
0x292: {  	v20 =	vor.u32 v61, v20;
	v23 =	vor.u32 v55, v23;
	[tilespmem:s18+$0x850] =	vst v30  }
0x293: {  	v28 =	vld.idx.msk [tilespmem:v29+s9+$0x0], $0xffff;
	v31 =	vadd.s32 v57, v4;
	v56 =	vadd.s32 v57, v6;
	[tilespmem:s17+$0x850] =	vst v19  }
0x294: {  	v30 =	vor.u32 v5, v31;
	v31 =	vadd.s32 v57, v53;
	[tilespmem:s2+$0x850] =	vst v25;
	v27 =	vld.idx.msk [tilespmem:v27+s9+$0x0], $0xffff  }
0x295: {  	v19 =	vor.u32 v3, v56;
	v30 =	vor.u32 v45, v30;
	v25 =	vor.u32 v15, v31;
	v26 =	vld.idx.msk [tilespmem:v26+s9+$0x0], $0xffff  }
0x296: {  	[tilespmem:s24+$0x850] =	vst v22;
	v22 =	vadd.s32 v57, v48;
	v21 =	vld.idx.msk [tilespmem:v21+s9+$0x0], $0xffff;
	v25 =	vor.u32 v45, v25  }
0x297: {  	v29 =	vadd.s32 v8, v0;
	v19 =	vor.u32 v45, v19;
	v23 =	vld.idx.msk [tilespmem:v23+s9+$0x0], $0xffff;
	v22 =	vor.u32 v50, v22;
	s0 =	rddreg [dreg:$0x11]  }
0x298: {  	v29 =	vor.u32 v1, v29;
	v22 =	vor.u32 v45, v22;
	[tilespmem:s0+$0x10200] =	vst v24;
	v24 =	vadd.s32 v52, v4  }
0x299: {  	v29 =	vor.u32 v7, v29;
	v31 =	vadd.s32 v52, v6;
	v24 =	vor.u32 v5, v24;
	[tilespmem:s18+$0x860] =	vst v27  }
0x29a: {  	v24 =	vor.u32 v43, v24;
	[tilespmem:s2+$0x860] =	vst v26;
	v27 =	vld.idx.msk [tilespmem:v30+s9+$0x0], $0xffff;
	v30 =	vadd.s32 v52, v53  }
0x29b: {  	[tilespmem:s17+$0x860] =	vst v21;
	v21 =	vor.u32 v3, v31;
	v25 =	vld.idx.msk [tilespmem:v25+s9+$0x0], $0xffff;
	v26 =	vor.u32 v15, v30  }
0x29c: {  	s8 =	sor.u32 $0xC30, s5;
	[tilespmem:s24+$0x860] =	vst v23;
	v23 =	vadd.s32 v52, v48;
	v19 =	vld.idx.msk [tilespmem:v19+s9+$0x0], $0xffff;
	v26 =	vor.u32 v43, v26  }
0x29d: {  	[tilespmem:s8+$0x10200] =	vst v28;
	v21 =	vor.u32 v43, v21;
	v22 =	vld.idx.msk [tilespmem:v22+s9+$0x0], $0xffff;
	v23 =	vor.u32 v50, v23  }
0x29e: {  	v28 =	vld.idx.msk [tilespmem:v29+s9+$0x0], $0xffff;
	v23 =	vor.u32 v43, v23  }
0x29f: {  	v29 =	vadd.s32 v58, v4;
	v20 =	vld.idx.msk [tilespmem:v20+s9+$0x0], $0xffff;
	[tilespmem:s18+$0x870] =	vst v27  }
0x2a0: {  	s14 =	sadd.s32 $0x2, s12;
	s4 =	sadd.s32 $0x1, s13;
	v27 =	vor.u32 v5, v29;
	[tilespmem:s2+$0x870] =	vst v25;
	v24 =	vld.idx.msk [tilespmem:v24+s9+$0x0], $0xffff  }
0x2a1: {  	s15 =	sand.u32 $0x7, s14;
	s4 =	sand.u32 $0x3, s4;
	v31 =	vadd.s32 v58, v6;
	[tilespmem:s17+$0x870] =	vst v19;
	v27 =	vor.u32 v47, v27;
	v26 =	vld.idx.msk [tilespmem:v26+s9+$0x0], $0xffff  }
0x2a2: {  	s4 =	sshll.u32 s4, $0x8;
	s7 =	sshll.u32 s15, $0x7;
	v29 =	vor.u32 v3, v31;
	[tilespmem:s24+$0x870] =	vst v22;
	v22 =	vadd.s32 v58, v48;
	s17 =	sadd.s32 $0x400, s19;
	v19 =	vld.idx.msk [tilespmem:v21+s9+$0x0], $0xffff  }
0x2a3: {  	s18 =	sadd.s32 $0x2, s14;
	v21 =	vor.u32 v47, v29;
	v29 =	vadd.s32 v58, v53;
	v23 =	vld.idx.msk [tilespmem:v23+s9+$0x0], $0xffff;
	v22 =	vor.u32 v50, v22;
	s3 =	sadd.s32 s7, s17;
	s0 =	rddreg [dreg:$0xe]  }
0x2a4: {  	v18 =	vor.u32 v2, v18;
	s4 =	sadd.s32 s4, s6;
	s19 =	sand.u32 $0x7, s18;
	v29 =	vor.u32 v15, v29;
	v22 =	vor.u32 v47, v22;
	[tilespmem:s0+$0x10200] =	vst v20;
	s2 =	sor.u32 $0xC00, s3  }
0x2a5: {  	s6 =	sor.u32 $0xC00, s4;
	v30 =	vadd.s32 v10, v0;
	s8 =	sadd.s32 $0x400, s17;
	v20 =	vadd.s32 v59, v4;
	s7 =	sshll.u32 s19, $0x7;
	v29 =	vor.u32 v47, v29;
	[tilespmem:s2+$0x10200] =	vst v24  }
0x2a6: {  	v25 =	vor.u32 v1, v30;
	v20 =	vor.u32 v5, v20;
	s2 =	sadd.s32 s7, s8;
	v24 =	vld.idx.msk [tilespmem:v27+s9+$0x0], $0xffff;
	s0 =	rddreg [dreg:$0xd];
	[tilespmem:s6+$0x10200] =	vst v26  }
0x2a7: {  	v30 =	vadd.s32 v59, v6;
	v25 =	vor.u32 v9, v25;
	v20 =	vor.u32 v60, v20;
	s1 =	sor.u32 $0xC00, s2;
	[tilespmem:s0+$0x10200] =	vst v19  }
0x2a8: {  	v27 =	vor.u32 v3, v30;
	[tilespmem:s1+$0x10200] =	vst v23;
	v23 =	vadd.s32 v59, v48;
	v19 =	vld.idx.msk [tilespmem:v21+s9+$0x0], $0xffff  }
0x2a9: {  	s20 =	sor.u32 $0xC40, s5;
	v21 =	vor.u32 v60, v27;
	v27 =	vadd.s32 v59, v53;
	v22 =	vld.idx.msk [tilespmem:v22+s9+$0x0], $0xffff;
	v23 =	vor.u32 v50, v23  }
0x2aa: {  	s21 =	sor.u32 $0xC10, s3;
	[tilespmem:s20+$0x10200] =	vst v28;
	v26 =	vor.u32 v15, v27;
	v23 =	vor.u32 v60, v23;
	v27 =	vld.idx.msk [tilespmem:v29+s9+$0x0], $0xffff  }
0x2ab: {  	v17 =	vor.u32 v2, v17;
	v16 =	vor.u32 v2, v16;
	v26 =	vor.u32 v60, v26;
	[tilespmem:s21+$0x10200] =	vst v24  }
0x2ac: {  	v2 =	vor.u32 v2, v14;
	v18 =	vor.u32 v7, v18;
	v28 =	vadd.s32 v63, v4;
	v20 =	vld.idx.msk [tilespmem:v20+s9+$0x0], $0xffff;
	s0 =	rddreg [dreg:$0xa]  }
0x2ad: {  	v17 =	vor.u32 v9, v17;
	s22 =	sor.u32 $0xC10, s2;
	v25 =	vld.idx.msk [tilespmem:v25+s9+$0x0], $0xffff;
	v24 =	vor.u32 v5, v28;
	[tilespmem:s0+$0x10200] =	vst v19  }
0x2ae: {  	s24 =	sor.u32 $0xC10, s4;
	v30 =	vadd.s32 v63, v6;
	v24 =	vor.u32 v61, v24;
	[tilespmem:s22+$0x10200] =	vst v22;
	v19 =	vld.idx.msk [tilespmem:v21+s9+$0x0], $0xffff  }
0x2af: {  	v28 =	vor.u32 v3, v30;
	v22 =	vadd.s32 v63, v48;
	v23 =	vld.idx.msk [tilespmem:v23+s9+$0x0], $0xffff;
	[tilespmem:s24+$0x10200] =	vst v27  }
0x2b0: {  	s6 =	sor.u32 $0xC20, s3;
	v21 =	vor.u32 v61, v28;
	v28 =	vadd.s32 v63, v53;
	v22 =	vor.u32 v50, v22;
	v26 =	vld.idx.msk [tilespmem:v26+s9+$0x0], $0xffff  }
0x2b1: {  	v29 =	vadd.s32 v13, v0;
	v28 =	vor.u32 v15, v28;
	v22 =	vor.u32 v61, v22;
	[tilespmem:s6+$0x10200] =	vst v20  }
0x2b2: {  	v18 =	vld.idx.msk [tilespmem:v18+s9+$0x0], $0xffff;
	v27 =	vor.u32 v1, v29;
	v29 =	vadd.s32 v8, v4;
	v28 =	vor.u32 v61, v28;
	s0 =	rddreg [dreg:$0x8]  }
0x2b3: {  	s7 =	sor.u32 $0xC20, s2;
	v30 =	vadd.s32 v8, v6;
	v20 =	vor.u32 v5, v29;
	v24 =	vld.idx.msk [tilespmem:v24+s9+$0x0], $0xffff;
	[tilespmem:s0+$0x10200] =	vst v19  }
0x2b4: {  	v2 =	vor.u32 v11, v2;
	s8 =	sor.u32 $0xC20, s4;
	v29 =	vor.u32 v3, v30;
	v20 =	vor.u32 v7, v20;
	[tilespmem:s7+$0x10200] =	vst v23  }
0x2b5: {  	s11 =	sor.u32 $0xC50, s5;
	v23 =	vadd.s32 v8, v48;
	v8 =	vadd.s32 v8, v53;
	v19 =	vld.idx.msk [tilespmem:v21+s9+$0x0], $0xffff;
	[tilespmem:s8+$0x10200] =	vst v26  }
0x2b6: {  	v21 =	vor.u32 v7, v29;
	v22 =	vld.idx.msk [tilespmem:v22+s9+$0x0], $0xffff;
	v23 =	vor.u32 v50, v23;
	s0 =	rddreg [dreg:$0x4];
	[tilespmem:s11+$0x10200] =	vst v25  }
0x2b7: {  	s12 =	sor.u32 $0xC30, s3;
	v8 =	vor.u32 v15, v8;
	[tilespmem:s0+$0x10200] =	vst v18;
	v18 =	vor.u32 v7, v23;
	v23 =	vld.idx.msk [tilespmem:v28+s9+$0x0], $0xffff  }
0x2b8: {  	v0 =	vadd.s32 v62, v0;
	v25 =	vadd.s32 v10, v4;
	v7 =	vor.u32 v7, v8;
	[tilespmem:s12+$0x10200] =	vst v24  }
0x2b9: {  	v8 =	vor.u32 v12, v16;
	v16 =	vadd.s32 v10, v6;
	v24 =	vor.u32 v5, v25;
	s0 =	rddreg [dreg:$0x5]  }
0x2ba: {  	s13 =	sor.u32 $0xC30, s2;
	v16 =	vor.u32 v3, v16;
	v20 =	vld.idx.msk [tilespmem:v20+s9+$0x0], $0xffff;
	v24 =	vor.u32 v9, v24;
	[tilespmem:s0+$0x10200] =	vst v19  }
0x2bb: {  	s14 =	sor.u32 $0xC30, s4;
	v16 =	vor.u32 v9, v16;
	[tilespmem:s13+$0x10200] =	vst v22;
	v19 =	vld.idx.msk [tilespmem:v21+s9+$0x0], $0xffff;
	v21 =	vadd.s32 v10, v48  }
0x2bc: {  	v10 =	vadd.s32 v10, v53;
	v18 =	vld.idx.msk [tilespmem:v18+s9+$0x0], $0xffff;
	v21 =	vor.u32 v50, v21;
	[tilespmem:s14+$0x10200] =	vst v23  }
0x2bd: {  	v0 =	vor.u32 v1, v0;
	v10 =	vor.u32 v15, v10;
	v21 =	vor.u32 v9, v21;
	v7 =	vld.idx.msk [tilespmem:v7+s9+$0x0], $0xffff  }
0x2be: {  	s15 =	sor.u32 $0xC40, s3;
	v1 =	vadd.s32 v13, v4;
	v27 =	vor.u32 v12, v27;
	v9 =	vor.u32 v9, v10  }
0x2bf: {  	v1 =	vor.u32 v5, v1;
	v17 =	vld.idx.msk [tilespmem:v17+s9+$0x0], $0xffff;
	v10 =	vadd.s32 v13, v6;
	[tilespmem:s15+$0x10200] =	vst v20  }
0x2c0: {  	s16 =	sor.u32 $0xC40, s2;
	v1 =	vor.u32 v12, v1;
	v10 =	vor.u32 v3, v10;
	v14 =	vld.idx.msk [tilespmem:v24+s9+$0x0], $0xffff;
	[tilespmem:s28+$0x10200] =	vst v19  }
0x2c1: {  	s17 =	sor.u32 $0xC40, s4;
	v10 =	vor.u32 v12, v10;
	v16 =	vld.idx.msk [tilespmem:v16+s9+$0x0], $0xffff;
	[tilespmem:s16+$0x10200] =	vst v18;
	v18 =	vadd.s32 v13, v48  }
0x2c2: {  	v13 =	vadd.s32 v13, v53;
	v19 =	vld.idx.msk [tilespmem:v21+s9+$0x0], $0xffff;
	v18 =	vor.u32 v50, v18;
	[tilespmem:s17+$0x10200] =	vst v7  }
0x2c3: {  	v0 =	vor.u32 v11, v0;
	v7 =	vor.u32 v15, v13;
	v13 =	vor.u32 v12, v18;
	v9 =	vld.idx.msk [tilespmem:v9+s9+$0x0], $0xffff  }
0x2c4: {  	s18 =	sor.u32 $0xC50, s3;
	v4 =	vadd.s32 v62, v4;
	v22 =	vld.idx.msk [tilespmem:v27+s9+$0x0], $0xffff;
	[tilespmem:s25+$0x10200] =	vst v17;
	v7 =	vor.u32 v12, v7  }
0x2c5: {  	v4 =	vor.u32 v5, v4;
	v6 =	vadd.s32 v62, v6;
	v8 =	vld.idx.msk [tilespmem:v8+s9+$0x0], $0xffff;
	[tilespmem:s18+$0x10200] =	vst v14  }
0x2c6: {  	s19 =	sor.u32 $0xC50, s2;
	v4 =	vor.u32 v11, v4;
	v3 =	vor.u32 v3, v6;
	v1 =	vld.idx.msk [tilespmem:v1+s9+$0x0], $0xffff;
	[tilespmem:s26+$0x10200] =	vst v16  }
0x2c7: {  	s20 =	sor.u32 $0xC50, s4;
	v6 =	vadd.s32 v62, v48;
	v3 =	vor.u32 v11, v3;
	v5 =	vld.idx.msk [tilespmem:v10+s9+$0x0], $0xffff;
	[tilespmem:s19+$0x10200] =	vst v19  }
0x2c8: {  	s21 =	sor.u32 $0xC60, s5;
	v6 =	vor.u32 v50, v6;
	v10 =	vadd.s32 v62, v53;
	v12 =	vld.idx.msk [tilespmem:v13+s9+$0x0], $0xffff;
	[tilespmem:s20+$0x10200] =	vst v9  }
0x2c9: {  	[tilespmem:s21+$0x10200] =	vst v22;
	v6 =	vor.u32 v11, v6;
	v9 =	vor.u32 v15, v10;
	v7 =	vld.idx.msk [tilespmem:v7+s9+$0x0], $0xffff  }
0x2ca: {  	s22 =	sor.u32 $0xC60, s3;
	v0 =	vld.idx.msk [tilespmem:v0+s9+$0x0], $0xffff;
	[tilespmem:s30+$0x10200] =	vst v8;
	v8 =	vor.u32 v11, v9  }
0x2cb: {  	v2 =	vld.idx.msk [tilespmem:v2+s9+$0x0], $0xffff;
	[tilespmem:s22+$0x10200] =	vst v1  }
0x2cc: {  	s24 =	sor.u32 $0xC60, s2;
	v1 =	vld.idx.msk [tilespmem:v4+s9+$0x0], $0xffff;
	[tilespmem:s23+$0x10200] =	vst v5  }
0x2cd: {  	s25 =	sor.u32 $0xC60, s4;
	v3 =	vld.idx.msk [tilespmem:v3+s9+$0x0], $0xffff;
	[tilespmem:s24+$0x10200] =	vst v12  }
0x2ce: {  	s26 =	sor.u32 $0xC70, s5;
	v4 =	vld.idx.msk [tilespmem:v6+s9+$0x0], $0xffff;
	[tilespmem:s25+$0x10200] =	vst v7  }
0x2cf: {  	[tilespmem:s26+$0x10200] =	vst v0;
	v0 =	vld.idx.msk [tilespmem:v8+s9+$0x0], $0xffff  }
0x2d0: {  	s5 =	sor.u32 $0xC70, s3;
	[tilespmem:s29+$0x10200] =	vst v2  }
0x2d1: {  	[tilespmem:s5+$0x10200] =	vst v1  }
0x2d2: {  	s6 =	sor.u32 $0xC70, s2;
	[tilespmem:s31+$0x10200] =	vst v3  }
0x2d3: {  	s7 =	sor.u32 $0xC70, s4;
	[tilespmem:s6+$0x10200] =	vst v4  }
0x2d4: {  	s8 =	simm.s32 $0x10200;
	[tilespmem:s7+$0x10200] =	vst v0  }
0x2d5: {  	s11 =	simm.s32 $0x2;
	s5 =	simm.s32 $0x0;
	s0 =	rddreg [dreg:$0x14]  }
0x2d6: {  	[hbm4b:s0+s5] =	stream.linear.scatter [tilespmem:s8], [sflag:$0x3], $0x8000, $0x38;
	[tilespmem:$0x18200] =	vst v63  }
0x2d7: {  	_ =	swait.ge [sflag:s11], $0x8000  }
0x2d8: {  	[sflag:s11] =	ssyncset.done $0x0  }
0x2d9: {  	[sflag:s11] =	ssyncadd.s32 $0xFFFF8000  }
0x2da: {  	v3 =	vld [tilespmem:$0x0];
	_ =	sdelay $0x2  }
0x2db: {  	s0 =	simm.s32 $0x1  }
0x2dc: {  	v5 =	vmov s0  }
0x2dd: {  	v4 =	vshll.u32 v3, $0x3;
	v39 =	vand.u32 $0x7F, v3;
	v3 =	vshll.u32 v5, $0x9  }
0x2de: {  	v12 =	vand.u32 $0x7000, v3;
	v3 =	vshll.u32 v5, $0x7  }
0x2df: {  	v13 =	vand.u32 $0x380, v3;
	v3 =	vld [tilespmem:$0x170];
	_ =	sdelay $0x1  }
0x2e0: {  	v8 =	vld [tilespmem:$0x10]  }
0x2e1: {  	v29 =	vld [tilespmem:$0x20]  }
0x2e2: {  	v30 =	vld [tilespmem:$0x30]  }
0x2e3: {  	[tilespmem:$0x1F950] =	vst v3;
	v3 =	vld [tilespmem:$0x1A0]  }
0x2e4: {  	v31 =	vld [tilespmem:$0x40]  }
0x2e5: {  	v57 =	vld [tilespmem:$0x50]  }
0x2e6: {  	v58 =	vld [tilespmem:$0x60]  }
0x2e7: {  	v28 =	vld [tilespmem:$0x70]  }
0x2e8: {  	[tilespmem:$0x1F9E0] =	vst v3;
	v3 =	vld [tilespmem:$0x1B0]  }
0x2e9: {  	v27 =	vld [tilespmem:$0x80]  }
0x2ea: {  	v20 =	vld [tilespmem:$0x90]  }
0x2eb: {  	v2 =	vld [tilespmem:$0xA0]  }
0x2ec: {  	v1 =	vld [tilespmem:$0xB0]  }
0x2ed: {  	[tilespmem:$0x1FA60] =	vst v3;
	v3 =	vld [tilespmem:$0x1C0]  }
0x2ee: {  	v7 =	vmov s5;
	v0 =	vld [tilespmem:$0xC0]  }
0x2ef: {  	v9 =	vshll.u32 v7, $0x9;
	v26 =	vld [tilespmem:$0xD0];
	v40 =	vand.u32 $0xFFFFFC00, v4  }
0x2f0: {  	v7 =	vshll.u32 v7, $0x7;
	v14 =	vand.u32 $0x7000, v9;
	v25 =	vld [tilespmem:$0xE0];
	v10 =	vadd.s32 v40, v12  }
0x2f1: {  	v15 =	vand.u32 $0x300, v7;
	v24 =	vld [tilespmem:$0xF0];
	v7 =	vadd.s32 v40, v14;
	v9 =	vor.u32 v13, v10  }
0x2f2: {  	v7 =	vor.u32 v15, v7;
	v16 =	vor.u32 v39, v9;
	[tilespmem:$0x1FAA0] =	vst v3;
	v3 =	vld [tilespmem:$0x1D0]  }
0x2f3: {  	v23 =	vld [tilespmem:$0x100];
	v59 =	vor.u32 v39, v7  }
0x2f4: {  	v7 =	vld [tilespmem:$0x1E0]  }
0x2f5: {  	v22 =	vld [tilespmem:$0x110]  }
0x2f6: {  	v21 =	vld [tilespmem:$0x120]  }
0x2f7: {  	v17 =	vshll.u32 v8, $0x3;
	v60 =	vld.idx.msk [tilespmem:v16+s10+$0x0], $0xffff;
	[tilespmem:$0x1FAD0] =	vst v3  }
0x2f8: {  	v42 =	vand.u32 $0xFFFFFC00, v17;
	v34 =	vld.idx.msk [tilespmem:v59+s10+$0x0], $0xffff  }
0x2f9: {  	v17 =	vadd.s32 v42, v12;
	[tilespmem:$0x1FB30] =	vst v7;
	v7 =	vld [tilespmem:$0x1F0]  }
0x2fa: {  	v19 =	vld [tilespmem:$0x130];
	v41 =	vand.u32 $0x7F, v8;
	v16 =	vor.u32 v13, v17  }
0x2fb: {  	v18 =	vld [tilespmem:$0x140];
	v61 =	vor.u32 v41, v16;
	v16 =	vadd.s32 v42, v14  }
0x2fc: {  	s17 =	simm.s32 $0x80;
	s12 =	sand.u32 $0x7000, s5;
	v6 =	vld [tilespmem:$0x150];
	v16 =	vor.u32 v15, v16  }
0x2fd: {  	s14 =	sand.u32 $0x380, s17;
	s13 =	sor.u32 $0x200, s12;
	v11 =	vld [tilespmem:$0x160];
	v62 =	vshll.u32 v29, $0x3;
	v63 =	vor.u32 v41, v16  }
0x2fe: {  	s15 =	simm.s32 $0x0;
	s1 =	sadd.s32 s14, s13;
	v43 =	vand.u32 $0xFFFFFC00, v62;
	v10 =	vld [tilespmem:$0x180];
	[tilespmem:$0x1FB40] =	vst v7  }
0x2ff: {  	s3 =	sand.u32 $0x300, s15;
	v37 =	vadd.s32 v43, v12;
	v9 =	vld [tilespmem:$0x190];
	[tilespmem:s1+$0x0] =	vst v60  }
0x300: {  	s2 =	sadd.s32 s3, s13;
	v44 =	vand.u32 $0x7F, v29;
	v35 =	vor.u32 v13, v37;
	v29 =	vld.idx.msk [tilespmem:v61+s10+$0x0], $0xffff  }
0x301: {  	v47 =	vadd.s32 v43, v14;
	v35 =	vor.u32 v44, v35;
	[tilespmem:s2+$0x0] =	vst v34  }
0x302: {  	v34 =	vor.u32 v15, v47;
	v48 =	vld.idx.msk [tilespmem:v63+s10+$0x0], $0xffff  }
0x303: {  	v49 =	vshll.u32 v30, $0x3;
	v34 =	vor.u32 v44, v34  }
0x304: {  	v45 =	vand.u32 $0xFFFFFC00, v49  }
0x305: {  	[tilespmem:s1+$0x10] =	vst v29;
	v29 =	vadd.s32 v45, v12  }
0x306: {  	v63 =	vand.u32 $0x7F, v30;
	v30 =	vld.idx.msk [tilespmem:v35+s10+$0x0], $0xffff;
	v29 =	vor.u32 v13, v29  }
0x307: {  	v50 =	vadd.s32 v45, v14;
	[tilespmem:s2+$0x10] =	vst v48;
	v29 =	vor.u32 v63, v29  }
0x308: {  	v34 =	vld.idx.msk [tilespmem:v34+s10+$0x0], $0xffff;
	v35 =	vor.u32 v15, v50  }
0x309: {  	v51 =	vshll.u32 v31, $0x3;
	v35 =	vor.u32 v63, v35  }
0x30a: {  	v47 =	vand.u32 $0xFFFFFC00, v51  }
0x30b: {  	[tilespmem:s1+$0x20] =	vst v30;
	v30 =	vadd.s32 v47, v12  }
0x30c: {  	v46 =	vand.u32 $0x7F, v31;
	v29 =	vld.idx.msk [tilespmem:v29+s10+$0x0], $0xffff;
	v30 =	vor.u32 v13, v30  }
0x30d: {  	v31 =	vadd.s32 v47, v14;
	[tilespmem:s2+$0x20] =	vst v34;
	v30 =	vor.u32 v46, v30  }
0x30e: {  	v31 =	vor.u32 v15, v31;
	v34 =	vld.idx.msk [tilespmem:v35+s10+$0x0], $0xffff  }
0x30f: {  	v52 =	vshll.u32 v57, $0x3;
	v31 =	vor.u32 v46, v31  }
0x310: {  	v50 =	vand.u32 $0xFFFFFC00, v52  }
0x311: {  	[tilespmem:s1+$0x30] =	vst v29;
	v29 =	vadd.s32 v50, v12  }
0x312: {  	v17 =	vand.u32 $0x7F, v57;
	v30 =	vld.idx.msk [tilespmem:v30+s10+$0x0], $0xffff;
	v29 =	vor.u32 v13, v29  }
0x313: {  	v53 =	vadd.s32 v50, v14;
	[tilespmem:s2+$0x30] =	vst v34;
	v29 =	vor.u32 v17, v29  }
0x314: {  	v32 =	vor.u32 v15, v53;
	v31 =	vld.idx.msk [tilespmem:v31+s10+$0x0], $0xffff  }
0x315: {  	v54 =	vshll.u32 v58, $0x3;
	v32 =	vor.u32 v17, v32  }
0x316: {  	v54 =	vand.u32 $0xFFFFFC00, v54  }
0x317: {  	[tilespmem:s1+$0x40] =	vst v30;
	v30 =	vadd.s32 v54, v12  }
0x318: {  	v49 =	vand.u32 $0x7F, v58;
	v29 =	vld.idx.msk [tilespmem:v29+s10+$0x0], $0xffff;
	v30 =	vor.u32 v13, v30  }
0x319: {  	[tilespmem:s2+$0x40] =	vst v31;
	v31 =	vadd.s32 v54, v14;
	v30 =	vor.u32 v49, v30  }
0x31a: {  	v32 =	vld.idx.msk [tilespmem:v32+s10+$0x0], $0xffff;
	v31 =	vor.u32 v15, v31  }
0x31b: {  	v55 =	vshll.u32 v28, $0x3;
	v31 =	vor.u32 v49, v31  }
0x31c: {  	v38 =	vand.u32 $0xFFFFFC00, v55  }
0x31d: {  	[tilespmem:s1+$0x50] =	vst v29;
	v29 =	vadd.s32 v38, v12  }
0x31e: {  	v3 =	vand.u32 $0x7F, v28;
	v28 =	vld.idx.msk [tilespmem:v30+s10+$0x0], $0xffff;
	v29 =	vor.u32 v13, v29  }
0x31f: {  	[tilespmem:s2+$0x50] =	vst v32;
	v30 =	vadd.s32 v38, v14;
	v29 =	vor.u32 v3, v29  }
0x320: {  	v31 =	vld.idx.msk [tilespmem:v31+s10+$0x0], $0xffff;
	v30 =	vor.u32 v15, v30  }
0x321: {  	v56 =	vshll.u32 v27, $0x3;
	v30 =	vor.u32 v3, v30  }
0x322: {  	v62 =	vand.u32 $0xFFFFFC00, v56  }
0x323: {  	[tilespmem:s1+$0x60] =	vst v28;
	v28 =	vadd.s32 v62, v12  }
0x324: {  	v60 =	vand.u32 $0x7F, v27;
	v27 =	vld.idx.msk [tilespmem:v29+s10+$0x0], $0xffff;
	v28 =	vor.u32 v13, v28  }
0x325: {  	[tilespmem:s2+$0x60] =	vst v31;
	v29 =	vadd.s32 v62, v14;
	v28 =	vor.u32 v60, v28  }
0x326: {  	v30 =	vld.idx.msk [tilespmem:v30+s10+$0x0], $0xffff;
	v29 =	vor.u32 v15, v29  }
0x327: {  	v31 =	vshll.u32 v20, $0x3;
	v29 =	vor.u32 v60, v29  }
0x328: {  	v4 =	vand.u32 $0xFFFFFC00, v31  }
0x329: {  	[tilespmem:s1+$0x70] =	vst v27;
	v27 =	vadd.s32 v4, v12  }
0x32a: {  	v5 =	vand.u32 $0x7F, v20;
	v20 =	vld.idx.msk [tilespmem:v28+s10+$0x0], $0xffff;
	v27 =	vor.u32 v13, v27  }
0x32b: {  	[tilespmem:s2+$0x70] =	vst v30;
	v28 =	vadd.s32 v4, v14;
	v27 =	vor.u32 v5, v27  }
0x32c: {  	v29 =	vld.idx.msk [tilespmem:v29+s10+$0x0], $0xffff;
	v28 =	vor.u32 v15, v28  }
0x32d: {  	v30 =	vshll.u32 v2, $0x3;
	v28 =	vor.u32 v5, v28  }
0x32e: {  	v48 =	vand.u32 $0xFFFFFC00, v30  }
0x32f: {  	[tilespmem:s1+$0x400] =	vst v20;
	v20 =	vadd.s32 v48, v12  }
0x330: {  	v37 =	vand.u32 $0x7F, v2;
	v2 =	vld.idx.msk [tilespmem:v27+s10+$0x0], $0xffff;
	v20 =	vor.u32 v13, v20  }
0x331: {  	[tilespmem:s2+$0x400] =	vst v29;
	v27 =	vadd.s32 v48, v14;
	v20 =	vor.u32 v37, v20  }
0x332: {  	v28 =	vld.idx.msk [tilespmem:v28+s10+$0x0], $0xffff;
	v27 =	vor.u32 v15, v27  }
0x333: {  	v29 =	vshll.u32 v1, $0x3;
	v27 =	vor.u32 v37, v27  }
0x334: {  	s16 =	simm.s32 $0x2;
	v58 =	vand.u32 $0x7F, v1;
	v35 =	vand.u32 $0x7F, v0;
	v53 =	vand.u32 $0xFFFFFC00, v29  }
0x335: {  	v0 =	vshll.u32 v0, $0x3;
	v1 =	vmov s16;
	[tilespmem:s1+$0x410] =	vst v2;
	v2 =	vadd.s32 v53, v12  }
0x336: {  	s18 =	simm.s32 $0x3;
	v36 =	vand.u32 $0xFFFFFC00, v0;
	v0 =	vshll.u32 v1, $0x7;
	v20 =	vld.idx.msk [tilespmem:v20+s10+$0x0], $0xffff;
	v2 =	vor.u32 v13, v2  }
0x337: {  	[tilespmem:s2+$0x410] =	vst v28;
	v28 =	vadd.s32 v53, v14;
	v29 =	vor.u32 v58, v2;
	v2 =	vmov s18  }
0x338: {  	v30 =	vshll.u32 v1, $0x9;
	v27 =	vld.idx.msk [tilespmem:v27+s10+$0x0], $0xffff;
	v28 =	vor.u32 v15, v28;
	v1 =	vshll.u32 v2, $0x9  }
0x339: {  	v2 =	vshll.u32 v2, $0x7;
	v28 =	vor.u32 v58, v28;
	v1 =	vand.u32 $0x7000, v1  }
0x33a: {  	v0 =	vand.u32 $0x300, v0;
	v2 =	vand.u32 $0x380, v2;
	v31 =	vadd.s32 v40, v1  }
0x33b: {  	[tilespmem:s1+$0x420] =	vst v20;
	v20 =	vand.u32 $0x7000, v30;
	v30 =	vor.u32 v2, v31;
	v31 =	vadd.s32 v36, v12  }
0x33c: {  	v29 =	vld.idx.msk [tilespmem:v29+s10+$0x0], $0xffff;
	v30 =	vor.u32 v39, v30;
	v31 =	vor.u32 v13, v31;
	v57 =	vadd.s32 v40, v20  }
0x33d: {  	[tilespmem:s2+$0x420] =	vst v27;
	v27 =	vadd.s32 v36, v14;
	v31 =	vor.u32 v35, v31;
	v32 =	vor.u32 v0, v57  }
0x33e: {  	v28 =	vld.idx.msk [tilespmem:v28+s10+$0x0], $0xffff;
	v27 =	vor.u32 v15, v27;
	v32 =	vor.u32 v39, v32  }
0x33f: {  	v59 =	vshll.u32 v26, $0x3;
	v27 =	vor.u32 v35, v27  }
0x340: {  	v52 =	vand.u32 $0xFFFFFC00, v59;
	v61 =	vadd.s32 v42, v1  }
0x341: {  	v51 =	vand.u32 $0x7F, v26;
	v26 =	vld.idx.msk [tilespmem:v30+s10+$0x0], $0xffff;
	[tilespmem:s1+$0x430] =	vst v29;
	v29 =	vor.u32 v2, v61;
	v30 =	vadd.s32 v52, v12  }
0x342: {  	s19 =	simm.s32 $0x400;
	v31 =	vld.idx.msk [tilespmem:v31+s10+$0x0], $0xffff;
	v29 =	vor.u32 v41, v29;
	v30 =	vor.u32 v13, v30  }
0x343: {  	s20 =	simm.s32 $0x180;
	s3 =	sand.u32 $0x7000, s19;
	v55 =	vadd.s32 v42, v20;
	[tilespmem:s2+$0x430] =	vst v28;
	v30 =	vor.u32 v51, v30;
	v32 =	vld.idx.msk [tilespmem:v32+s10+$0x0], $0xffff  }
0x344: {  	s4 =	sand.u32 $0x380, s20;
	s3 =	sor.u32 $0x200, s3;
	v33 =	vadd.s32 v52, v14;
	v28 =	vor.u32 v0, v55;
	v27 =	vld.idx.msk [tilespmem:v27+s10+$0x0], $0xffff  }
0x345: {  	s21 =	simm.s32 $0x100;
	s19 =	sadd.s32 s4, s3;
	v33 =	vor.u32 v15, v33;
	v28 =	vor.u32 v41, v28  }
0x346: {  	s4 =	sand.u32 $0x300, s21;
	v56 =	vshll.u32 v25, $0x3;
	v33 =	vor.u32 v51, v33;
	[tilespmem:s19+$0x0] =	vst v26  }
0x347: {  	v8 =	vand.u32 $0xFFFFFC00, v56;
	s18 =	sadd.s32 s4, s3;
	v26 =	vadd.s32 v43, v1;
	v29 =	vld.idx.msk [tilespmem:v29+s10+$0x0], $0xffff;
	[tilespmem:s1+$0x440] =	vst v31  }
0x348: {  	v61 =	vand.u32 $0x7F, v25;
	v26 =	vor.u32 v2, v26;
	v31 =	vadd.s32 v8, v12;
	v25 =	vld.idx.msk [tilespmem:v30+s10+$0x0], $0xffff;
	[tilespmem:s18+$0x0] =	vst v32  }
0x349: {  	v26 =	vor.u32 v44, v26;
	v30 =	vor.u32 v13, v31;
	v31 =	vadd.s32 v43, v20;
	[tilespmem:s2+$0x440] =	vst v27  }
0x34a: {  	v27 =	vadd.s32 v8, v14;
	v30 =	vor.u32 v61, v30;
	v28 =	vld.idx.msk [tilespmem:v28+s10+$0x0], $0xffff;
	v31 =	vor.u32 v0, v31  }
0x34b: {  	v59 =	vshll.u32 v24, $0x3;
	v57 =	vld.idx.msk [tilespmem:v33+s10+$0x0], $0xffff;
	v27 =	vor.u32 v15, v27;
	v31 =	vor.u32 v44, v31  }
0x34c: {  	v16 =	vand.u32 $0xFFFFFC00, v59;
	v27 =	vor.u32 v61, v27;
	[tilespmem:s19+$0x10] =	vst v29  }
0x34d: {  	v29 =	vadd.s32 v45, v1;
	[tilespmem:$0x1FA50] =	vst v16  }
0x34e: {  	v7 =	vand.u32 $0x7F, v24;
	v24 =	vor.u32 v2, v29;
	v29 =	vadd.s32 v16, v12;
	v26 =	vld.idx.msk [tilespmem:v26+s10+$0x0], $0xffff;
	[tilespmem:s1+$0x450] =	vst v25  }
0x34f: {  	[tilespmem:s18+$0x10] =	vst v28;
	v24 =	vor.u32 v63, v24;
	v28 =	vor.u32 v13, v29;
	v25 =	vld.idx.msk [tilespmem:v30+s10+$0x0], $0xffff  }
0x350: {  	v29 =	vadd.s32 v45, v20;
	[tilespmem:s2+$0x450] =	vst v57;
	v28 =	vor.u32 v7, v28;
	v31 =	vld.idx.msk [tilespmem:v31+s10+$0x0], $0xffff  }
0x351: {  	v30 =	vadd.s32 v16, v14;
	v29 =	vor.u32 v0, v29;
	v27 =	vld.idx.msk [tilespmem:v27+s10+$0x0], $0xffff  }
0x352: {  	v30 =	vor.u32 v15, v30;
	v29 =	vor.u32 v63, v29  }
0x353: {  	v30 =	vor.u32 v7, v30;
	[tilespmem:s19+$0x20] =	vst v26;
	v26 =	vshll.u32 v23, $0x3  }
0x354: {  	v55 =	vadd.s32 v47, v1;
	[tilespmem:s1+$0x460] =	vst v25;
	v57 =	vand.u32 $0xFFFFFC00, v26;
	v24 =	vld.idx.msk [tilespmem:v24+s10+$0x0], $0xffff  }
0x355: {  	v59 =	vand.u32 $0x7F, v23;
	v25 =	vor.u32 v2, v55;
	[tilespmem:s18+$0x20] =	vst v31;
	v26 =	vld.idx.msk [tilespmem:v28+s10+$0x0], $0xffff;
	v28 =	vadd.s32 v57, v12  }
0x356: {  	[tilespmem:s2+$0x460] =	vst v27;
	v27 =	vadd.s32 v47, v20;
	v25 =	vor.u32 v46, v25;
	v23 =	vor.u32 v13, v28  }
0x357: {  	v27 =	vor.u32 v0, v27;
	v28 =	vld.idx.msk [tilespmem:v29+s10+$0x0], $0xffff;
	v23 =	vor.u32 v59, v23  }
0x358: {  	v29 =	vld.idx.msk [tilespmem:v30+s10+$0x0], $0xffff;
	v30 =	vadd.s32 v57, v14;
	v27 =	vor.u32 v46, v27  }
0x359: {  	v30 =	vor.u32 v15, v30  }
0x35a: {  	[tilespmem:s19+$0x30] =	vst v24;
	v24 =	vor.u32 v59, v30  }
0x35b: {  	[tilespmem:s1+$0x470] =	vst v26;
	v25 =	vld.idx.msk [tilespmem:v25+s10+$0x0], $0xffff  }
0x35c: {  	v26 =	vshll.u32 v22, $0x3;
	[tilespmem:s18+$0x30] =	vst v28;
	v23 =	vld.idx.msk [tilespmem:v23+s10+$0x0], $0xffff  }
0x35d: {  	v56 =	vand.u32 $0xFFFFFC00, v26;
	v26 =	vadd.s32 v50, v1;
	v27 =	vld.idx.msk [tilespmem:v27+s10+$0x0], $0xffff  }
0x35e: {  	v55 =	vand.u32 $0x7F, v22;
	[tilespmem:s2+$0x470] =	vst v29;
	v22 =	vor.u32 v2, v26;
	v26 =	vadd.s32 v56, v12  }
0x35f: {  	v28 =	vadd.s32 v50, v20;
	v22 =	vor.u32 v17, v22;
	v26 =	vor.u32 v13, v26;
	v24 =	vld.idx.msk [tilespmem:v24+s10+$0x0], $0xffff  }
0x360: {  	v28 =	vor.u32 v0, v28;
	v29 =	vadd.s32 v56, v14;
	v26 =	vor.u32 v55, v26;
	[tilespmem:s19+$0x40] =	vst v25  }
0x361: {  	v29 =	vor.u32 v15, v29;
	v28 =	vor.u32 v17, v28;
	[tilespmem:s1+$0x800] =	vst v23;
	v23 =	vshll.u32 v21, $0x3  }
0x362: {  	v25 =	vor.u32 v55, v29;
	[tilespmem:s18+$0x40] =	vst v27;
	v29 =	vand.u32 $0xFFFFFC00, v23  }
0x363: {  	[tilespmem:$0x1FB10] =	vst v29  }
0x364: {  	v23 =	vadd.s32 v54, v1;
	v22 =	vld.idx.msk [tilespmem:v22+s10+$0x0], $0xffff;
	[tilespmem:s2+$0x800] =	vst v24  }
0x365: {  	v16 =	vand.u32 $0x7F, v21;
	v21 =	vor.u32 v2, v23;
	v23 =	vld.idx.msk [tilespmem:v26+s10+$0x0], $0xffff;
	[tilespmem:$0x1FB20] =	vst v49  }
0x366: {  	v26 =	vld.idx.msk [tilespmem:v28+s10+$0x0], $0xffff  }
0x367: {  	v24 =	vadd.s32 v29, v12;
	v21 =	vor.u32 v49, v21  }
0x368: {  	v27 =	vadd.s32 v54, v20;
	v24 =	vor.u32 v13, v24;
	v25 =	vld.idx.msk [tilespmem:v25+s10+$0x0], $0xffff  }
0x369: {  	v27 =	vor.u32 v0, v27;
	v24 =	vor.u32 v16, v24;
	[tilespmem:s19+$0x50] =	vst v22  }
0x36a: {  	v27 =	vor.u32 v49, v27;
	v28 =	vadd.s32 v29, v14;
	[tilespmem:s1+$0x810] =	vst v23  }
0x36b: {  	v28 =	vor.u32 v15, v28;
	[tilespmem:s18+$0x50] =	vst v26  }
0x36c: {  	v22 =	vor.u32 v16, v28;
	v23 =	vshll.u32 v19, $0x3;
	v21 =	vld.idx.msk [tilespmem:v21+s10+$0x0], $0xffff;
	[tilespmem:$0x1FB60] =	vst v38  }
0x36d: {  	v49 =	vand.u32 $0xFFFFFC00, v23;
	v23 =	vadd.s32 v38, v1;
	[tilespmem:s2+$0x810] =	vst v25  }
0x36e: {  	v26 =	vmov v38;
	v38 =	vand.u32 $0x7F, v19;
	v19 =	vor.u32 v2, v23;
	v23 =	vld.idx.msk [tilespmem:v24+s10+$0x0], $0xffff;
	[tilespmem:$0x1FB80] =	vst v3  }
0x36f: {  	v25 =	vld.idx.msk [tilespmem:v27+s10+$0x0], $0xffff  }
0x370: {  	v24 =	vadd.s32 v49, v12;
	v19 =	vor.u32 v3, v19  }
0x371: {  	v26 =	vadd.s32 v26, v20;
	v24 =	vor.u32 v13, v24;
	v22 =	vld.idx.msk [tilespmem:v22+s10+$0x0], $0xffff  }
0x372: {  	v26 =	vor.u32 v0, v26;
	v24 =	vor.u32 v38, v24;
	[tilespmem:s19+$0x60] =	vst v21  }
0x373: {  	v26 =	vor.u32 v3, v26;
	v27 =	vadd.s32 v49, v14;
	[tilespmem:s1+$0x820] =	vst v23  }
0x374: {  	v27 =	vor.u32 v15, v27;
	[tilespmem:s18+$0x60] =	vst v25  }
0x375: {  	v21 =	vor.u32 v38, v27;
	v19 =	vld.idx.msk [tilespmem:v19+s10+$0x0], $0xffff;
	[tilespmem:$0x1FB90] =	vst v62  }
0x376: {  	v23 =	vshll.u32 v18, $0x3;
	[tilespmem:s2+$0x820] =	vst v22  }
0x377: {  	v29 =	vand.u32 $0xFFFFFC00, v23;
	v23 =	vadd.s32 v62, v1;
	v22 =	vld.idx.msk [tilespmem:v24+s10+$0x0], $0xffff;
	[tilespmem:$0x1FBB0] =	vst v60  }
0x378: {  	v33 =	vand.u32 $0x7F, v18;
	v18 =	vor.u32 v2, v23;
	v24 =	vld.idx.msk [tilespmem:v26+s10+$0x0], $0xffff  }
0x379: {  	v23 =	vadd.s32 v29, v12;
	v18 =	vor.u32 v60, v18  }
0x37a: {  	v25 =	vadd.s32 v62, v20;
	v23 =	vor.u32 v13, v23;
	v21 =	vld.idx.msk [tilespmem:v21+s10+$0x0], $0xffff  }
0x37b: {  	v25 =	vor.u32 v0, v25;
	v23 =	vor.u32 v33, v23;
	[tilespmem:s19+$0x70] =	vst v19  }
0x37c: {  	v25 =	vor.u32 v60, v25;
	v26 =	vadd.s32 v29, v14;
	[tilespmem:s1+$0x830] =	vst v22  }
0x37d: {  	v26 =	vor.u32 v15, v26;
	v22 =	vshll.u32 v6, $0x3;
	[tilespmem:s18+$0x70] =	vst v24  }
0x37e: {  	v19 =	vor.u32 v33, v26;
	v18 =	vld.idx.msk [tilespmem:v18+s10+$0x0], $0xffff;
	v32 =	vand.u32 $0xFFFFFC00, v22;
	v22 =	vadd.s32 v4, v1;
	[tilespmem:$0x1FBD0] =	vst v4  }
0x37f: {  	v31 =	vand.u32 $0x7F, v6;
	v6 =	vor.u32 v2, v22;
	[tilespmem:s2+$0x830] =	vst v21  }
0x380: {  	v6 =	vor.u32 v5, v6;
	v21 =	vld.idx.msk [tilespmem:v23+s10+$0x0], $0xffff;
	[tilespmem:$0x1FBF0] =	vst v5  }
0x381: {  	v23 =	vld.idx.msk [tilespmem:v25+s10+$0x0], $0xffff  }
0x382: {  	v22 =	vadd.s32 v32, v12  }
0x383: {  	v24 =	vadd.s32 v4, v20;
	v22 =	vor.u32 v13, v22;
	v19 =	vld.idx.msk [tilespmem:v19+s10+$0x0], $0xffff  }
0x384: {  	v24 =	vor.u32 v0, v24;
	v22 =	vor.u32 v31, v22;
	[tilespmem:s19+$0x400] =	vst v18  }
0x385: {  	v24 =	vor.u32 v5, v24;
	v25 =	vadd.s32 v32, v14;
	v6 =	vld.idx.msk [tilespmem:v6+s10+$0x0], $0xffff;
	[tilespmem:s1+$0x840] =	vst v21  }
0x386: {  	v25 =	vor.u32 v15, v25;
	[tilespmem:s18+$0x400] =	vst v23  }
0x387: {  	v18 =	vor.u32 v31, v25;
	[tilespmem:$0x1FC10] =	vst v48  }
0x388: {  	[tilespmem:s2+$0x840] =	vst v19  }
0x389: {  	v21 =	vshll.u32 v11, $0x3;
	v19 =	vld.idx.msk [tilespmem:v22+s10+$0x0], $0xffff;
	[tilespmem:$0x1FC30] =	vst v37  }
0x38a: {  	v3 =	vmov v48;
	v34 =	vand.u32 $0xFFFFFC00, v21;
	v21 =	vadd.s32 v48, v1;
	v22 =	vld.idx.msk [tilespmem:v24+s10+$0x0], $0xffff;
	[tilespmem:s19+$0x410] =	vst v6  }
0x38b: {  	v5 =	vor.u32 v2, v21;
	v21 =	vadd.s32 v34, v12;
	v23 =	vadd.s32 v3, v20;
	v3 =	vld [tilespmem:$0x1F950]  }
0x38c: {  	v48 =	vand.u32 $0x7F, v11;
	v5 =	vor.u32 v37, v5;
	v21 =	vor.u32 v13, v21;
	v18 =	vld.idx.msk [tilespmem:v18+s10+$0x0], $0xffff  }
0x38d: {  	v23 =	vor.u32 v0, v23;
	v21 =	vor.u32 v48, v21;
	v24 =	vadd.s32 v34, v14  }
0x38e: {  	v23 =	vor.u32 v37, v23;
	v24 =	vor.u32 v15, v24;
	[tilespmem:s1+$0x850] =	vst v19  }
0x38f: {  	v4 =	vadd.s32 v53, v1;
	v6 =	vor.u32 v48, v24;
	[tilespmem:$0x1FC70] =	vst v53  }
0x390: {  	v4 =	vor.u32 v2, v4;
	[tilespmem:s18+$0x410] =	vst v22;
	v24 =	vshll.u32 v3, $0x3  }
0x391: {  	v11 =	vmovc v53;
	v5 =	vld.idx.msk [tilespmem:v5+s10+$0x0], $0xffff;
	[tilespmem:s2+$0x850] =	vst v18;
	v25 =	vand.u32 $0x7F, v3;
	v3 =	vshll.u32 v10, $0x3;
	v37 =	vand.u32 $0xFFFFFC00, v24  }
0x392: {  	v18 =	vor.u32 v58, v4;
	v53 =	vand.u32 $0xFFFFFC00, v3;
	v3 =	vld.idx.msk [tilespmem:v21+s10+$0x0], $0xffff;
	[tilespmem:$0x1FCA0] =	vst v58;
	v4 =	vadd.s32 v37, v12  }
0x393: {  	v19 =	vld.idx.msk [tilespmem:v23+s10+$0x0], $0xffff;
	v21 =	vadd.s32 v37, v14;
	v4 =	vor.u32 v13, v4  }
0x394: {  	v22 =	vadd.s32 v11, v20;
	v6 =	vld.idx.msk [tilespmem:v6+s10+$0x0], $0xffff;
	v21 =	vor.u32 v15, v21;
	v23 =	vor.u32 v25, v4  }
0x395: {  	v4 =	vor.u32 v0, v22;
	v21 =	vor.u32 v25, v21  }
0x396: {  	[tilespmem:s19+$0x420] =	vst v5;
	v22 =	vor.u32 v58, v4  }
0x397: {  	s23 =	simm.s32 $0x5;
	[tilespmem:$0x1F960] =	vst v25  }
0x398: {  	s22 =	simm.s32 $0x4;
	v28 =	vand.u32 $0x7F, v10;
	v24 =	vmov s23;
	[tilespmem:s1+$0x860] =	vst v3;
	v18 =	vld.idx.msk [tilespmem:v18+s10+$0x0], $0xffff  }
0x399: {  	v4 =	vmov s22;
	v25 =	vshll.u32 v24, $0x9;
	v24 =	vshll.u32 v24, $0x7;
	[tilespmem:s2+$0x860] =	vst v6;
	v23 =	vld.idx.msk [tilespmem:v23+s10+$0x0], $0xffff  }
0x39a: {  	v5 =	vshll.u32 v4, $0x7;
	v26 =	vshll.u32 v4, $0x9;
	v4 =	vand.u32 $0x7000, v25;
	[tilespmem:s18+$0x420] =	vst v19;
	v21 =	vld.idx.msk [tilespmem:v21+s10+$0x0], $0xffff  }
0x39b: {  	v3 =	vand.u32 $0x300, v5;
	v5 =	vand.u32 $0x380, v24;
	v19 =	vadd.s32 v40, v4;
	v22 =	vld.idx.msk [tilespmem:v22+s10+$0x0], $0xffff;
	[tilespmem:$0x1F970] =	vst v40  }
0x39c: {  	v25 =	vadd.s32 v53, v12;
	v24 =	vadd.s32 v36, v1;
	v19 =	vor.u32 v5, v19;
	[tilespmem:$0x1F980] =	vst v36  }
0x39d: {  	v6 =	vand.u32 $0x7000, v26;
	v24 =	vor.u32 v2, v24;
	v19 =	vor.u32 v39, v19;
	[tilespmem:s19+$0x430] =	vst v18  }
0x39e: {  	v25 =	vor.u32 v13, v25;
	v26 =	vadd.s32 v40, v6;
	v24 =	vor.u32 v35, v24;
	[tilespmem:$0x1F990] =	vst v39  }
0x39f: {  	v27 =	vadd.s32 v36, v20;
	v25 =	vor.u32 v28, v25;
	v26 =	vor.u32 v3, v26;
	[tilespmem:s1+$0x870] =	vst v23  }
0x3a0: {  	v18 =	vor.u32 v39, v26;
	v26 =	vor.u32 v0, v27;
	[tilespmem:$0x1F9A0] =	vst v35  }
0x3a1: {  	v23 =	vor.u32 v35, v26;
	[tilespmem:s18+$0x430] =	vst v22  }
0x3a2: {  	v19 =	vld.idx.msk [tilespmem:v19+s10+$0x0], $0xffff;
	[tilespmem:s2+$0x870] =	vst v21  }
0x3a3: {  	s7 =	simm.s32 $0x800;
	v21 =	vld.idx.msk [tilespmem:v24+s10+$0x0], $0xffff;
	[tilespmem:$0x1F9B0] =	vst v28  }
0x3a4: {  	s24 =	sand.u32 $0x7000, s7;
	s11 =	simm.s32 $0x280;
	v24 =	vld.idx.msk [tilespmem:v25+s10+$0x0], $0xffff  }
0x3a5: {  	s25 =	sand.u32 $0x380, s11;
	s1 =	sor.u32 $0x200, s24;
	v18 =	vld.idx.msk [tilespmem:v18+s10+$0x0], $0xffff  }
0x3a6: {  	s26 =	sand.u32 $0x7, s5;
	s21 =	sadd.s32 s25, s1;
	v23 =	vld.idx.msk [tilespmem:v23+s10+$0x0], $0xffff;
	[tilespmem:$0x1F9C0] =	vst v42  }
0x3a7: {  	s4 =	sshll.u32 s26, $0x7;
	v11 =	vshll.u32 v9, $0x3;
	v22 =	vadd.s32 v53, v14;
	[tilespmem:s21+$0x0] =	vst v19  }
0x3a8: {  	s6 =	simm.s32 $0x200;
	v35 =	vand.u32 $0xFFFFFC00, v11;
	s2 =	sadd.s32 $0x80, s4;
	v11 =	vor.u32 v15, v22;
	v22 =	vadd.s32 v42, v4;
	[tilespmem:s19+$0x440] =	vst v21  }
0x3a9: {  	s3 =	sand.u32 $0x300, s6;
	s8 =	sor.u32 $0xC00, s2;
	v11 =	vor.u32 v28, v11;
	v22 =	vor.u32 v5, v22;
	[tilespmem:$0x1F9D0] =	vst v41  }
0x3aa: {  	s20 =	sadd.s32 s3, s1;
	v25 =	vadd.s32 v52, v1;
	v22 =	vor.u32 v41, v22;
	[tilespmem:s8+$0x200] =	vst v24  }
0x3ab: {  	v26 =	vadd.s32 v35, v12;
	v25 =	vor.u32 v2, v25;
	[tilespmem:s20+$0x0] =	vst v18  }
0x3ac: {  	v30 =	vand.u32 $0x7F, v9;
	v26 =	vor.u32 v13, v26;
	v25 =	vor.u32 v51, v25;
	v9 =	vld [tilespmem:$0x1F9E0]  }
0x3ad: {  	v27 =	vadd.s32 v42, v6;
	v19 =	vor.u32 v30, v26  }
0x3ae: {  	v26 =	vor.u32 v3, v27;
	v11 =	vld.idx.msk [tilespmem:v11+s10+$0x0], $0xffff  }
0x3af: {  	v21 =	vor.u32 v41, v26;
	v18 =	vld.idx.msk [tilespmem:v22+s10+$0x0], $0xffff;
	[tilespmem:$0x1F9F0] =	vst v52  }
0x3b0: {  	s12 =	sand.u32 $0x3, s5;
	[tilespmem:s18+$0x440] =	vst v23  }
0x3b1: {  	s1 =	sshll.u32 s12, $0x8;
	v24 =	vadd.s32 v52, v20;
	v23 =	vld.idx.msk [tilespmem:v25+s10+$0x0], $0xffff;
	[tilespmem:$0x1FA00] =	vst v51;
	v22 =	vshll.u32 v9, $0x3  }
0x3b2: {  	s1 =	sadd.s32 $0x0, s1;
	v19 =	vld.idx.msk [tilespmem:v19+s10+$0x0], $0xffff;
	v58 =	vand.u32 $0xFFFFFC00, v22;
	v22 =	vor.u32 v0, v24;
	v24 =	vadd.s32 v35, v14  }
0x3b3: {  	s13 =	sor.u32 $0xC00, s1;
	[tilespmem:$0x1FA10] =	vst v30;
	v24 =	vor.u32 v15, v24;
	v22 =	vor.u32 v51, v22  }
0x3b4: {  	v25 =	vadd.s32 v43, v4;
	v21 =	vld.idx.msk [tilespmem:v21+s10+$0x0], $0xffff;
	[tilespmem:s13+$0x200] =	vst v11;
	v24 =	vor.u32 v30, v24  }
0x3b5: {  	v26 =	vadd.s32 v8, v1;
	v25 =	vor.u32 v5, v25;
	[tilespmem:s21+$0x10] =	vst v18  }
0x3b6: {  	s14 =	sor.u32 $0xC10, s2;
	v11 =	vor.u32 v44, v25;
	v25 =	vor.u32 v2, v26;
	[tilespmem:s19+$0x450] =	vst v23;
	v26 =	vadd.s32 v58, v12  }
0x3b7: {  	v60 =	vand.u32 $0x7F, v9;
	v10 =	vor.u32 v61, v25;
	v18 =	vor.u32 v13, v26;
	[tilespmem:s14+$0x200] =	vst v19  }
0x3b8: {  	v18 =	vor.u32 v60, v18;
	v19 =	vld.idx.msk [tilespmem:v22+s10+$0x0], $0xffff;
	[tilespmem:$0x1FA20] =	vst v43;
	v22 =	vadd.s32 v43, v6  }
0x3b9: {  	[tilespmem:s20+$0x10] =	vst v21;
	v21 =	vor.u32 v3, v22;
	v22 =	vld.idx.msk [tilespmem:v24+s10+$0x0], $0xffff  }
0x3ba: {  	[tilespmem:$0x1FA30] =	vst v44;
	v41 =	vld [tilespmem:$0x1FA50]  }
0x3bb: {  	v23 =	vadd.s32 v8, v20;
	v21 =	vor.u32 v44, v21;
	v11 =	vld.idx.msk [tilespmem:v11+s10+$0x0], $0xffff;
	[tilespmem:$0x1FA40] =	vst v61  }
0x3bc: {  	v25 =	vadd.s32 v45, v4;
	v23 =	vor.u32 v0, v23;
	v24 =	vadd.s32 v58, v14;
	v10 =	vld.idx.msk [tilespmem:v10+s10+$0x0], $0xffff  }
0x3bd: {  	v23 =	vor.u32 v61, v23;
	v24 =	vor.u32 v15, v24;
	v18 =	vld.idx.msk [tilespmem:v18+s10+$0x0], $0xffff;
	[tilespmem:s18+$0x450] =	vst v19  }
0x3be: {  	v40 =	vmov v8;
	s15 =	sor.u32 $0xC10, s1;
	v25 =	vor.u32 v5, v25;
	v24 =	vor.u32 v60, v24;
	v8 =	vld [tilespmem:$0x1FA60]  }
0x3bf: {  	v19 =	vor.u32 v63, v25;
	[tilespmem:s15+$0x200] =	vst v22;
	v26 =	vadd.s32 v41, v1  }
0x3c0: {  	v25 =	vor.u32 v2, v26;
	[tilespmem:s21+$0x20] =	vst v11;
	v11 =	vld.idx.msk [tilespmem:v21+s10+$0x0], $0xffff  }
0x3c1: {  	s16 =	sor.u32 $0xC20, s2;
	v22 =	vor.u32 v7, v25;
	[tilespmem:s19+$0x460] =	vst v10  }
0x3c2: {  	v10 =	vld.idx.msk [tilespmem:v23+s10+$0x0], $0xffff;
	[tilespmem:s16+$0x200] =	vst v18  }
0x3c3: {  	v18 =	vld.idx.msk [tilespmem:v24+s10+$0x0], $0xffff;
	[tilespmem:$0x1FA70] =	vst v45;
	v26 =	vshll.u32 v8, $0x3  }
0x3c4: {  	v24 =	vadd.s32 v41, v20;
	v19 =	vld.idx.msk [tilespmem:v19+s10+$0x0], $0xffff;
	[tilespmem:$0x1FA80] =	vst v63;
	v62 =	vand.u32 $0xFFFFFC00, v26  }
0x3c5: {  	v24 =	vor.u32 v0, v24;
	v21 =	vadd.s32 v62, v12;
	v23 =	vadd.s32 v62, v14;
	[tilespmem:s20+$0x20] =	vst v11  }
0x3c6: {  	v61 =	vand.u32 $0x7F, v8;
	v9 =	vor.u32 v13, v21;
	v21 =	vadd.s32 v45, v6;
	v22 =	vld.idx.msk [tilespmem:v22+s10+$0x0], $0xffff;
	[tilespmem:$0x1FA90] =	vst v7  }
0x3c7: {  	v23 =	vor.u32 v15, v23;
	v9 =	vor.u32 v61, v9;
	v21 =	vor.u32 v3, v21;
	[tilespmem:s18+$0x460] =	vst v10  }
0x3c8: {  	v11 =	vor.u32 v61, v23;
	v23 =	vor.u32 v7, v24;
	v21 =	vor.u32 v63, v21;
	v7 =	vld [tilespmem:$0x1FAA0]  }
0x3c9: {  	s22 =	sor.u32 $0xC20, s1  }
0x3ca: {  	[tilespmem:s22+$0x200] =	vst v18  }
0x3cb: {  	v24 =	vadd.s32 v47, v4;
	[tilespmem:s21+$0x30] =	vst v19  }
0x3cc: {  	v25 =	vadd.s32 v57, v1;
	v10 =	vor.u32 v5, v24;
	[tilespmem:s19+$0x470] =	vst v22;
	v9 =	vld.idx.msk [tilespmem:v9+s10+$0x0], $0xffff  }
0x3cd: {  	v18 =	vor.u32 v2, v25;
	v10 =	vor.u32 v46, v10;
	v24 =	vshll.u32 v7, $0x3;
	v21 =	vld.idx.msk [tilespmem:v21+s10+$0x0], $0xffff;
	[tilespmem:$0x1FAB0] =	vst v47  }
0x3ce: {  	v18 =	vor.u32 v59, v18;
	v63 =	vand.u32 $0xFFFFFC00, v24;
	v23 =	vld.idx.msk [tilespmem:v23+s10+$0x0], $0xffff  }
0x3cf: {  	v19 =	vadd.s32 v63, v12  }
0x3d0: {  	s23 =	sor.u32 $0xC30, s2;
	v22 =	vadd.s32 v47, v6;
	v7 =	vand.u32 $0x7F, v7;
	[tilespmem:$0x1FAC0] =	vst v46;
	v19 =	vor.u32 v13, v19  }
0x3d1: {  	v22 =	vor.u32 v3, v22;
	v11 =	vld.idx.msk [tilespmem:v11+s10+$0x0], $0xffff;
	v19 =	vor.u32 v7, v19;
	[tilespmem:s23+$0x200] =	vst v9  }
0x3d2: {  	v22 =	vor.u32 v46, v22;
	v25 =	vadd.s32 v63, v14;
	v26 =	vld.idx.msk [tilespmem:v10+s10+$0x0], $0xffff;
	[tilespmem:s20+$0x30] =	vst v21  }
0x3d3: {  	v24 =	vadd.s32 v57, v20;
	v18 =	vld.idx.msk [tilespmem:v18+s10+$0x0], $0xffff;
	v25 =	vor.u32 v15, v25;
	[tilespmem:s18+$0x470] =	vst v23  }
0x3d4: {  	v24 =	vor.u32 v0, v24;
	v25 =	vor.u32 v7, v25;
	v8 =	vld [tilespmem:$0x1FAD0]  }
0x3d5: {  	v10 =	vadd.s32 v50, v4;
	v24 =	vor.u32 v59, v24  }
0x3d6: {  	s24 =	sor.u32 $0xC30, s1;
	v9 =	vor.u32 v5, v10;
	v19 =	vld.idx.msk [tilespmem:v19+s10+$0x0], $0xffff  }
0x3d7: {  	v21 =	vor.u32 v17, v9;
	[tilespmem:s24+$0x200] =	vst v11  }
0x3d8: {  	v11 =	vld.idx.msk [tilespmem:v22+s10+$0x0], $0xffff;
	[tilespmem:s21+$0x40] =	vst v26  }
0x3d9: {  	v23 =	vadd.s32 v56, v1;
	[tilespmem:s19+$0x800] =	vst v18;
	v18 =	vld.idx.msk [tilespmem:v25+s10+$0x0], $0xffff;
	v9 =	vshll.u32 v8, $0x3  }
0x3da: {  	s25 =	sor.u32 $0xC40, s2;
	v10 =	vand.u32 $0xFFFFFC00, v9;
	v9 =	vor.u32 v2, v23;
	v23 =	vld.idx.msk [tilespmem:v24+s10+$0x0], $0xffff;
	[tilespmem:$0x1FAE0] =	vst v50  }
0x3db: {  	[tilespmem:s25+$0x200] =	vst v19  }
0x3dc: {  	v21 =	vld.idx.msk [tilespmem:v21+s10+$0x0], $0xffff;
	[tilespmem:$0x1FAF0] =	vst v17  }
0x3dd: {  	[tilespmem:s20+$0x40] =	vst v11  }
0x3de: {  	v22 =	vor.u32 v55, v9;
	v24 =	vadd.s32 v10, v12;
	[tilespmem:$0x1FB00] =	vst v55  }
0x3df: {  	s26 =	sor.u32 $0xC40, s1;
	v9 =	vand.u32 $0x7F, v8;
	v8 =	vor.u32 v13, v24;
	v24 =	vadd.s32 v50, v6;
	v42 =	vld [tilespmem:$0x1FB10];
	[tilespmem:s18+$0x800] =	vst v23  }
0x3e0: {  	v25 =	vor.u32 v9, v8;
	v8 =	vor.u32 v3, v24;
	v24 =	vadd.s32 v56, v20;
	v30 =	vld [tilespmem:$0x1FB20];
	[tilespmem:s26+$0x200] =	vst v18  }
0x3e1: {  	v19 =	vor.u32 v0, v24;
	v24 =	vor.u32 v17, v8;
	v17 =	vld [tilespmem:$0x1FB30]  }
0x3e2: {  	v28 =	vld [tilespmem:$0x1FB40]  }
0x3e3: {  	v8 =	vadd.s32 v54, v4  }
0x3e4: {  	v19 =	vor.u32 v55, v19;
	v8 =	vor.u32 v5, v8;
	v22 =	vld.idx.msk [tilespmem:v22+s10+$0x0], $0xffff  }
0x3e5: {  	v11 =	vadd.s32 v42, v1;
	v23 =	vor.u32 v30, v8  }
0x3e6: {  	[tilespmem:s21+$0x50] =	vst v21;
	v21 =	vld.idx.msk [tilespmem:v25+s10+$0x0], $0xffff;
	v8 =	vor.u32 v2, v11  }
0x3e7: {  	v24 =	vld.idx.msk [tilespmem:v24+s10+$0x0], $0xffff;
	v18 =	vor.u32 v16, v8;
	v8 =	vshll.u32 v17, $0x3;
	v26 =	vshll.u32 v28, $0x3  }
0x3e8: {  	v11 =	vand.u32 $0xFFFFFC00, v8;
	v8 =	vand.u32 $0xFFFFFC00, v26  }
0x3e9: {  	v19 =	vld.idx.msk [tilespmem:v19+s10+$0x0], $0xffff;
	[tilespmem:s19+$0x810] =	vst v22;
	v25 =	vadd.s32 v11, v12;
	v12 =	vadd.s32 v8, v12  }
0x3ea: {  	s4 =	sor.u32 $0xC50, s2;
	v27 =	vor.u32 v13, v12;
	v12 =	vand.u32 $0x7F, v17;
	v17 =	vld.idx.msk [tilespmem:v23+s10+$0x0], $0xffff;
	[tilespmem:$0x1FB50] =	vst v54  }
0x3eb: {  	v26 =	vadd.s32 v10, v14;
	[tilespmem:s4+$0x200] =	vst v21  }
0x3ec: {  	v25 =	vor.u32 v13, v25;
	v13 =	vor.u32 v15, v26;
	v26 =	vld [tilespmem:$0x1FB60];
	[tilespmem:s20+$0x50] =	vst v24  }
0x3ed: {  	v22 =	vadd.s32 v54, v6;
	v18 =	vld.idx.msk [tilespmem:v18+s10+$0x0], $0xffff;
	[tilespmem:$0x1FB70] =	vst v16  }
0x3ee: {  	v22 =	vor.u32 v3, v22;
	[tilespmem:s18+$0x810] =	vst v19  }
0x3ef: {  	v22 =	vor.u32 v30, v22;
	v23 =	vor.u32 v12, v25;
	v25 =	vadd.s32 v42, v20;
	v30 =	vld [tilespmem:$0x1FB80]  }
0x3f0: {  	v13 =	vor.u32 v9, v13;
	v21 =	vor.u32 v0, v25  }
0x3f1: {  	v21 =	vor.u32 v16, v21  }
0x3f2: {  	v25 =	vadd.s32 v26, v4  }
0x3f3: {  	v24 =	vor.u32 v5, v25;
	v25 =	vadd.s32 v49, v1  }
0x3f4: {  	v22 =	vld.idx.msk [tilespmem:v22+s10+$0x0], $0xffff;
	v19 =	vor.u32 v30, v24;
	v24 =	vor.u32 v2, v25;
	v25 =	vadd.s32 v11, v14  }
0x3f5: {  	[tilespmem:s21+$0x60] =	vst v17;
	v17 =	vor.u32 v15, v25;
	v25 =	vld.idx.msk [tilespmem:v13+s10+$0x0], $0xffff  }
0x3f6: {  	[tilespmem:s19+$0x820] =	vst v18;
	v21 =	vld.idx.msk [tilespmem:v21+s10+$0x0], $0xffff  }
0x3f7: {  	v45 =	vld [tilespmem:$0x1FB90]  }
0x3f8: {  	v16 =	vor.u32 v12, v17;
	v17 =	vld.idx.msk [tilespmem:v23+s10+$0x0], $0xffff  }
0x3f9: {  	s6 =	sor.u32 $0xC50, s1;
	v18 =	vadd.s32 v26, v6;
	v24 =	vor.u32 v38, v24;
	v19 =	vld.idx.msk [tilespmem:v19+s10+$0x0], $0xffff;
	[tilespmem:$0x1FBA0] =	vst v38  }
0x3fa: {  	v18 =	vor.u32 v3, v18;
	v13 =	vand.u32 $0x7F, v28;
	[tilespmem:s6+$0x200] =	vst v25  }
0x3fb: {  	v18 =	vor.u32 v30, v18;
	v23 =	vor.u32 v13, v27;
	v30 =	vld [tilespmem:$0x1FBB0]  }
0x3fc: {  	v26 =	vadd.s32 v49, v20  }
0x3fd: {  	v26 =	vor.u32 v0, v26  }
0x3fe: {  	s8 =	sor.u32 $0xC60, s2;
	v26 =	vor.u32 v38, v26;
	v27 =	vadd.s32 v45, v4;
	v24 =	vld.idx.msk [tilespmem:v24+s10+$0x0], $0xffff  }
0x3ff: {  	v28 =	vadd.s32 v29, v1;
	v27 =	vor.u32 v5, v27;
	[tilespmem:s8+$0x200] =	vst v17;
	v16 =	vld.idx.msk [tilespmem:v16+s10+$0x0], $0xffff  }
0x400: {  	[tilespmem:s20+$0x60] =	vst v22;
	v22 =	vld.idx.msk [tilespmem:v23+s10+$0x0], $0xffff;
	v25 =	vor.u32 v30, v27;
	v27 =	vor.u32 v2, v28  }
0x401: {  	[tilespmem:s18+$0x820] =	vst v21;
	v17 =	vor.u32 v33, v27  }
0x402: {  	v18 =	vld.idx.msk [tilespmem:v18+s10+$0x0], $0xffff;
	[tilespmem:s21+$0x70] =	vst v19  }
0x403: {  	s12 =	sor.u32 $0xC60, s1;
	v19 =	vld.idx.msk [tilespmem:v26+s10+$0x0], $0xffff;
	[tilespmem:s19+$0x830] =	vst v24  }
0x404: {  	s2 =	sor.u32 $0xC70, s2;
	[tilespmem:s12+$0x200] =	vst v16  }
0x405: {  	v14 =	vadd.s32 v8, v14;
	[tilespmem:s2+$0x200] =	vst v22;
	v21 =	vld.idx.msk [tilespmem:v25+s10+$0x0], $0xffff  }
0x406: {  	v14 =	vor.u32 v15, v14;
	v15 =	vld.idx.msk [tilespmem:v17+s10+$0x0], $0xffff;
	[tilespmem:$0x1FBC0] =	vst v29  }
0x407: {  	[tilespmem:s20+$0x70] =	vst v18  }
0x408: {  	v22 =	vld [tilespmem:$0x1FBD0];
	[tilespmem:s18+$0x830] =	vst v19  }
0x409: {  	[tilespmem:$0x1FBE0] =	vst v33  }
0x40a: {  	[tilespmem:s21+$0x400] =	vst v21  }
0x40b: {  	v16 =	vadd.s32 v45, v6;
	v23 =	vld [tilespmem:$0x1FBF0]  }
0x40c: {  	v14 =	vor.u32 v13, v14;
	v16 =	vor.u32 v3, v16;
	v17 =	vadd.s32 v29, v20  }
0x40d: {  	v16 =	vor.u32 v30, v16;
	v17 =	vor.u32 v0, v17;
	v19 =	vadd.s32 v32, v1  }
0x40e: {  	v17 =	vor.u32 v33, v17;
	v19 =	vor.u32 v2, v19;
	v18 =	vadd.s32 v22, v4  }
0x40f: {  	[tilespmem:s19+$0x840] =	vst v15;
	v15 =	vor.u32 v31, v19;
	v18 =	vor.u32 v5, v18  }
0x410: {  	[tilespmem:$0x1FC00] =	vst v32;
	v46 =	vld [tilespmem:$0x1FC10];
	v18 =	vor.u32 v23, v18  }
0x411: {  	v21 =	vadd.s32 v22, v6;
	v22 =	vld.idx.msk [tilespmem:v14+s10+$0x0], $0xffff  }
0x412: {  	v25 =	vld.idx.msk [tilespmem:v16+s10+$0x0], $0xffff;
	[tilespmem:$0x1FC20] =	vst v31  }
0x413: {  	v28 =	vld.idx.msk [tilespmem:v17+s10+$0x0], $0xffff  }
0x414: {  	v15 =	vld.idx.msk [tilespmem:v15+s10+$0x0], $0xffff  }
0x415: {  	s1 =	sor.u32 $0xC70, s1;
	v50 =	vld.idx.msk [tilespmem:v18+s10+$0x0], $0xffff;
	[tilespmem:$0x1FC40] =	vst v35  }
0x416: {  	v27 =	vadd.s32 v53, v20;
	v29 =	vadd.s32 v37, v20;
	v47 =	vld [tilespmem:$0x1FC30];
	[tilespmem:s1+$0x200] =	vst v22  }
0x417: {  	s0 =	sand.u32 $0x3, s0;
	v16 =	vadd.s32 v34, v1;
	v19 =	vor.u32 v3, v21;
	v21 =	vadd.s32 v32, v20;
	[tilespmem:$0x1FC50] =	vst v53  }
0x418: {  	s0 =	sshll.u32 s0, $0x8;
	v17 =	vadd.s32 v10, v20;
	v14 =	vor.u32 v0, v21;
	v21 =	vadd.s32 v58, v20;
	[tilespmem:$0x1FC60] =	vst v34  }
0x419: {  	s0 =	sadd.s32 $0x400, s0;
	v24 =	vor.u32 v23, v19;
	v26 =	vor.u32 v31, v14;
	v19 =	vadd.s32 v46, v4;
	[tilespmem:s20+$0x400] =	vst v25  }
0x41a: {  	s15 =	sor.u32 $0xC20, s0;
	v31 =	vor.u32 v2, v16;
	v16 =	vadd.s32 v11, v20;
	v14 =	vor.u32 v5, v19;
	[tilespmem:s18+$0x840] =	vst v28  }
0x41b: {  	s16 =	sor.u32 $0xC30, s0;
	s2 =	simm.s32 $0x2;
	v23 =	vadd.s32 v35, v20;
	v19 =	vadd.s32 v62, v20;
	v30 =	vor.u32 v47, v14;
	[dreg:$0x10] =	wrdreg s15  }
0x41c: {  	s13 =	simm.s32 $0x6;
	s14 =	sand.u32 $0x3, s2;
	v14 =	vadd.s32 v8, v20;
	v18 =	vadd.s32 v63, v20;
	v22 =	vadd.s32 v34, v20;
	[dreg:$0xb] =	wrdreg s16  }
0x41d: {  	s22 =	sor.u32 $0xC40, s0;
	s3 =	sshll.u32 s14, $0x8;
	v20 =	vmov s13;
	v25 =	vor.u32 v48, v31;
	v31 =	vadd.s32 v46, v6;
	[tilespmem:s21+$0x410] =	vst v50  }
0x41e: {  	s3 =	sadd.s32 $0x800, s3;
	v39 =	vshll.u32 v20, $0x9;
	v28 =	vshll.u32 v20, $0x7;
	v20 =	vor.u32 v3, v31;
	[dreg:$0x6] =	wrdreg s22  }
0x41f: {  	s23 =	sor.u32 $0xC00, s3;
	v35 =	vor.u32 v47, v20;
	v20 =	vor.u32 v0, v22;
	v22 =	vld [tilespmem:$0x1FC70];
	[tilespmem:s19+$0x850] =	vst v15  }
0x420: {  	s24 =	sor.u32 $0xC10, s3;
	[dreg:$0xf] =	wrdreg s23  }
0x421: {  	s25 =	sor.u32 $0xC20, s3;
	v36 =	vld.idx.msk [tilespmem:v24+s10+$0x0], $0xffff;
	[dreg:$0xc] =	wrdreg s24  }
0x422: {  	s26 =	sor.u32 $0xC30, s3;
	v32 =	vor.u32 v48, v20;
	v20 =	vld [tilespmem:$0x1FCA0];
	[dreg:$0x9] =	wrdreg s25  }
0x423: {  	v55 =	vmovc v40;
	v51 =	vmov v47;
	v53 =	vmov v46;
	[tilespmem:$0x1FC80] =	vst v37;
	v24 =	vadd.s32 v37, v1;
	[dreg:$0x7] =	wrdreg s26  }
0x424: {  	s28 =	sor.u32 $0xC50, s0;
	s31 =	sor.u32 $0xC60, s0;
	v15 =	vand.u32 $0x300, v28;
	v28 =	vadd.s32 v41, v6;
	v31 =	vld.idx.msk [tilespmem:v26+s10+$0x0], $0xffff;
	[tilespmem:$0x1FC90] =	vst v48;
	v34 =	vor.u32 v2, v24  }
0x425: {  	s30 =	sor.u32 $0xC70, s0;
	s6 =	sor.u32 $0xC10, s0;
	s8 =	sor.u32 $0xC00, s0;
	v24 =	vadd.s32 v56, v6;
	v50 =	vmov v22;
	v22 =	vadd.s32 v22, v4;
	v38 =	vld.idx.msk [tilespmem:v30+s10+$0x0], $0xffff;
	[tilespmem:$0x1FCB0] =	vst v49  }
0x426: {  	s12 =	simm.s32 $0x8;
	s29 =	sor.u32 $0xC40, s3;
	s26 =	sor.u32 $0xC50, s3;
	v30 =	vadd.s32 v40, v6;
	v22 =	vor.u32 v5, v22;
	v33 =	vld.idx.msk [tilespmem:v25+s10+$0x0], $0xffff;
	v25 =	vadd.s32 v57, v6  }
0x427: {  	s25 =	sor.u32 $0xC60, s3;
	s24 =	sor.u32 $0xC70, s3;
	s3 =	simm.s32 $0x7;
	v48 =	vmovc v20;
	v37 =	vor.u32 v20, v22;
	v20 =	vadd.s32 v49, v6;
	v22 =	vadd.s32 v42, v6  }
.LBB2_4:
0x428: {  	v41 =	vld [tilespmem:$0x1F960]  }
0x429: {  	v42 =	vld [tilespmem:$0x1F970]  }
0x42a: {  	v43 =	vld [tilespmem:$0x1F980]  }
0x42b: {  	v44 =	vld [tilespmem:$0x1F990]  }
0x42c: {  	v26 =	vmov s3;
	v47 =	vadd.s32 v50, v6;
	v29 =	vor.u32 v0, v29;
	v46 =	vld [tilespmem:$0x1FC50];
	[tilespmem:s20+$0x410] =	vst v36  }
0x42d: {  	v45 =	vld [tilespmem:$0x1F9A0];
	v40 =	vshll.u32 v26, $0x9;
	v26 =	vshll.u32 v26, $0x7;
	v36 =	vor.u32 v3, v47;
	[tilespmem:s21+$0x420] =	vst v38  }
0x42e: {  	v35 =	vld.idx.msk [tilespmem:v35+s10+$0x0], $0xffff;
	[tilespmem:s18+$0x850] =	vst v31;
	v31 =	vand.u32 $0x7000, v40;
	v34 =	vor.u32 v41, v34;
	v40 =	vor.u32 v41, v29  }
0x42f: {  	v37 =	vld.idx.msk [tilespmem:v37+s10+$0x0], $0xffff;
	v49 =	vadd.s32 v42, v31;
	v29 =	vand.u32 $0x380, v26;
	v54 =	vadd.s32 v43, v4  }
0x430: {  	v36 =	vor.u32 v48, v36;
	v52 =	vor.u32 v29, v49;
	v38 =	vor.u32 v5, v54;
	v54 =	vld [tilespmem:$0x1F9B0]  }
0x431: {  	[tilespmem:s19+$0x860] =	vst v33;
	v33 =	vor.u32 v44, v52;
	v52 =	vld [tilespmem:$0x1F9F0]  }
0x432: {  	v32 =	vld.idx.msk [tilespmem:v32+s10+$0x0], $0xffff;
	v49 =	vadd.s32 v46, v1  }
0x433: {  	v26 =	vand.u32 $0x7000, v39;
	v39 =	vor.u32 v2, v49;
	v49 =	vadd.s32 v43, v6;
	v43 =	vld [tilespmem:$0x1F9C0]  }
0x434: {  	v42 =	vadd.s32 v42, v26;
	[tilespmem:s20+$0x420] =	vst v35;
	v34 =	vld.idx.msk [tilespmem:v34+s10+$0x0], $0xffff  }
0x435: {  	v27 =	vor.u32 v0, v27;
	v42 =	vor.u32 v15, v42;
	v36 =	vld.idx.msk [tilespmem:v36+s10+$0x0], $0xffff;
	v39 =	vor.u32 v54, v39  }
0x436: {  	v27 =	vor.u32 v54, v27;
	v41 =	vadd.s32 v52, v6;
	v54 =	vadd.s32 v52, v4;
	v52 =	vld [tilespmem:$0x1FA00]  }
0x437: {  	[tilespmem:s18+$0x860] =	vst v32;
	v32 =	vor.u32 v44, v42;
	v44 =	vld [tilespmem:$0x1F9D0]  }
0x438: {  	v38 =	vor.u32 v45, v38;
	v35 =	vor.u32 v3, v49;
	v40 =	vld.idx.msk [tilespmem:v40+s10+$0x0], $0xffff  }
0x439: {  	v35 =	vor.u32 v45, v35;
	v45 =	vor.u32 v5, v54;
	v54 =	vld [tilespmem:$0x1FC40]  }
0x43a: {  	v33 =	vld.idx.msk [tilespmem:v33+s10+$0x0], $0xffff  }
0x43b: {  	[tilespmem:s21+$0x430] =	vst v37;
	v37 =	vor.u32 v52, v45;
	v45 =	vld [tilespmem:$0x1FA10];
	_ =	sdelay $0x1  }
0x43c: {  	v47 =	vadd.s32 v43, v31;
	v43 =	vadd.s32 v43, v26;
	v38 =	vld.idx.msk [tilespmem:v38+s10+$0x0], $0xffff;
	[tilespmem:s19+$0x870] =	vst v34  }
0x43d: {  	s7 =	sadd.s32 $0x400, s7;
	v49 =	vor.u32 v29, v47;
	v32 =	vld.idx.msk [tilespmem:v32+s10+$0x0], $0xffff;
	[tilespmem:s20+$0x430] =	vst v36;
	v47 =	vadd.s32 v54, v1  }
0x43e: {  	s11 =	sadd.s32 $0x100, s11;
	s5 =	sadd.s32 $0x2, s5;
	s17 =	sadd.s32 $0x400, s17;
	v34 =	vor.u32 v44, v49;
	v49 =	vor.u32 v15, v43;
	v35 =	vld.idx.msk [tilespmem:v35+s10+$0x0], $0xffff;
	v42 =	vor.u32 v2, v47  }
0x43f: {  	s14 =	sand.u32 $0x7000, s7;
	s13 =	sand.u32 $0x380, s11;
	s22 =	sand.u32 $0x7, s5;
	[tilespmem:s18+$0x870] =	vst v40;
	v40 =	vor.u32 v44, v49;
	v36 =	vor.u32 v45, v42;
	v42 =	vld [tilespmem:$0x1FA20]  }
0x440: {  	s15 =	sor.u32 $0x200, s14;
	s16 =	sshll.u32 s22, $0x7;
	s22 =	sadd.s32 $0xFFFFFF80, s11;
	v43 =	vld [tilespmem:$0x1FA30]  }
0x441: {  	s19 =	smov.u32 s21;
	s21 =	sadd.s32 s13, s15;
	v39 =	vld.idx.msk [tilespmem:v39+s10+$0x0], $0xffff;
	s18 =	sand.u32 $0x300, s22  }
0x442: {  	s14 =	sadd.s32 s16, s17;
	s16 =	smov.u32 s29;
	v41 =	vor.u32 v3, v41;
	[tilespmem:s21+$0x0] =	vst v33;
	v27 =	vld.idx.msk [tilespmem:v27+s10+$0x0], $0xffff;
	s29 =	sadd.s32 s18, s15  }
0x443: {  	v41 =	vor.u32 v52, v41;
	v33 =	vld.idx.msk [tilespmem:v34+s10+$0x0], $0xffff;
	[tilespmem:s29+$0x0] =	vst v32  }
0x444: {  	v23 =	vor.u32 v0, v23;
	v40 =	vld.idx.msk [tilespmem:v40+s10+$0x0], $0xffff;
	v52 =	vadd.s32 v42, v26  }
0x445: {  	s18 =	smov.u32 s20;
	[tilespmem:s19+$0x440] =	vst v38;
	v23 =	vor.u32 v45, v23;
	v45 =	vadd.s32 v42, v31;
	v32 =	vor.u32 v15, v52;
	v52 =	vld [tilespmem:$0x1FA70]  }
0x446: {  	s23 =	sor.u32 $0xC00, s14;
	v49 =	vadd.s32 v58, v1;
	[tilespmem:s18+$0x440] =	vst v35;
	v34 =	vor.u32 v29, v45;
	v45 =	vld [tilespmem:$0x1FA40]  }
0x447: {  	v37 =	vld.idx.msk [tilespmem:v37+s10+$0x0], $0xffff;
	[tilespmem:s23+$0x200] =	vst v39;
	v39 =	vor.u32 v2, v49  }
0x448: {  	v49 =	vor.u32 v60, v39;
	v39 =	vld.idx.msk [tilespmem:v41+s10+$0x0], $0xffff;
	v34 =	vor.u32 v43, v34  }
0x449: {  	v47 =	vadd.s32 v55, v4;
	[tilespmem:s8+$0x200] =	vst v27;
	v36 =	vld.idx.msk [tilespmem:v36+s10+$0x0], $0xffff;
	v27 =	vor.u32 v43, v32  }
0x44a: {  	v38 =	vor.u32 v5, v47;
	v23 =	vld.idx.msk [tilespmem:v23+s10+$0x0], $0xffff;
	v43 =	vadd.s32 v52, v31  }
0x44b: {  	v30 =	vor.u32 v3, v30;
	[tilespmem:s21+$0x10] =	vst v33;
	v38 =	vor.u32 v45, v38;
	v33 =	vor.u32 v29, v43;
	v43 =	vld [tilespmem:$0x1FA50]  }
0x44c: {  	s20 =	smov.u32 s29;
	v30 =	vor.u32 v45, v30;
	v45 =	vld [tilespmem:$0x1FA80]  }
0x44d: {  	s2 =	sadd.s32 $0x1, s2;
	[tilespmem:s20+$0x10] =	vst v40;
	v32 =	vld.idx.msk [tilespmem:v34+s10+$0x0], $0xffff  }
0x44e: {  	s4 =	sand.u32 $0x3, s2;
	[tilespmem:s19+$0x450] =	vst v37;
	v27 =	vld.idx.msk [tilespmem:v27+s10+$0x0], $0xffff  }
0x44f: {  	s3 =	sshll.u32 s4, $0x8;
	[tilespmem:s18+$0x450] =	vst v39;
	v39 =	vld [tilespmem:$0x1FB60]  }
0x450: {  	v21 =	vor.u32 v0, v21;
	s3 =	sadd.s32 s3, s7;
	v34 =	vld.idx.msk [tilespmem:v38+s10+$0x0], $0xffff;
	v44 =	vadd.s32 v43, v4  }
0x451: {  	v21 =	vor.u32 v60, v21;
	s4 =	smov.u32 s28;
	s28 =	sor.u32 $0xC00, s3;
	s29 =	rddreg [dreg:$0xf];
	v47 =	vor.u32 v5, v44;
	v44 =	vld [tilespmem:$0x1FA90]  }
0x452: {  	s8 =	smov.u32 s29;
	s29 =	smov.u32 s28;
	s28 =	sor.u32 $0xC10, s14;
	v52 =	vadd.s32 v52, v26;
	v30 =	vld.idx.msk [tilespmem:v30+s10+$0x0], $0xffff  }
0x453: {  	[tilespmem:s28+$0x200] =	vst v36;
	v33 =	vor.u32 v45, v33;
	v38 =	vor.u32 v15, v52;
	v52 =	vld [tilespmem:$0x1FAC0]  }
0x454: {  	[tilespmem:s6+$0x200] =	vst v23;
	v23 =	vor.u32 v45, v38;
	v45 =	vld [tilespmem:$0x1FAB0]  }
0x455: {  	v35 =	vld.idx.msk [tilespmem:v49+s10+$0x0], $0xffff  }
0x456: {  	v28 =	vor.u32 v3, v28;
	v49 =	vadd.s32 v62, v1;
	v21 =	vld.idx.msk [tilespmem:v21+s10+$0x0], $0xffff;
	v36 =	vor.u32 v44, v47  }
0x457: {  	[tilespmem:s21+$0x20] =	vst v32;
	v38 =	vld [tilespmem:$0x1FB70];
	v37 =	vor.u32 v2, v49;
	v28 =	vor.u32 v44, v28  }
0x458: {  	[tilespmem:s20+$0x20] =	vst v27;
	v37 =	vor.u32 v61, v37;
	v32 =	vld.idx.msk [tilespmem:v33+s10+$0x0], $0xffff  }
0x459: {  	v23 =	vld.idx.msk [tilespmem:v23+s10+$0x0], $0xffff;
	v47 =	vadd.s32 v45, v31  }
0x45a: {  	s13 =	smov.u32 s26;
	s26 =	sor.u32 $0xC10, s3;
	s28 =	rddreg [dreg:$0xc];
	v49 =	vadd.s32 v57, v4;
	[tilespmem:s19+$0x460] =	vst v34;
	v44 =	vld [tilespmem:$0x1FAE0];
	v33 =	vor.u32 v29, v47  }
0x45b: {  	s6 =	smov.u32 s28;
	s28 =	smov.u32 s26;
	s26 =	sor.u32 $0xC20, s14;
	v40 =	vor.u32 v5, v49;
	[tilespmem:s18+$0x460] =	vst v30;
	v33 =	vor.u32 v52, v33;
	v34 =	vld.idx.msk [tilespmem:v36+s10+$0x0], $0xffff  }
0x45c: {  	[tilespmem:s26+$0x200] =	vst v35;
	v35 =	vor.u32 v59, v40;
	v28 =	vld.idx.msk [tilespmem:v28+s10+$0x0], $0xffff  }
0x45d: {  	v19 =	vor.u32 v0, v19;
	v27 =	vadd.s32 v45, v26;
	s26 =	rddreg [dreg:$0x10];
	v41 =	vld.idx.msk [tilespmem:v37+s10+$0x0], $0xffff  }
0x45e: {  	v19 =	vor.u32 v61, v19;
	v27 =	vor.u32 v15, v27;
	v36 =	vld [tilespmem:$0x1FB20];
	[tilespmem:s26+$0x200] =	vst v21  }
0x45f: {  	s1 =	smov.u32 s25;
	s25 =	sor.u32 $0xC20, s3;
	s26 =	rddreg [dreg:$0x9];
	v21 =	vor.u32 v52, v27;
	[tilespmem:s21+$0x30] =	vst v32;
	v52 =	vld [tilespmem:$0x1FAF0]  }
0x460: {  	v42 =	vadd.s32 v63, v1;
	[dreg:$0xc] =	wrdreg s28;
	s28 =	smov.u32 s26;
	s26 =	smov.u32 s25;
	v27 =	vld.idx.msk [tilespmem:v33+s10+$0x0], $0xffff;
	[tilespmem:s19+$0x470] =	vst v34  }
0x461: {  	v37 =	vor.u32 v2, v42;
	[dreg:$0x9] =	wrdreg s26;
	s26 =	sor.u32 $0xC30, s14;
	v47 =	vld.idx.msk [tilespmem:v35+s10+$0x0], $0xffff  }
0x462: {  	v25 =	vor.u32 v3, v25;
	v30 =	vor.u32 v7, v37;
	[tilespmem:s26+$0x200] =	vst v41;
	v41 =	vld [tilespmem:$0x1FB00]  }
0x463: {  	v18 =	vor.u32 v0, v18;
	v25 =	vor.u32 v59, v25;
	v45 =	vadd.s32 v44, v31;
	v19 =	vld.idx.msk [tilespmem:v19+s10+$0x0], $0xffff  }
0x464: {  	v18 =	vor.u32 v7, v18;
	v32 =	vor.u32 v29, v45;
	v42 =	vld [tilespmem:$0x1FB50]  }
0x465: {  	v49 =	vadd.s32 v56, v4;
	v45 =	vld [tilespmem:$0x1FB10];
	[tilespmem:s20+$0x30] =	vst v23;
	v32 =	vor.u32 v52, v32  }
0x466: {  	v40 =	vadd.s32 v10, v1;
	v23 =	vadd.s32 v44, v26;
	v34 =	vor.u32 v5, v49;
	v21 =	vld.idx.msk [tilespmem:v21+s10+$0x0], $0xffff  }
0x467: {  	v23 =	vor.u32 v15, v23;
	[tilespmem:s18+$0x470] =	vst v28;
	s26 =	rddreg [dreg:$0xb];
	v30 =	vld.idx.msk [tilespmem:v30+s10+$0x0], $0xffff;
	v34 =	vor.u32 v41, v34  }
0x468: {  	s25 =	rddreg [dreg:$0x7];
	v35 =	vor.u32 v2, v40;
	v25 =	vld.idx.msk [tilespmem:v25+s10+$0x0], $0xffff;
	[tilespmem:s26+$0x200] =	vst v19;
	v19 =	vor.u32 v52, v23  }
0x469: {  	s0 =	smov.u32 s24;
	v24 =	vor.u32 v3, v24;
	s24 =	sor.u32 $0xC30, s3;
	v28 =	vor.u32 v9, v35;
	s26 =	smov.u32 s25;
	[tilespmem:s21+$0x40] =	vst v27;
	v18 =	vld.idx.msk [tilespmem:v18+s10+$0x0], $0xffff  }
0x46a: {  	v27 =	vadd.s32 v42, v31;
	[dreg:$0xb] =	wrdreg s26;
	s26 =	smov.u32 s24;
	v23 =	vld.idx.msk [tilespmem:v32+s10+$0x0], $0xffff;
	v24 =	vor.u32 v41, v24;
	[tilespmem:s19+$0x800] =	vst v47  }
0x46b: {  	v52 =	vadd.s32 v45, v4;
	v27 =	vor.u32 v29, v27;
	[dreg:$0x7] =	wrdreg s26;
	s26 =	sor.u32 $0xC40, s14;
	[tilespmem:s20+$0x40] =	vst v21;
	v21 =	vadd.s32 v42, v26;
	v42 =	vld [tilespmem:$0x1FCB0]  }
0x46c: {  	v27 =	vor.u32 v36, v27;
	v49 =	vld.idx.msk [tilespmem:v34+s10+$0x0], $0xffff;
	[tilespmem:s26+$0x200] =	vst v30;
	v30 =	vor.u32 v5, v52  }
0x46d: {  	v19 =	vld.idx.msk [tilespmem:v19+s10+$0x0], $0xffff;
	v30 =	vor.u32 v38, v30  }
0x46e: {  	v17 =	vor.u32 v0, v17;
	s25 =	rddreg [dreg:$0x6];
	[tilespmem:s18+$0x800] =	vst v25;
	v28 =	vld.idx.msk [tilespmem:v28+s10+$0x0], $0xffff  }
0x46f: {  	v17 =	vor.u32 v9, v17;
	v24 =	vld.idx.msk [tilespmem:v24+s10+$0x0], $0xffff;
	[tilespmem:s25+$0x200] =	vst v18  }
0x470: {  	v44 =	vld [tilespmem:$0x1FB80];
	v21 =	vor.u32 v15, v21;
	[tilespmem:s21+$0x50] =	vst v23  }
0x471: {  	v22 =	vor.u32 v3, v22;
	v18 =	vor.u32 v36, v21;
	v21 =	vld.idx.msk [tilespmem:v27+s10+$0x0], $0xffff;
	[tilespmem:s19+$0x810] =	vst v49  }
0x472: {  	v22 =	vor.u32 v38, v22;
	v37 =	vadd.s32 v11, v1;
	s24 =	sor.u32 $0xC50, s14;
	v27 =	vld.idx.msk [tilespmem:v30+s10+$0x0], $0xffff;
	v30 =	vadd.s32 v42, v4  }
0x473: {  	v33 =	vor.u32 v2, v37;
	[tilespmem:s24+$0x200] =	vst v28;
	v28 =	vor.u32 v5, v30;
	v30 =	vld [tilespmem:$0x1FBA0]  }
0x474: {  	v16 =	vor.u32 v0, v16;
	v25 =	vor.u32 v12, v33;
	v17 =	vld.idx.msk [tilespmem:v17+s10+$0x0], $0xffff;
	v23 =	vadd.s32 v39, v31  }
0x475: {  	v16 =	vor.u32 v12, v16;
	[tilespmem:s20+$0x50] =	vst v19;
	v23 =	vor.u32 v29, v23  }
0x476: {  	v19 =	vadd.s32 v39, v26;
	v23 =	vor.u32 v44, v23;
	v18 =	vld.idx.msk [tilespmem:v18+s10+$0x0], $0xffff;
	[tilespmem:s18+$0x810] =	vst v24  }
0x477: {  	v24 =	vor.u32 v15, v19;
	v19 =	vld.idx.msk [tilespmem:v22+s10+$0x0], $0xffff  }
0x478: {  	v47 =	vadd.s32 v8, v1;
	v1 =	vmovc v4;
	v4 =	vmov v31;
	v31 =	vld [tilespmem:$0x1FB90];
	v28 =	vor.u32 v30, v28  }
0x479: {  	[tilespmem:s4+$0x200] =	vst v17;
	v25 =	vld.idx.msk [tilespmem:v25+s10+$0x0], $0xffff  }
0x47a: {  	[tilespmem:s21+$0x60] =	vst v21;
	v16 =	vld.idx.msk [tilespmem:v16+s10+$0x0], $0xffff  }
0x47b: {  	v20 =	vor.u32 v3, v20;
	v17 =	vor.u32 v44, v24;
	v22 =	vld.idx.msk [tilespmem:v23+s10+$0x0], $0xffff  }
0x47c: {  	v2 =	vor.u32 v2, v47;
	[tilespmem:s19+$0x820] =	vst v27;
	v20 =	vor.u32 v30, v20;
	v30 =	vld [tilespmem:$0x1FBC0]  }
0x47d: {  	v24 =	vld.idx.msk [tilespmem:v28+s10+$0x0], $0xffff  }
0x47e: {  	v0 =	vor.u32 v0, v14;
	v28 =	vld [tilespmem:$0x1FBB0]  }
0x47f: {  	v14 =	vor.u32 v13, v2;
	v2 =	vmov v5;
	v5 =	vmov v29;
	v29 =	vld [tilespmem:$0x1FBE0];
	[tilespmem:s20+$0x60] =	vst v18  }
0x480: {  	v21 =	vor.u32 v13, v0;
	v17 =	vld.idx.msk [tilespmem:v17+s10+$0x0], $0xffff  }
0x481: {  	v0 =	vmovc v3;
	v3 =	vmov v15;
	v49 =	vadd.s32 v31, v4;
	v18 =	vadd.s32 v31, v26;
	[tilespmem:s18+$0x820] =	vst v19;
	v31 =	vld [tilespmem:$0x1FC20]  }
0x482: {  	s25 =	sor.u32 $0xC60, s14;
	v23 =	vor.u32 v5, v49;
	v18 =	vor.u32 v3, v18;
	v27 =	vadd.s32 v30, v1;
	v19 =	vld.idx.msk [tilespmem:v20+s10+$0x0], $0xffff  }
0x483: {  	[tilespmem:s25+$0x200] =	vst v25;
	v20 =	vadd.s32 v30, v6;
	v30 =	vld [tilespmem:$0x1FBF0];
	v25 =	vor.u32 v2, v27;
	v23 =	vor.u32 v28, v23  }
0x484: {  	v15 =	vor.u32 v29, v25;
	v25 =	vor.u32 v28, v18;
	v28 =	vld [tilespmem:$0x1FBD0]  }
0x485: {  	[tilespmem:s31+$0x200] =	vst v16;
	v27 =	vld.idx.msk [tilespmem:v14+s10+$0x0], $0xffff;
	v16 =	vor.u32 v0, v20  }
0x486: {  	[tilespmem:s21+$0x70] =	vst v22;
	v22 =	vor.u32 v29, v16;
	v29 =	vld [tilespmem:$0x1FC00]  }
0x487: {  	v20 =	vld.idx.msk [tilespmem:v21+s10+$0x0], $0xffff  }
0x488: {  	v14 =	vadd.s32 v8, v6;
	[tilespmem:s20+$0x70] =	vst v17;
	v21 =	vld.idx.msk [tilespmem:v23+s10+$0x0], $0xffff  }
0x489: {  	v17 =	vadd.s32 v10, v6;
	v18 =	vadd.s32 v28, v4;
	[tilespmem:s19+$0x830] =	vst v24;
	v25 =	vld.idx.msk [tilespmem:v25+s10+$0x0], $0xffff  }
0x48a: {  	s14 =	sor.u32 $0xC70, s14;
	[tilespmem:s18+$0x830] =	vst v19;
	v19 =	vadd.s32 v62, v6;
	v16 =	vor.u32 v5, v18;
	v15 =	vld.idx.msk [tilespmem:v15+s10+$0x0], $0xffff  }
0x48b: {  	v47 =	vld [tilespmem:$0x1FC80];
	v18 =	vadd.s32 v29, v1;
	[tilespmem:s14+$0x200] =	vst v27;
	v27 =	vadd.s32 v28, v26;
	v23 =	vor.u32 v30, v16  }
0x48c: {  	v22 =	vld.idx.msk [tilespmem:v22+s10+$0x0], $0xffff;
	v29 =	vadd.s32 v29, v6;
	v24 =	vor.u32 v2, v18;
	v27 =	vor.u32 v3, v27  }
0x48d: {  	[tilespmem:s30+$0x200] =	vst v20;
	v24 =	vor.u32 v31, v24;
	v20 =	vor.u32 v30, v27;
	v27 =	vor.u32 v0, v29;
	v29 =	vld [tilespmem:$0x1FC60]  }
0x48e: {  	v28 =	vmov s12;
	v16 =	vadd.s32 v11, v6;
	v18 =	vadd.s32 v63, v6  }
0x48f: {  	v49 =	vld [tilespmem:$0x1FC90];
	v39 =	vshll.u32 v28, $0x9;
	v31 =	vor.u32 v31, v27;
	v27 =	vadd.s32 v46, v6;
	[tilespmem:s21+$0x400] =	vst v21  }
0x490: {  	v30 =	vshll.u32 v28, $0x7;
	v21 =	vadd.s32 v58, v6;
	[tilespmem:s20+$0x400] =	vst v25;
	v52 =	vld.idx.msk [tilespmem:v23+s10+$0x0], $0xffff;
	v23 =	vadd.s32 v53, v4  }
0x491: {  	v25 =	vadd.s32 v57, v26;
	[tilespmem:s19+$0x840] =	vst v15;
	v15 =	vor.u32 v5, v23;
	v23 =	vadd.s32 v54, v6  }
0x492: {  	v54 =	vld.idx.msk [tilespmem:v24+s10+$0x0], $0xffff;
	v24 =	vadd.s32 v29, v1;
	v46 =	vadd.s32 v29, v6;
	v29 =	vadd.s32 v47, v6  }
0x493: {  	p0 =	slt.u32 s12, $0x3E;
	v36 =	vld.idx.msk [tilespmem:v20+s10+$0x0], $0xffff;
	v20 =	vadd.s32 v42, v26;
	v44 =	vor.u32 v51, v15;
	v15 =	vor.u32 v2, v24  }
0x494: {  	s22 =	sor.u32 $0xC50, s3;
	s15 =	sor.u32 $0xC60, s3;
	s23 =	sor.u32 $0xC40, s3;
	[tilespmem:s18+$0x840] =	vst v22;
	v22 =	vadd.s32 v45, v26;
	v6 =	vor.u32 v49, v15;
	v15 =	vadd.s32 v53, v26  }
.Ltmp1:
0x495: {  	s3 =	sor.u32 $0xC70, s3;
	[dreg:$0xf] =	wrdreg s29;
	v24 =	vadd.s32 v56, v26;
	v28 =	vor.u32 v0, v46;
	v15 =	vor.u32 v3, v15;
	(pc) =	sbr.rel @p0 .LBB2_4-.Ltmp1, $4  }
0x496: {  	s29 =	smov.u32 s23;
	[dreg:$0x10] =	wrdreg s28;
	s26 =	smov.u32 s16;
	v31 =	vld.idx.msk [tilespmem:v31+s10+$0x0], $0xffff;
	v35 =	vor.u32 v51, v15;
	v15 =	vand.u32 $0x300, v30;
	v30 =	vadd.s32 v50, v4  }
0x497: {  	s28 =	smov.u32 s13;
	[dreg:$0x6] =	wrdreg s26;
	s26 =	smov.u32 s22;
	v32 =	vor.u32 v49, v28;
	v28 =	vadd.s32 v43, v26;
	[tilespmem:s21+$0x410] =	vst v52;
	v52 =	vor.u32 v5, v30  }
0x498: {  	s24 =	smov.u32 s3;
	s3 =	sadd.s32 $0x1, s12;
	s31 =	smov.u32 s1;
	v30 =	vadd.s32 v55, v26;
	v38 =	vld.idx.msk [tilespmem:v44+s10+$0x0], $0xffff;
	[tilespmem:s19+$0x850] =	vst v54;
	v54 =	vadd.s32 v47, v1  }
0x499: {  	s25 =	smov.u32 s15;
	s30 =	smov.u32 s0;
	s12 =	sadd.s32 $0x2, s12;
	v37 =	vor.u32 v48, v52;
	v33 =	vld.idx.msk [tilespmem:v6+s10+$0x0], $0xffff;
	v34 =	vor.u32 v2, v54;
	v6 =	vmov v26  }
0x49a: {  	v41 =	vld [tilespmem:$0x1F970];
	_ =	sdelay $0x1  }
0x49b: {  	v26 =	vmov s3;
	v46 =	vld [tilespmem:$0x1F990]  }
0x49c: {  	v40 =	vshll.u32 v26, $0x9  }
0x49d: {  	v26 =	vshll.u32 v26, $0x7;
	v49 =	vand.u32 $0x7000, v40  }
0x49e: {  	v47 =	vand.u32 $0x380, v26;
	v45 =	vadd.s32 v41, v49  }
0x49f: {  	v26 =	vor.u32 v47, v45  }
0x4a0: {  	v54 =	vld [tilespmem:$0x1F9C0];
	v26 =	vor.u32 v46, v26;
	_ =	sdelay $0x1  }
0x4a1: {  	v52 =	vand.u32 $0x7000, v39;
	v42 =	vld [tilespmem:$0x1F9D0]  }
0x4a2: {  	v39 =	vadd.s32 v41, v52  }
0x4a3: {  	v39 =	vor.u32 v15, v39  }
0x4a4: {  	v45 =	vadd.s32 v54, v49;
	v39 =	vor.u32 v46, v39;
	v26 =	vld.idx.msk [tilespmem:v26+s10+$0x0], $0xffff  }
0x4a5: {  	s7 =	sadd.s32 $0x400, s7;
	v40 =	vor.u32 v47, v45  }
0x4a6: {  	s11 =	sadd.s32 $0x100, s11;
	s23 =	sand.u32 $0x7000, s7;
	v40 =	vor.u32 v42, v40  }
0x4a7: {  	s12 =	sand.u32 $0x380, s11;
	s3 =	sor.u32 $0x200, s23  }
0x4a8: {  	s12 =	sadd.s32 s12, s3  }
0x4a9: {  	v39 =	vld.idx.msk [tilespmem:v39+s10+$0x0], $0xffff;
	[tilespmem:s12+$0x0] =	vst v26  }
0x4aa: {  	v46 =	vld [tilespmem:$0x1FA20]  }
0x4ab: {  	v40 =	vld.idx.msk [tilespmem:v40+s10+$0x0], $0xffff  }
0x4ac: {  	s11 =	sadd.s32 $0xFFFFFF80, s11;
	v43 =	vld [tilespmem:$0x1FA30]  }
0x4ad: {  	s11 =	sand.u32 $0x300, s11  }
0x4ae: {  	s11 =	sadd.s32 s11, s3;
	v41 =	vadd.s32 v54, v52  }
0x4af: {  	v41 =	vor.u32 v15, v41;
	[tilespmem:s11+$0x0] =	vst v39;
	v54 =	vadd.s32 v46, v49  }
0x4b0: {  	v41 =	vor.u32 v42, v41;
	[tilespmem:s12+$0x10] =	vst v40;
	v26 =	vor.u32 v47, v54  }
0x4b1: {  	v45 =	vld [tilespmem:$0x1FA70];
	v26 =	vor.u32 v43, v26;
	_ =	sdelay $0x1  }
0x4b2: {  	v54 =	vld [tilespmem:$0x1FA80]  }
0x4b3: {  	v44 =	vadd.s32 v46, v52  }
0x4b4: {  	v41 =	vld.idx.msk [tilespmem:v41+s10+$0x0], $0xffff;
	v39 =	vor.u32 v15, v44  }
0x4b5: {  	v39 =	vor.u32 v43, v39;
	v46 =	vadd.s32 v45, v49;
	v26 =	vld.idx.msk [tilespmem:v26+s10+$0x0], $0xffff  }
0x4b6: {  	v40 =	vor.u32 v47, v46  }
0x4b7: {  	v40 =	vor.u32 v54, v40;
	_ =	sdelay $0x1  }
0x4b8: {  	[tilespmem:s11+$0x10] =	vst v41  }
0x4b9: {  	v39 =	vld.idx.msk [tilespmem:v39+s10+$0x0], $0xffff;
	[tilespmem:s12+$0x20] =	vst v26  }
0x4ba: {  	v44 =	vadd.s32 v45, v52;
	v45 =	vld [tilespmem:$0x1FAB0]  }
0x4bb: {  	v41 =	vor.u32 v15, v44;
	v40 =	vld.idx.msk [tilespmem:v40+s10+$0x0], $0xffff  }
0x4bc: {  	v41 =	vor.u32 v54, v41;
	v54 =	vld [tilespmem:$0x1FAC0];
	_ =	sdelay $0x2  }
0x4bd: {  	[tilespmem:s11+$0x20] =	vst v39;
	v46 =	vadd.s32 v45, v49  }
0x4be: {  	[tilespmem:s12+$0x30] =	vst v40;
	v26 =	vor.u32 v47, v46  }
0x4bf: {  	v44 =	vadd.s32 v45, v52;
	v45 =	vld [tilespmem:$0x1FAE0];
	v26 =	vor.u32 v54, v26  }
0x4c0: {  	v39 =	vor.u32 v15, v44  }
0x4c1: {  	v39 =	vor.u32 v54, v39;
	v54 =	vld [tilespmem:$0x1FAF0];
	_ =	sdelay $0x1  }
0x4c2: {  	v41 =	vld.idx.msk [tilespmem:v41+s10+$0x0], $0xffff  }
0x4c3: {  	v46 =	vadd.s32 v45, v49;
	v26 =	vld.idx.msk [tilespmem:v26+s10+$0x0], $0xffff  }
0x4c4: {  	v40 =	vor.u32 v47, v46  }
0x4c5: {  	v40 =	vor.u32 v54, v40;
	_ =	sdelay $0x1  }
0x4c6: {  	[tilespmem:s11+$0x30] =	vst v41  }
0x4c7: {  	v39 =	vld.idx.msk [tilespmem:v39+s10+$0x0], $0xffff;
	[tilespmem:s12+$0x40] =	vst v26  }
0x4c8: {  	v44 =	vadd.s32 v45, v52;
	v45 =	vld [tilespmem:$0x1FB50]  }
0x4c9: {  	v41 =	vor.u32 v15, v44;
	v40 =	vld.idx.msk [tilespmem:v40+s10+$0x0], $0xffff  }
0x4ca: {  	v41 =	vor.u32 v54, v41;
	v54 =	vld [tilespmem:$0x1FB20];
	_ =	sdelay $0x2  }
0x4cb: {  	[tilespmem:s11+$0x40] =	vst v39;
	v46 =	vadd.s32 v45, v49  }
0x4cc: {  	[tilespmem:s12+$0x50] =	vst v40;
	v26 =	vor.u32 v47, v46  }
0x4cd: {  	v44 =	vadd.s32 v45, v52;
	v45 =	vld [tilespmem:$0x1FB60];
	v26 =	vor.u32 v54, v26  }
0x4ce: {  	v39 =	vor.u32 v15, v44  }
0x4cf: {  	v39 =	vor.u32 v54, v39;
	v54 =	vld [tilespmem:$0x1FB80];
	_ =	sdelay $0x1  }
0x4d0: {  	v41 =	vld.idx.msk [tilespmem:v41+s10+$0x0], $0xffff  }
0x4d1: {  	v46 =	vadd.s32 v45, v49;
	v26 =	vld.idx.msk [tilespmem:v26+s10+$0x0], $0xffff  }
0x4d2: {  	v40 =	vor.u32 v47, v46  }
0x4d3: {  	v40 =	vor.u32 v54, v40;
	_ =	sdelay $0x1  }
0x4d4: {  	[tilespmem:s11+$0x50] =	vst v41  }
0x4d5: {  	v39 =	vld.idx.msk [tilespmem:v39+s10+$0x0], $0xffff;
	[tilespmem:s12+$0x60] =	vst v26  }
0x4d6: {  	v44 =	vadd.s32 v45, v52;
	v45 =	vld [tilespmem:$0x1FB90]  }
0x4d7: {  	v41 =	vor.u32 v15, v44;
	v40 =	vld.idx.msk [tilespmem:v40+s10+$0x0], $0xffff  }
0x4d8: {  	v41 =	vor.u32 v54, v41;
	v54 =	vld [tilespmem:$0x1FBB0];
	_ =	sdelay $0x2  }
0x4d9: {  	[tilespmem:s11+$0x60] =	vst v39;
	v46 =	vadd.s32 v45, v49  }
0x4da: {  	[tilespmem:s12+$0x70] =	vst v40;
	v26 =	vor.u32 v47, v46  }
0x4db: {  	v44 =	vadd.s32 v45, v52;
	v45 =	vld [tilespmem:$0x1FBD0];
	v26 =	vor.u32 v54, v26  }
0x4dc: {  	v39 =	vor.u32 v15, v44;
	[tilespmem:s20+$0x410] =	vst v36  }
0x4dd: {  	v39 =	vor.u32 v54, v39;
	v54 =	vld [tilespmem:$0x1FBF0]  }
0x4de: {  	v41 =	vld.idx.msk [tilespmem:v41+s10+$0x0], $0xffff;
	_ =	sdelay $0x1  }
0x4df: {  	v46 =	vadd.s32 v45, v49;
	v26 =	vld.idx.msk [tilespmem:v26+s10+$0x0], $0xffff  }
0x4e0: {  	v40 =	vor.u32 v47, v46  }
0x4e1: {  	[tilespmem:s21+$0x420] =	vst v38;
	v35 =	vld.idx.msk [tilespmem:v35+s10+$0x0], $0xffff;
	v36 =	vor.u32 v54, v40  }
0x4e2: {  	[tilespmem:s11+$0x70] =	vst v41;
	v37 =	vld.idx.msk [tilespmem:v37+s10+$0x0], $0xffff  }
0x4e3: {  	v43 =	vld [tilespmem:$0x1F980]  }
0x4e4: {  	v39 =	vld.idx.msk [tilespmem:v39+s10+$0x0], $0xffff;
	v40 =	vadd.s32 v50, v6;
	[tilespmem:s12+$0x400] =	vst v26  }
0x4e5: {  	v38 =	vor.u32 v3, v40;
	v42 =	vld [tilespmem:$0x1F9A0]  }
0x4e6: {  	v44 =	vadd.s32 v45, v52;
	v38 =	vor.u32 v48, v38;
	v36 =	vld.idx.msk [tilespmem:v36+s10+$0x0], $0xffff  }
0x4e7: {  	v40 =	vor.u32 v15, v44;
	[tilespmem:s20+$0x420] =	vst v35  }
0x4e8: {  	v45 =	vadd.s32 v43, v4;
	v40 =	vor.u32 v54, v40;
	v54 =	vadd.s32 v53, v49;
	[tilespmem:s21+$0x430] =	vst v37  }
0x4e9: {  	v46 =	vor.u32 v5, v45;
	v45 =	vadd.s32 v43, v6;
	v41 =	vor.u32 v47, v54;
	[tilespmem:s11+$0x400] =	vst v39  }
0x4ea: {  	v35 =	vor.u32 v51, v41;
	v26 =	vor.u32 v42, v46;
	v46 =	vor.u32 v3, v45;
	v45 =	vld [tilespmem:$0x1F9F0]  }
0x4eb: {  	v44 =	vadd.s32 v53, v52;
	v38 =	vld.idx.msk [tilespmem:v38+s10+$0x0], $0xffff;
	[tilespmem:s12+$0x410] =	vst v36  }
0x4ec: {  	v37 =	vor.u32 v15, v44;
	v44 =	vld [tilespmem:$0x1FA00]  }
0x4ed: {  	v39 =	vor.u32 v42, v46  }
0x4ee: {  	v54 =	vadd.s32 v50, v49;
	v40 =	vld.idx.msk [tilespmem:v40+s10+$0x0], $0xffff  }
0x4ef: {  	v41 =	vor.u32 v47, v54;
	v37 =	vor.u32 v51, v37;
	v35 =	vld.idx.msk [tilespmem:v35+s10+$0x0], $0xffff;
	v51 =	vadd.s32 v45, v4  }
0x4f0: {  	v41 =	vor.u32 v48, v41;
	v26 =	vld.idx.msk [tilespmem:v26+s10+$0x0], $0xffff;
	v53 =	vor.u32 v5, v51  }
0x4f1: {  	[tilespmem:s20+$0x430] =	vst v38;
	v36 =	vor.u32 v44, v53  }
0x4f2: {  	v39 =	vld.idx.msk [tilespmem:v39+s10+$0x0], $0xffff  }
0x4f3: {  	[tilespmem:s11+$0x410] =	vst v40  }
0x4f4: {  	v37 =	vld.idx.msk [tilespmem:v37+s10+$0x0], $0xffff;
	[tilespmem:s12+$0x420] =	vst v35  }
0x4f5: {  	v54 =	vld.idx.msk [tilespmem:v41+s10+$0x0], $0xffff;
	[tilespmem:s21+$0x440] =	vst v26  }
0x4f6: {  	v46 =	vadd.s32 v50, v52;
	v36 =	vld.idx.msk [tilespmem:v36+s10+$0x0], $0xffff  }
0x4f7: {  	v38 =	vor.u32 v15, v46;
	v46 =	vadd.s32 v55, v4;
	[tilespmem:s20+$0x440] =	vst v39  }
0x4f8: {  	v50 =	vadd.s32 v45, v6;
	v41 =	vor.u32 v5, v46;
	v46 =	vld [tilespmem:$0x1FA40]  }
0x4f9: {  	v51 =	vor.u32 v3, v50;
	[tilespmem:s11+$0x420] =	vst v37  }
0x4fa: {  	v53 =	vadd.s32 v43, v49;
	v26 =	vor.u32 v48, v38;
	v48 =	vadd.s32 v43, v52;
	[tilespmem:s12+$0x430] =	vst v54  }
0x4fb: {  	v35 =	vor.u32 v44, v51;
	v38 =	vor.u32 v47, v53;
	v50 =	vor.u32 v15, v48;
	[tilespmem:s21+$0x450] =	vst v36  }
0x4fc: {  	v38 =	vor.u32 v42, v38;
	v51 =	vor.u32 v42, v50;
	v42 =	vld [tilespmem:$0x1FA50]  }
0x4fd: {  	v39 =	vor.u32 v46, v41  }
0x4fe: {  	v41 =	vld [tilespmem:$0x1FA90]  }
0x4ff: {  	v26 =	vld.idx.msk [tilespmem:v26+s10+$0x0], $0xffff  }
0x500: {  	v30 =	vor.u32 v3, v30;
	v53 =	vadd.s32 v45, v49;
	v35 =	vld.idx.msk [tilespmem:v35+s10+$0x0], $0xffff  }
0x501: {  	v37 =	vor.u32 v47, v53;
	v38 =	vld.idx.msk [tilespmem:v38+s10+$0x0], $0xffff;
	v30 =	vor.u32 v46, v30;
	v54 =	vadd.s32 v42, v4  }
0x502: {  	v37 =	vor.u32 v44, v37;
	v39 =	vld.idx.msk [tilespmem:v39+s10+$0x0], $0xffff;
	v40 =	vor.u32 v5, v54  }
0x503: {  	v40 =	vor.u32 v41, v40  }
0x504: {  	v48 =	vadd.s32 v45, v52;
	[tilespmem:s11+$0x430] =	vst v26  }
0x505: {  	[tilespmem:s20+$0x450] =	vst v35;
	v26 =	vor.u32 v15, v48;
	v50 =	vld.idx.msk [tilespmem:v51+s10+$0x0], $0xffff  }
0x506: {  	v26 =	vor.u32 v44, v26;
	[tilespmem:s12+$0x440] =	vst v38;
	v30 =	vld.idx.msk [tilespmem:v30+s10+$0x0], $0xffff  }
0x507: {  	v37 =	vld.idx.msk [tilespmem:v37+s10+$0x0], $0xffff;
	[tilespmem:s21+$0x460] =	vst v39  }
0x508: {  	v53 =	vld.idx.msk [tilespmem:v40+s10+$0x0], $0xffff  }
0x509: {  	v51 =	vadd.s32 v55, v49  }
0x50a: {  	v36 =	vor.u32 v47, v51;
	[tilespmem:s11+$0x440] =	vst v50  }
0x50b: {  	v36 =	vor.u32 v46, v36;
	[tilespmem:s20+$0x460] =	vst v30;
	v26 =	vld.idx.msk [tilespmem:v26+s10+$0x0], $0xffff  }
0x50c: {  	v28 =	vor.u32 v3, v28;
	v54 =	vadd.s32 v57, v4;
	[tilespmem:s12+$0x450] =	vst v37  }
0x50d: {  	v28 =	vor.u32 v41, v28;
	v39 =	vor.u32 v5, v54;
	[tilespmem:s21+$0x470] =	vst v53  }
0x50e: {  	v44 =	vadd.s32 v55, v52;
	v43 =	vor.u32 v59, v39;
	v39 =	vld [tilespmem:$0x1F960]  }
0x50f: {  	v45 =	vor.u32 v15, v44;
	[tilespmem:s18+$0x850] =	vst v31  }
0x510: {  	v30 =	vor.u32 v46, v45;
	v46 =	vadd.s32 v42, v49;
	v36 =	vld.idx.msk [tilespmem:v36+s10+$0x0], $0xffff;
	[tilespmem:s11+$0x450] =	vst v26  }
0x511: {  	v37 =	vor.u32 v47, v46;
	v40 =	vld [tilespmem:$0x1FB00]  }
0x512: {  	v28 =	vld.idx.msk [tilespmem:v28+s10+$0x0], $0xffff;
	v37 =	vor.u32 v41, v37  }
0x513: {  	v25 =	vor.u32 v3, v25;
	v50 =	vld.idx.msk [tilespmem:v43+s10+$0x0], $0xffff;
	v34 =	vor.u32 v39, v34  }
0x514: {  	v25 =	vor.u32 v59, v25;
	v48 =	vadd.s32 v56, v4;
	v53 =	vld.idx.msk [tilespmem:v32+s10+$0x0], $0xffff  }
0x515: {  	v51 =	vor.u32 v5, v48;
	v55 =	vadd.s32 v42, v52;
	[tilespmem:s19+$0x860] =	vst v33  }
0x516: {  	v38 =	vor.u32 v15, v55;
	v30 =	vld.idx.msk [tilespmem:v30+s10+$0x0], $0xffff;
	[tilespmem:s12+$0x460] =	vst v36;
	v54 =	vor.u32 v40, v51  }
0x517: {  	v33 =	vor.u32 v41, v38;
	[tilespmem:s20+$0x470] =	vst v28;
	v43 =	vld.idx.msk [tilespmem:v37+s10+$0x0], $0xffff  }
0x518: {  	[tilespmem:s21+$0x800] =	vst v50;
	v34 =	vld.idx.msk [tilespmem:v34+s10+$0x0], $0xffff  }
0x519: {  	v25 =	vld.idx.msk [tilespmem:v25+s10+$0x0], $0xffff;
	[tilespmem:s18+$0x860] =	vst v53  }
0x51a: {  	v37 =	vld [tilespmem:$0x1FB10]  }
0x51b: {  	[tilespmem:s11+$0x460] =	vst v30;
	v45 =	vld.idx.msk [tilespmem:v54+s10+$0x0], $0xffff  }
0x51c: {  	v33 =	vld.idx.msk [tilespmem:v33+s10+$0x0], $0xffff  }
0x51d: {  	v42 =	vadd.s32 v57, v49;
	[tilespmem:s19+$0x870] =	vst v34  }
0x51e: {  	v35 =	vor.u32 v47, v42;
	v36 =	vld [tilespmem:$0x1FB70];
	[tilespmem:s12+$0x470] =	vst v43  }
0x51f: {  	v44 =	vor.u32 v59, v35;
	[tilespmem:s20+$0x800] =	vst v25  }
0x520: {  	v24 =	vor.u32 v3, v24;
	[tilespmem:s21+$0x810] =	vst v45  }
0x521: {  	v24 =	vor.u32 v40, v24;
	v46 =	vadd.s32 v37, v4;
	v35 =	vld [tilespmem:$0x1FC50];
	[tilespmem:s11+$0x470] =	vst v33  }
0x522: {  	v48 =	vor.u32 v5, v46;
	v43 =	vld [tilespmem:$0x1FCB0]  }
0x523: {  	v29 =	vor.u32 v0, v29;
	v50 =	vadd.s32 v57, v52;
	v34 =	vld [tilespmem:$0x1F9B0];
	v30 =	vor.u32 v36, v48  }
0x524: {  	v29 =	vor.u32 v39, v29;
	v32 =	vor.u32 v15, v50;
	v51 =	vadd.s32 v56, v49;
	v53 =	vld.idx.msk [tilespmem:v44+s10+$0x0], $0xffff  }
0x525: {  	v32 =	vor.u32 v59, v32;
	v28 =	vor.u32 v47, v51;
	v38 =	vld [tilespmem:$0x1FBA0]  }
0x526: {  	v22 =	vor.u32 v3, v22;
	v28 =	vor.u32 v40, v28;
	v24 =	vld.idx.msk [tilespmem:v24+s10+$0x0], $0xffff;
	v54 =	vadd.s32 v35, v1  }
0x527: {  	v22 =	vor.u32 v36, v22;
	v26 =	vor.u32 v2, v54  }
0x528: {  	v55 =	vadd.s32 v43, v4;
	v26 =	vor.u32 v34, v26;
	v30 =	vld.idx.msk [tilespmem:v30+s10+$0x0], $0xffff  }
0x529: {  	v59 =	vld.idx.msk [tilespmem:v29+s10+$0x0], $0xffff;
	v31 =	vor.u32 v5, v55  }
0x52a: {  	v32 =	vld.idx.msk [tilespmem:v32+s10+$0x0], $0xffff;
	[tilespmem:s12+$0x800] =	vst v53;
	v31 =	vor.u32 v38, v31  }
0x52b: {  	v56 =	vadd.s32 v56, v52;
	[tilespmem:s20+$0x810] =	vst v24;
	v28 =	vld.idx.msk [tilespmem:v28+s10+$0x0], $0xffff  }
0x52c: {  	v57 =	vadd.s32 v37, v49;
	v33 =	vor.u32 v15, v56;
	v22 =	vld.idx.msk [tilespmem:v22+s10+$0x0], $0xffff  }
0x52d: {  	v25 =	vor.u32 v47, v57;
	v33 =	vor.u32 v40, v33;
	v26 =	vld.idx.msk [tilespmem:v26+s10+$0x0], $0xffff;
	[tilespmem:s21+$0x820] =	vst v30  }
0x52e: {  	v25 =	vor.u32 v36, v25;
	v42 =	vld [tilespmem:$0x1FBC0]  }
0x52f: {  	v20 =	vor.u32 v3, v20;
	[tilespmem:s11+$0x800] =	vst v32;
	v31 =	vld.idx.msk [tilespmem:v31+s10+$0x0], $0xffff  }
0x530: {  	v20 =	vor.u32 v38, v20;
	v40 =	vld [tilespmem:$0x1FC40]  }
0x531: {  	v27 =	vor.u32 v0, v27;
	v48 =	vld [tilespmem:$0x1FBE0]  }
0x532: {  	v50 =	vadd.s32 v37, v52;
	v27 =	vor.u32 v34, v27;
	v33 =	vld.idx.msk [tilespmem:v33+s10+$0x0], $0xffff;
	[tilespmem:s12+$0x810] =	vst v28  }
0x533: {  	v32 =	vor.u32 v15, v50;
	v25 =	vld.idx.msk [tilespmem:v25+s10+$0x0], $0xffff  }
0x534: {  	v32 =	vor.u32 v36, v32;
	v36 =	vld [tilespmem:$0x1FA10];
	[tilespmem:s20+$0x820] =	vst v22  }
0x535: {  	s0 =	sadd.s32 $0x2, s5;
	[tilespmem:s18+$0x870] =	vst v59;
	v20 =	vld.idx.msk [tilespmem:v20+s10+$0x0], $0xffff;
	v45 =	vadd.s32 v42, v4  }
0x536: {  	s14 =	sand.u32 $0x7, s0;
	v37 =	vld [tilespmem:$0x1FC00];
	[tilespmem:s21+$0x830] =	vst v31;
	v29 =	vor.u32 v5, v45  }
0x537: {  	s1 =	sadd.s32 $0x400, s17;
	s15 =	sshll.u32 s14, $0x7;
	v51 =	vadd.s32 v43, v49;
	v27 =	vld.idx.msk [tilespmem:v27+s10+$0x0], $0xffff;
	[tilespmem:s11+$0x810] =	vst v33;
	v29 =	vor.u32 v48, v29  }
0x538: {  	s16 =	sadd.s32 s15, s1;
	v55 =	vadd.s32 v43, v52;
	v28 =	vor.u32 v47, v51;
	v46 =	vadd.s32 v40, v1;
	v33 =	vld [tilespmem:$0x1FC20]  }
0x539: {  	s15 =	sor.u32 $0xC00, s16;
	v28 =	vor.u32 v38, v28;
	v53 =	vadd.s32 v42, v6;
	v30 =	vor.u32 v2, v46;
	[tilespmem:s12+$0x820] =	vst v25  }
0x53a: {  	v31 =	vor.u32 v15, v55;
	v22 =	vor.u32 v3, v53;
	[tilespmem:s15+$0x200] =	vst v26;
	v30 =	vor.u32 v36, v30  }
0x53b: {  	v22 =	vor.u32 v48, v22;
	v32 =	vld.idx.msk [tilespmem:v32+s10+$0x0], $0xffff;
	v54 =	vadd.s32 v37, v4;
	[tilespmem:s20+$0x830] =	vst v20  }
0x53c: {  	v57 =	vor.u32 v38, v31;
	[tilespmem:s8+$0x200] =	vst v27;
	v24 =	vor.u32 v5, v54;
	v29 =	vld.idx.msk [tilespmem:v29+s10+$0x0], $0xffff  }
0x53d: {  	v38 =	vld [tilespmem:$0x1FC60];
	v24 =	vor.u32 v33, v24  }
0x53e: {  	v28 =	vld.idx.msk [tilespmem:v28+s10+$0x0], $0xffff  }
0x53f: {  	v30 =	vld.idx.msk [tilespmem:v30+s10+$0x0], $0xffff  }
0x540: {  	v59 =	vadd.s32 v37, v6;
	v22 =	vld.idx.msk [tilespmem:v22+s10+$0x0], $0xffff;
	[tilespmem:s11+$0x820] =	vst v32  }
0x541: {  	v20 =	vor.u32 v3, v59;
	v26 =	vld.idx.msk [tilespmem:v57+s10+$0x0], $0xffff;
	[tilespmem:s21+$0x840] =	vst v29  }
0x542: {  	v56 =	vadd.s32 v42, v49;
	v20 =	vor.u32 v33, v20;
	v31 =	vadd.s32 v38, v4;
	v24 =	vld.idx.msk [tilespmem:v24+s10+$0x0], $0xffff  }
0x543: {  	s4 =	sor.u32 $0xC10, s16;
	v25 =	vor.u32 v47, v56;
	v27 =	vor.u32 v5, v31;
	v31 =	vld [tilespmem:$0x1FC90];
	[tilespmem:s12+$0x830] =	vst v28  }
0x544: {  	v42 =	vadd.s32 v42, v52;
	v25 =	vor.u32 v48, v25;
	[tilespmem:s4+$0x200] =	vst v30  }
0x545: {  	v29 =	vor.u32 v15, v42;
	[tilespmem:s20+$0x840] =	vst v22  }
0x546: {  	v29 =	vor.u32 v48, v29;
	[tilespmem:s11+$0x830] =	vst v26  }
0x547: {  	v23 =	vor.u32 v0, v23;
	v20 =	vld.idx.msk [tilespmem:v20+s10+$0x0], $0xffff;
	[tilespmem:s21+$0x850] =	vst v24  }
0x548: {  	v23 =	vor.u32 v36, v23;
	v43 =	vadd.s32 v37, v49;
	v32 =	vld [tilespmem:$0x1FC80]  }
0x549: {  	v28 =	vor.u32 v47, v43;
	v25 =	vld.idx.msk [tilespmem:v25+s10+$0x0], $0xffff;
	v27 =	vor.u32 v31, v27  }
0x54a: {  	v44 =	vadd.s32 v58, v1;
	v55 =	vadd.s32 v37, v52;
	v45 =	vor.u32 v33, v28  }
0x54b: {  	v46 =	vor.u32 v2, v44;
	v56 =	vor.u32 v15, v55;
	v29 =	vld.idx.msk [tilespmem:v29+s10+$0x0], $0xffff  }
0x54c: {  	v50 =	vor.u32 v60, v46;
	v48 =	vadd.s32 v38, v6;
	[tilespmem:s20+$0x850] =	vst v20;
	v20 =	vor.u32 v33, v56  }
0x54d: {  	v23 =	vld.idx.msk [tilespmem:v23+s10+$0x0], $0xffff;
	v54 =	vadd.s32 v38, v49;
	v51 =	vor.u32 v3, v48;
	v53 =	vadd.s32 v32, v4  }
0x54e: {  	v28 =	vor.u32 v31, v51;
	[tilespmem:s12+$0x840] =	vst v25;
	v27 =	vld.idx.msk [tilespmem:v27+s10+$0x0], $0xffff;
	v26 =	vor.u32 v5, v53  }
0x54f: {  	v25 =	vor.u32 v47, v54;
	v22 =	vld.idx.msk [tilespmem:v45+s10+$0x0], $0xffff;
	v26 =	vor.u32 v39, v26  }
0x550: {  	v21 =	vor.u32 v0, v21;
	v38 =	vadd.s32 v38, v52;
	v25 =	vor.u32 v31, v25;
	[tilespmem:s11+$0x840] =	vst v29  }
0x551: {  	v21 =	vor.u32 v60, v21;
	v41 =	vor.u32 v15, v38;
	v20 =	vld.idx.msk [tilespmem:v20+s10+$0x0], $0xffff  }
0x552: {  	v24 =	vld.idx.msk [tilespmem:v50+s10+$0x0], $0xffff;
	[tilespmem:s6+$0x200] =	vst v23;
	v23 =	vor.u32 v31, v41;
	v57 =	vadd.s32 v32, v6  }
0x553: {  	v33 =	vadd.s32 v35, v4;
	v28 =	vld.idx.msk [tilespmem:v28+s10+$0x0], $0xffff;
	v59 =	vor.u32 v3, v57;
	[tilespmem:s21+$0x860] =	vst v27  }
0x554: {  	v29 =	vor.u32 v5, v33;
	[tilespmem:s12+$0x850] =	vst v22;
	v27 =	vor.u32 v39, v59;
	v26 =	vld.idx.msk [tilespmem:v26+s10+$0x0], $0xffff  }
0x555: {  	v19 =	vor.u32 v0, v19;
	v37 =	vadd.s32 v32, v49;
	v29 =	vor.u32 v34, v29;
	v25 =	vld.idx.msk [tilespmem:v25+s10+$0x0], $0xffff  }
0x556: {  	s5 =	sor.u32 $0xC20, s16;
	v55 =	vadd.s32 v62, v1;
	v42 =	vadd.s32 v35, v6;
	v22 =	vor.u32 v47, v37;
	[tilespmem:s11+$0x850] =	vst v20  }
0x557: {  	[tilespmem:s5+$0x200] =	vst v24;
	v46 =	vadd.s32 v32, v52;
	v22 =	vor.u32 v39, v22;
	v23 =	vld.idx.msk [tilespmem:v23+s10+$0x0], $0xffff  }
0x558: {  	v21 =	vld.idx.msk [tilespmem:v21+s10+$0x0], $0xffff;
	v45 =	vadd.s32 v40, v4;
	v51 =	vor.u32 v15, v46;
	[tilespmem:s20+$0x860] =	vst v28  }
0x559: {  	v24 =	vor.u32 v3, v42;
	v54 =	vor.u32 v39, v51;
	v43 =	vld.idx.msk [tilespmem:v27+s10+$0x0], $0xffff;
	[tilespmem:s21+$0x870] =	vst v26  }
0x55a: {  	s8 =	sadd.s32 $0x2, s0;
	v24 =	vor.u32 v34, v24;
	[tilespmem:s12+$0x860] =	vst v25;
	v25 =	vor.u32 v5, v45;
	v44 =	vld.idx.msk [tilespmem:v29+s10+$0x0], $0xffff  }
0x55b: {  	s3 =	sand.u32 $0x7, s8;
	v53 =	vadd.s32 v35, v49;
	v50 =	vor.u32 v36, v25;
	v25 =	vor.u32 v2, v55  }
0x55c: {  	s13 =	sadd.s32 $0x400, s1;
	s3 =	sshll.u32 s3, $0x7;
	v28 =	vor.u32 v47, v53;
	v48 =	vld.idx.msk [tilespmem:v22+s10+$0x0], $0xffff;
	v25 =	vor.u32 v61, v25;
	s0 =	rddreg [dreg:$0x10];
	[tilespmem:s11+$0x860] =	vst v23  }
0x55d: {  	v19 =	vor.u32 v61, v19;
	s3 =	sadd.s32 s3, s13;
	v56 =	vor.u32 v34, v28;
	[tilespmem:s0+$0x200] =	vst v21  }
0x55e: {  	s14 =	sor.u32 $0xC00, s3;
	v31 =	vadd.s32 v35, v52;
	v32 =	vadd.s32 v40, v49;
	[tilespmem:s20+$0x870] =	vst v43;
	v21 =	vld.idx.msk [tilespmem:v54+s10+$0x0], $0xffff  }
0x55f: {  	v57 =	vadd.s32 v40, v6;
	v27 =	vor.u32 v15, v31;
	v24 =	vld.idx.msk [tilespmem:v24+s10+$0x0], $0xffff;
	[tilespmem:s14+$0x200] =	vst v44  }
0x560: {  	v59 =	vadd.s32 v58, v4;
	v20 =	vor.u32 v3, v57;
	v27 =	vor.u32 v34, v27;
	v22 =	vld.idx.msk [tilespmem:v50+s10+$0x0], $0xffff  }
0x561: {  	v30 =	vor.u32 v5, v59;
	v20 =	vor.u32 v36, v20;
	[tilespmem:s12+$0x870] =	vst v48;
	v25 =	vld.idx.msk [tilespmem:v25+s10+$0x0], $0xffff  }
0x562: {  	s15 =	sadd.s32 $0x2, s8;
	v28 =	vor.u32 v47, v32;
	v23 =	vor.u32 v60, v30;
	v26 =	vld.idx.msk [tilespmem:v56+s10+$0x0], $0xffff  }
0x563: {  	v38 =	vadd.s32 v40, v52;
	s5 =	sand.u32 $0x7, s15;
	v28 =	vor.u32 v36, v28;
	s0 =	rddreg [dreg:$0xf];
	[tilespmem:s11+$0x870] =	vst v21  }
0x564: {  	s17 =	sadd.s32 $0x400, s13;
	s4 =	sor.u32 $0xC10, s3;
	v33 =	vadd.s32 v63, v1;
	s5 =	sshll.u32 s5, $0x7;
	v40 =	vadd.s32 v58, v49;
	v19 =	vld.idx.msk [tilespmem:v19+s10+$0x0], $0xffff;
	[tilespmem:s0+$0x200] =	vst v24  }
0x565: {  	s2 =	sadd.s32 $0x1, s2;
	s18 =	sor.u32 $0xC30, s16;
	v39 =	vor.u32 v15, v38;
	v29 =	vor.u32 v2, v33;
	v27 =	vld.idx.msk [tilespmem:v27+s10+$0x0], $0xffff;
	[tilespmem:s4+$0x200] =	vst v22;
	s4 =	sadd.s32 s5, s17  }
0x566: {  	s2 =	sand.u32 $0x3, s2;
	v34 =	vadd.s32 v58, v6;
	v35 =	vor.u32 v7, v29;
	[tilespmem:s18+$0x200] =	vst v25;
	v20 =	vld.idx.msk [tilespmem:v20+s10+$0x0], $0xffff;
	s5 =	sor.u32 $0xC00, s4  }
0x567: {  	s1 =	sshll.u32 s2, $0x8;
	v41 =	vor.u32 v36, v39;
	v24 =	vor.u32 v3, v34;
	v23 =	vld.idx.msk [tilespmem:v23+s10+$0x0], $0xffff;
	[tilespmem:s5+$0x200] =	vst v26  }
0x568: {  	s1 =	sadd.s32 s1, s7;
	v43 =	vor.u32 v47, v40;
	v24 =	vor.u32 v60, v24;
	v42 =	vld.idx.msk [tilespmem:v28+s10+$0x0], $0xffff;
	s0 =	rddreg [dreg:$0xb]  }
0x569: {  	s20 =	sor.u32 $0xC00, s1;
	v44 =	vor.u32 v60, v43;
	[tilespmem:s0+$0x200] =	vst v19  }
0x56a: {  	v18 =	vor.u32 v0, v18;
	v17 =	vor.u32 v0, v17;
	v37 =	vadd.s32 v62, v4;
	s0 =	rddreg [dreg:$0xc];
	[tilespmem:s20+$0x200] =	vst v27  }
0x56b: {  	s19 =	sor.u32 $0xC20, s3;
	v48 =	vadd.s32 v58, v52;
	v21 =	vor.u32 v5, v37;
	v45 =	vld.idx.msk [tilespmem:v35+s10+$0x0], $0xffff;
	[tilespmem:s0+$0x200] =	vst v20  }
0x56c: {  	v21 =	vor.u32 v61, v21;
	s21 =	sor.u32 $0xC10, s4;
	[tilespmem:s19+$0x200] =	vst v23;
	v23 =	vor.u32 v15, v48;
	v25 =	vld.idx.msk [tilespmem:v41+s10+$0x0], $0xffff  }
0x56d: {  	v50 =	vadd.s32 v10, v1;
	v46 =	vld.idx.msk [tilespmem:v24+s10+$0x0], $0xffff;
	v23 =	vor.u32 v60, v23;
	[tilespmem:s21+$0x200] =	vst v42  }
0x56e: {  	v16 =	vor.u32 v0, v16;
	v18 =	vor.u32 v7, v18;
	v24 =	vor.u32 v2, v50;
	v19 =	vld.idx.msk [tilespmem:v44+s10+$0x0], $0xffff  }
0x56f: {  	v17 =	vor.u32 v9, v17;
	s22 =	sor.u32 $0xC40, s16;
	v51 =	vadd.s32 v62, v6;
	v53 =	vor.u32 v9, v24  }
0x570: {  	s2 =	sor.u32 $0xC10, s1;
	v58 =	vadd.s32 v62, v52;
	v54 =	vor.u32 v3, v51;
	v56 =	vadd.s32 v62, v49;
	[tilespmem:s22+$0x200] =	vst v45  }
0x571: {  	v22 =	vor.u32 v47, v56;
	v21 =	vld.idx.msk [tilespmem:v21+s10+$0x0], $0xffff;
	v24 =	vor.u32 v61, v54;
	s0 =	rddreg [dreg:$0x9];
	[tilespmem:s2+$0x200] =	vst v25  }
0x572: {  	v55 =	vadd.s32 v63, v4;
	v59 =	vor.u32 v15, v58;
	v22 =	vor.u32 v61, v22;
	s5 =	sor.u32 $0xC20, s4;
	v23 =	vld.idx.msk [tilespmem:v23+s10+$0x0], $0xffff  }
0x573: {  	v30 =	vadd.s32 v63, v52;
	v18 =	vld.idx.msk [tilespmem:v18+s10+$0x0], $0xffff;
	[tilespmem:s5+$0x200] =	vst v19;
	v19 =	vor.u32 v61, v59  }
0x574: {  	v62 =	vadd.s32 v63, v49;
	v31 =	vor.u32 v15, v30;
	v26 =	vor.u32 v5, v55;
	v20 =	vld.idx.msk [tilespmem:v53+s10+$0x0], $0xffff  }
0x575: {  	s23 =	sor.u32 $0xC30, s3;
	v29 =	vor.u32 v47, v62;
	v57 =	vor.u32 v7, v26;
	v60 =	vadd.s32 v63, v6;
	[tilespmem:s0+$0x200] =	vst v46  }
0x576: {  	s6 =	sor.u32 $0xC20, s1;
	v25 =	vor.u32 v3, v60;
	[tilespmem:s23+$0x200] =	vst v21;
	v24 =	vld.idx.msk [tilespmem:v24+s10+$0x0], $0xffff;
	v61 =	vadd.s32 v10, v4  }
0x577: {  	v25 =	vor.u32 v7, v25;
	v26 =	vor.u32 v5, v61;
	s0 =	rddreg [dreg:$0x6];
	v22 =	vld.idx.msk [tilespmem:v22+s10+$0x0], $0xffff;
	[tilespmem:s6+$0x200] =	vst v23  }
0x578: {  	s7 =	sor.u32 $0xC50, s16;
	[tilespmem:s0+$0x200] =	vst v18;
	v28 =	vor.u32 v9, v26;
	v26 =	vor.u32 v7, v29;
	v19 =	vld.idx.msk [tilespmem:v19+s10+$0x0], $0xffff  }
0x579: {  	v16 =	vor.u32 v12, v16;
	v32 =	vor.u32 v7, v31;
	[tilespmem:s7+$0x200] =	vst v20  }
0x57a: {  	v38 =	vadd.s32 v11, v1;
	v36 =	vadd.s32 v10, v52;
	v33 =	vadd.s32 v10, v6;
	v21 =	vld.idx.msk [tilespmem:v57+s10+$0x0], $0xffff;
	s0 =	rddreg [dreg:$0x7]  }
0x57b: {  	v40 =	vor.u32 v2, v38;
	v43 =	vadd.s32 v11, v6;
	s11 =	sor.u32 $0xC30, s4;
	v17 =	vld.idx.msk [tilespmem:v17+s10+$0x0], $0xffff;
	[tilespmem:s0+$0x200] =	vst v24  }
0x57c: {  	s12 =	sor.u32 $0xC30, s1;
	v35 =	vadd.s32 v10, v49;
	v20 =	vor.u32 v3, v33;
	[tilespmem:s11+$0x200] =	vst v22;
	v34 =	vld.idx.msk [tilespmem:v25+s10+$0x0], $0xffff  }
0x57d: {  	v20 =	vor.u32 v9, v20;
	v22 =	vor.u32 v47, v35;
	v37 =	vld.idx.msk [tilespmem:v26+s10+$0x0], $0xffff;
	[tilespmem:s12+$0x200] =	vst v19  }
0x57e: {  	s8 =	sor.u32 $0xC40, s3;
	v41 =	vadd.s32 v8, v1;
	v10 =	vor.u32 v15, v36;
	v22 =	vor.u32 v9, v22;
	v7 =	vld.idx.msk [tilespmem:v32+s10+$0x0], $0xffff  }
0x57f: {  	v1 =	vor.u32 v2, v41;
	v42 =	vadd.s32 v11, v4;
	v39 =	vor.u32 v9, v10;
	[tilespmem:s8+$0x200] =	vst v21  }
0x580: {  	v50 =	vadd.s32 v11, v52;
	v2 =	vor.u32 v5, v42;
	v10 =	vor.u32 v12, v40;
	[tilespmem:s28+$0x200] =	vst v17  }
0x581: {  	s14 =	sor.u32 $0xC40, s4;
	v54 =	vor.u32 v0, v14;
	v2 =	vor.u32 v12, v2;
	v18 =	vld.idx.msk [tilespmem:v28+s10+$0x0], $0xffff;
	[tilespmem:s29+$0x200] =	vst v34  }
0x582: {  	s15 =	sor.u32 $0xC40, s1;
	v46 =	vadd.s32 v11, v49;
	v17 =	vor.u32 v3, v43;
	[tilespmem:s14+$0x200] =	vst v37;
	v44 =	vld.idx.msk [tilespmem:v20+s10+$0x0], $0xffff  }
0x583: {  	v51 =	vor.u32 v47, v46;
	v48 =	vor.u32 v12, v17;
	v45 =	vld.idx.msk [tilespmem:v22+s10+$0x0], $0xffff;
	[tilespmem:s15+$0x200] =	vst v7  }
0x584: {  	v1 =	vor.u32 v13, v1;
	v11 =	vor.u32 v15, v50;
	v17 =	vor.u32 v12, v51;
	v9 =	vld.idx.msk [tilespmem:v39+s10+$0x0], $0xffff  }
0x585: {  	s13 =	sor.u32 $0xC50, s3;
	v0 =	vor.u32 v13, v54;
	v60 =	vadd.s32 v8, v49;
	v55 =	vor.u32 v12, v11;
	v10 =	vld.idx.msk [tilespmem:v10+s10+$0x0], $0xffff  }
0x586: {  	v53 =	vadd.s32 v8, v4;
	v57 =	vadd.s32 v8, v6;
	v56 =	vld.idx.msk [tilespmem:v16+s10+$0x0], $0xffff;
	[tilespmem:s13+$0x200] =	vst v18  }
0x587: {  	s17 =	sor.u32 $0xC50, s4;
	v4 =	vor.u32 v5, v53;
	v58 =	vor.u32 v3, v57;
	v2 =	vld.idx.msk [tilespmem:v2+s10+$0x0], $0xffff;
	[tilespmem:s26+$0x200] =	vst v44  }
0x588: {  	s18 =	sor.u32 $0xC50, s1;
	v59 =	vadd.s32 v8, v52;
	v4 =	vor.u32 v13, v4;
	[tilespmem:s17+$0x200] =	vst v45;
	v7 =	vld.idx.msk [tilespmem:v48+s10+$0x0], $0xffff  }
0x589: {  	s19 =	sor.u32 $0xC60, s16;
	v8 =	vor.u32 v47, v60;
	v3 =	vor.u32 v13, v58;
	v61 =	vld.idx.msk [tilespmem:v17+s10+$0x0], $0xffff;
	[tilespmem:s18+$0x200] =	vst v9  }
0x58a: {  	v6 =	vor.u32 v15, v59;
	v8 =	vor.u32 v13, v8;
	[tilespmem:s19+$0x200] =	vst v10;
	v5 =	vld.idx.msk [tilespmem:v55+s10+$0x0], $0xffff  }
0x58b: {  	s20 =	sor.u32 $0xC60, s3;
	v6 =	vor.u32 v13, v6;
	v1 =	vld.idx.msk [tilespmem:v1+s10+$0x0], $0xffff;
	[tilespmem:s31+$0x200] =	vst v56  }
0x58c: {  	v0 =	vld.idx.msk [tilespmem:v0+s10+$0x0], $0xffff;
	[tilespmem:s20+$0x200] =	vst v2  }
0x58d: {  	s21 =	sor.u32 $0xC60, s4;
	v2 =	vld.idx.msk [tilespmem:v4+s10+$0x0], $0xffff;
	[tilespmem:s25+$0x200] =	vst v7  }
0x58e: {  	s22 =	sor.u32 $0xC60, s1;
	[tilespmem:s21+$0x200] =	vst v61;
	v3 =	vld.idx.msk [tilespmem:v3+s10+$0x0], $0xffff  }
0x58f: {  	s23 =	sor.u32 $0xC70, s16;
	v62 =	vld.idx.msk [tilespmem:v8+s10+$0x0], $0xffff;
	[tilespmem:s22+$0x200] =	vst v5  }
0x590: {  	[tilespmem:s23+$0x200] =	vst v1;
	v63 =	vld.idx.msk [tilespmem:v6+s10+$0x0], $0xffff  }
0x591: {  	[tilespmem:s30+$0x200] =	vst v0;
	s25 =	sor.u32 $0xC70, s3  }
0x592: {  	[tilespmem:s25+$0x200] =	vst v2  }
0x593: {  	s26 =	sor.u32 $0xC70, s4;
	[tilespmem:s24+$0x200] =	vst v3  }
0x594: {  	s28 =	sor.u32 $0xC70, s1;
	[tilespmem:s26+$0x200] =	vst v62  }
0x595: {  	[tilespmem:s28+$0x200] =	vst v63  }
0x596: {  	s7 =	simm.s32 $0x0;
	s29 =	simm.s32 $0x3;
	s0 =	rddreg [dreg:$0x15]  }
0x597: {  	[hbm4b:s0+s7] =	stream.linear.scatter [tilespmem:s9], [sflag:$0x3], $0x8000, $0x38;
	[tilespmem:$0x18200] =	vst v63  }
0x598: {  	_ =	swait.ge [sflag:s29], $0x8000  }
0x599: {  	[sflag:s29] =	ssyncset.done $0x0  }
0x59a: {  	[sflag:s29] =	ssyncadd.s32 $0xFFFF8000  }
0x59b: {  	_ =	swait.ge [sflag:s29], $0x8000  }
0x59c: {  	s30 =	rddreg [dreg:$0x17]  }
0x59d: {  	s31 =	rddreg [dreg:$0x16];
	s2 =	sadd.s32 $0x1, s30  }
0x59e: {  	p0 =	sne.s32 s2, s31  }
.Ltmp2:
0x59f: {  	_ = 	snop;
	(pc) =	sbr.rel @p0 .LBB2_1-.Ltmp2, $3  }
0x5a0: {  	_ =	sdelay $0x1  }
0x5a1: {  	[sflag:s29] =	ssyncset.done $0x0  }
0x5a2: {  	[sflag:s29] =	ssyncadd.s32 $0xFFFF8000  }
0x5a3: {  	_ =	sfence.sel $0x180000  }
0x5a4: {  	[bflag:$0x0] =	sbarrier.arrive $0xFFFF  }
0x5a5: {  	_ =	strace $0x90000047  }
0x5a6: {  	s0 =	stileid.u32;
	[bflag:$0x2] =	sbarrier.arrive $0xFFFF  }
0x5a7: {  	p0 =	sne.s32 s0, $0x0;
	s0 =	rddreg [dreg:$0x3]  }
0x5a8: {  	s0 =	sadd.s32 @!p0 $0x100000, s0  }
0x5a9: {  	[sflag:s0] =	ssyncadd.tile.s32 @!p0 $0x1;
	_ =	shalt  }
.Lfunc_end2:
_tile_overlayer_lowered:
.L_overlay_start_2:
0x5aa: {  	(tag) =	ssettag $0x2  }
0x5ab: {  	s0 =	rddreg [dreg:$0x0];
	s2 =	stileid.u32  }
0x5ac: {  	s1 =	rddreg [dreg:$0x1];
	p0 =	sne.s32 s2, $0x0  }
0x5ad: {  	s3 =	rddreg [dreg:$0x2];
	[bflag:$0x3] =	sbarrier.arrive $0xFFFF;
	s2 =	simm.s32 @!p0 $0x1C04  }
0x5ae: {  	[timem:s3], [sflag:s2] =	dma.local @!p0 [hbm:s0], s1  }
0x5af: {  	s0 =	simm.s32 @!p0 $0x4  }
0x5b0: {  	_ =	swait.ge @!p0 [sflag:s0], s1  }
0x5b1: {  	s1 =	ssub.s32 @!p0 $0x0, s1;
	[sflag:s0] =	ssyncset.done @!p0 $0x0  }
0x5b2: {  	[sflag:s0] =	ssyncadd.s32 @!p0 s1  }
0x5b3: {  	[bflag:$0x3] =	sbarrier.arrive $0xFFFF  }
0x5b4: {  	_ =	shalt  }

</sc_bundles>
